<compile_context>
chip_gen: v7x
topology: tpu7x:2x2x1
jax: 0.10.2.dev20260603
libtpu: 0.0.44.dev20260713+nightly
codegen_flags: <defaults>
</compile_context>

<pallas_src>
import functools

import jax
import jax.numpy as jnp
from jax import lax
from jax.experimental import pallas as pl
from jax.experimental.pallas import tpu as pltpu
from jax.experimental.pallas import tpu_sc as plsc

_N = 10000
_NE = 320000
_DIN = 128
_DH = 16
_DOUT = 128

_NPAD = 10240
_STRIPE = _NPAD // 16
_NCORES = 2
_NSUB = 16
_NW = _NCORES * _NSUB
_CHUNK = 128
_NB = 4
_K = 80
_KBUF = _K + _NB

_BM = 2048
_BM8 = _BM // 8
_NP8 = _NPAD // 8
_STR8 = _STRIPE // 8

_vmesh = plsc.VectorSubcoreMesh(core_axis_name="c", subcore_axis_name="s")



@functools.partial(
    pl.kernel,
    mesh=_vmesh,
    out_type=jax.ShapeDtypeStruct((_NCORES, _NP8, 128), jnp.float32),
    scratch_types=[
        pltpu.VMEM((_K, _CHUNK), jnp.int32),
        pltpu.VMEM((_K, _CHUNK), jnp.int32),
        pltpu.VMEM((2, _CHUNK, _DH), jnp.float32),
        pltpu.VMEM((_STR8, 128), jnp.float32),
        pltpu.VMEM((_STRIPE, _DH), jnp.float32),
        pltpu.VMEM_SHARED((_NPAD, _DH), jnp.float32),
        pltpu.VMEM_SHARED((_NPAD, _DH), jnp.float32),
        pltpu.SemaphoreType.DMA((2,)),
        pltpu.SemaphoreType.DMA,
    ],
    compiler_params=pltpu.CompilerParams(use_tc_tiling_on_sc=False),
)
def _prop(y_hbm, src_hbm, dst_hbm, out_hbm,
          src_v, dst_v, rows_v, pbuf_v, qbuf_v, y_sh, acc_sh, ssem, sem):
    c = lax.axis_index("c")
    s = lax.axis_index("s")
    w = c * _NSUB + s

    pltpu.async_copy(y_hbm.at[pl.ds(s * _STR8, _STR8)], pbuf_v, sem)
    pltpu.async_copy(src_hbm.at[w], src_v, sem)
    pltpu.async_copy(dst_hbm.at[w], dst_v, sem)
    pltpu.make_async_copy(y_hbm.at[pl.ds(s * _STR8, _STR8)], pbuf_v, sem).wait()

    @pl.loop(0, _STR8)
    def _(r):
        for k in range(8):
            qbuf_v[r * 8 + k, :] = pbuf_v[r, pl.ds(k * _DH, _DH)]

    pltpu.sync_copy(qbuf_v, y_sh.at[pl.ds(s * _STRIPE, _STRIPE)])

    @pl.loop(0, _STRIPE)
    def _(i):
        qbuf_v[i, :] = jnp.zeros((_DH,), jnp.float32)

    pltpu.sync_copy(qbuf_v, acc_sh.at[pl.ds(s * _STRIPE, _STRIPE)])
    pltpu.make_async_copy(src_hbm.at[w], src_v, sem).wait()
    pltpu.make_async_copy(dst_hbm.at[w], dst_v, sem).wait()
    plsc.subcore_barrier()

    for b in range(2):
        pltpu.sync_copy(y_sh.at[src_v.at[b]], rows_v.at[b])
        pltpu.async_copy(rows_v.at[b], acc_sh.at[dst_v.at[b]], ssem.at[b],
                         add=True)

    @pl.loop(2, _K, step=2)
    def _(j):
        for b in range(2):
            pltpu.make_async_copy(rows_v.at[b], acc_sh.at[dst_v.at[0]],
                                  ssem.at[b]).wait()
            pltpu.sync_copy(y_sh.at[src_v.at[j + b]], rows_v.at[b])
            pltpu.async_copy(rows_v.at[b], acc_sh.at[dst_v.at[j + b]],
                             ssem.at[b], add=True)

    for b in range(2):
        pltpu.make_async_copy(rows_v.at[b], acc_sh.at[dst_v.at[0]],
                              ssem.at[b]).wait()

    plsc.subcore_barrier()
    pltpu.sync_copy(acc_sh.at[pl.ds(s * _STRIPE, _STRIPE)], qbuf_v)

    @pl.loop(0, _STR8)
    def _(r):
        for k in range(8):
            pbuf_v[r, pl.ds(k * _DH, _DH)] = qbuf_v[r * 8 + k, :]

    pltpu.sync_copy(pbuf_v, out_hbm.at[c, pl.ds(s * _STR8, _STR8)])


@functools.partial(
    pl.kernel,
    mesh=_vmesh,
    out_type=jax.ShapeDtypeStruct((_NCORES, _NP8, 128), jnp.float32),
    scratch_types=[
        pltpu.VMEM((_K, _CHUNK), jnp.int32),
        pltpu.VMEM((_CHUNK, _DH), jnp.float32),
        pltpu.VMEM((_STR8, 128), jnp.float32),
        pltpu.VMEM((_STRIPE, _DH), jnp.float32),
        pltpu.VMEM_SHARED((_NPAD, _DH), jnp.float32),
        pltpu.SemaphoreType.DMA,
    ],
    compiler_params=pltpu.CompilerParams(use_tc_tiling_on_sc=False),
)
def _deg(dst_hbm, out_hbm, dst_v, ones_v, pbuf_v, qbuf_v, acc_sh, sem):
    c = lax.axis_index("c")
    s = lax.axis_index("s")
    w = c * _NSUB + s

    @pl.loop(0, _STRIPE)
    def _(i):
        qbuf_v[i, :] = jnp.zeros((_DH,), jnp.float32)

    @pl.loop(0, _CHUNK)
    def _(i):
        ones_v[i, :] = jnp.full((_DH,), 1.0, jnp.float32)

    pltpu.async_copy(dst_hbm.at[w], dst_v, sem).wait()
    pltpu.sync_copy(qbuf_v, acc_sh.at[pl.ds(s * _STRIPE, _STRIPE)])
    plsc.subcore_barrier()

    @pl.loop(0, _K)
    def _(j):
        pltpu.async_copy(ones_v, acc_sh.at[dst_v.at[j]], sem, add=True)

    @pl.loop(0, _K)
    def _(j):
        pltpu.make_async_copy(ones_v, acc_sh.at[dst_v.at[0]], sem).wait()

    plsc.subcore_barrier()
    pltpu.sync_copy(acc_sh.at[pl.ds(s * _STRIPE, _STRIPE)], qbuf_v)

    @pl.loop(0, _STR8)
    def _(r):
        for k in range(8):
            pbuf_v[r, pl.ds(k * _DH, _DH)] = qbuf_v[r * 8 + k, :]

    pltpu.sync_copy(pbuf_v, out_hbm.at[c, pl.ds(s * _STR8, _STR8)])



def _y1_body(degp_ref, x_ref, w_ref, dinvp_ref, y1p_ref):
    deg = degp_ref[0] + degp_ref[1] + 1.0
    dinvp = lax.rsqrt(deg)
    dinvp_ref[...] = dinvp
    xw = jnp.dot(x_ref[...], w_ref[...], preferred_element_type=jnp.float32)
    xwp = jnp.concatenate(
        [xw[_NP8 * k:_NP8 * (k + 1), :] for k in range(8)], axis=1)
    y1p_ref[...] = xwp * dinvp


def _tc_y1(degp, xpermp, w1):
    return pl.pallas_call(
        _y1_body,
        grid=(1,),
        in_specs=[pl.BlockSpec((_NCORES, _NP8, 128), lambda i: (0, 0, 0)),
                  pl.BlockSpec((_NPAD, _DIN), lambda i: (0, 0)),
                  pl.BlockSpec((_DIN, _DH), lambda i: (0, 0))],
        out_specs=[pl.BlockSpec((_NP8, 128), lambda i: (0, 0)),
                   pl.BlockSpec((_NP8, 128), lambda i: (0, 0))],
        out_shape=[jax.ShapeDtypeStruct((_NP8, 128), jnp.float32),
                   jax.ShapeDtypeStruct((_NP8, 128), jnp.float32)],
    )(degp, xpermp, w1)


def _h_body(acc_ref, y1p_ref, dinvp_ref, b1p_ref, y2p_ref):
    a = acc_ref[0] + acc_ref[1] + y1p_ref[...]
    h = jnp.maximum(a * dinvp_ref[...] + b1p_ref[...], 0.0)
    y2p_ref[...] = h * dinvp_ref[...]


def _tc_h(acc1, y1p, dinvp, b1p):
    return pl.pallas_call(
        _h_body,
        grid=(_NPAD // _BM,),
        in_specs=[pl.BlockSpec((_NCORES, _BM8, 128), lambda i: (0, i, 0)),
                  pl.BlockSpec((_BM8, 128), lambda i: (i, 0)),
                  pl.BlockSpec((_BM8, 128), lambda i: (i, 0)),
                  pl.BlockSpec((1, 128), lambda i: (0, 0))],
        out_specs=pl.BlockSpec((_BM8, 128), lambda i: (i, 0)),
        out_shape=jax.ShapeDtypeStruct((_NP8, 128), jnp.float32),
    )(acc1, y1p, dinvp, b1p)


def _out_body(acc_ref, y2p_ref, dinvp_ref, w2_ref, b2_ref, o_ref):
    pp = (acc_ref[0] + acc_ref[1] + y2p_ref[...]) * dinvp_ref[...]
    p = jnp.concatenate(
        [pp[:, _DH * k:_DH * (k + 1)] for k in range(8)], axis=0)
    o_ref[...] = jnp.dot(p, w2_ref[...],
                         preferred_element_type=jnp.float32) + b2_ref[...]


def _tc_out(acc2, y2p, dinvp, w2, b2r):
    return pl.pallas_call(
        _out_body,
        grid=(1,),
        in_specs=[pl.BlockSpec((_NCORES, _NP8, 128), lambda i: (0, 0, 0)),
                  pl.BlockSpec((_NP8, 128), lambda i: (0, 0)),
                  pl.BlockSpec((_NP8, 128), lambda i: (0, 0)),
                  pl.BlockSpec((_DH, _DOUT), lambda i: (0, 0)),
                  pl.BlockSpec((1, _DOUT), lambda i: (0, 0))],
        out_specs=pl.BlockSpec((_NPAD, _DOUT), lambda i: (0, 0)),
        out_shape=jax.ShapeDtypeStruct((_NPAD, _DOUT), jnp.float32),
    )(acc2, y2p, dinvp, w2, b2r)



def kernel(V, E, X, W1, b1, W2, b2):
    del V
    src = E[0]
    dst = E[1]
    fill = jnp.full((_NW * _K * _CHUNK - _NE,), _N, jnp.int32)
    dstp = jnp.concatenate([dst, fill]).reshape(_NW, _K, _CHUNK)
    srcp = jnp.concatenate([src, fill]).reshape(_NW, _K, _CHUNK)
    xp = jnp.pad(X, ((0, _NPAD - _N), (0, 0)))
    xperm = xp.reshape(_NP8, 8, _DIN).transpose(1, 0, 2).reshape(_NPAD, _DIN)
    b1p = jnp.tile(b1, 8).reshape(1, 128)

    degp = _deg(dstp)
    dinvp, y1p = _tc_y1(degp, xperm, W1)
    acc1p = _prop(y1p, srcp, dstp)
    y2p = _tc_h(acc1p, y1p, dinvp, b1p)
    acc2p = _prop(y2p, srcp, dstp)
    outperm = _tc_out(acc2p, y2p, dinvp, W2, b2.reshape(1, _DOUT))
    out = outperm.reshape(8, _NP8, _DOUT).transpose(1, 0, 2).reshape(
        _NPAD, _DOUT)
    return out[:_N]

# --- scband reference (transcript-rebuilt; emitter-appended) ---
"""Pipeline reference for scband-gcn-2-paper-3246995276083 (READ-ONLY COPY).

The authoritative reference and input builder live on the scoring server;
editing this copy changes nothing except your own understanding.
"""

import jax, jax.numpy as jnp
import numpy as np

N = 10000
NE = 320000
DIN = 128
DH = 16
DOUT = 128


def setup_inputs(seed: int = 0) -> dict:
    key = jax.random.key(seed)
    ks = jax.random.split(key, 5)
    V = jnp.arange(N, dtype=jnp.int32)
    E = jax.random.randint(ks[0], (2, NE), 0, N, dtype=jnp.int32)
    X = jax.random.normal(ks[1], (N, DIN), dtype=jnp.float32)
    s1 = 1.0 / np.sqrt(DIN)
    s2 = 1.0 / np.sqrt(DH)
    W1 = jax.random.uniform(ks[2], (DIN, DH), minval=-s1, maxval=s1, dtype=jnp.float32)
    b1 = jnp.zeros((DH,), dtype=jnp.float32)
    W2 = jax.random.uniform(ks[3], (DH, DOUT), minval=-s2, maxval=s2, dtype=jnp.float32)
    b2 = jnp.zeros((DOUT,), dtype=jnp.float32)
    return {"V": V, "E": E, "X": X, "W1": W1, "b1": b1, "W2": W2, "b2": b2}


def _gcn_layer(E, X, W, b, n):
    # Kipf-Welling GCN layer: D^{-1/2} (A + I) D^{-1/2} X W + b
    src = E[0]
    dst = E[1]
    loop = jnp.arange(n, dtype=src.dtype)
    src = jnp.concatenate([src, loop])
    dst = jnp.concatenate([dst, loop])
    deg = jnp.zeros((n,), dtype=X.dtype).at[dst].add(1.0)
    dinv = jnp.where(deg > 0, 1.0 / jnp.sqrt(deg), 0.0)
    norm = dinv[src] * dinv[dst]
    XW = X @ W
    msg = jnp.take(XW, src, axis=0) * norm[:, None]
    out = jax.ops.segment_sum(msg, dst, num_segments=n) + b
    return out


def reference(V, E, X, W1, b1, W2, b2):
    n = X.shape[0]
    H = jax.nn.relu(_gcn_layer(E, X, W1, b1, n))
    # dropout is identity in eval mode
    H = _gcn_layer(E, H, W2, b2, n)
    return H

if __name__ == "__main__":
    import jax
    _d = setup_inputs()
    print(jax.jit(kernel)(*tuple(_d.values())))

</pallas_src>

<mosaic_0001>
#map = affine_map<(d0, d1) -> (0, 0, 0)>
module attributes {stable_mosaic.version = 14 : i64} {
  func.func @_deg(%arg0: i32, %arg1: i32, %arg2: memref<32x80x128xi32, #tpu.memory_space<hbm>>, %arg3: memref<2x1280x128xf32, #tpu.memory_space<hbm>>, %arg4: memref<80x128xi32, #tpu.memory_space<vmem>>, %arg5: memref<128x16xf32, #tpu.memory_space<vmem>>, %arg6: memref<80x128xf32, #tpu.memory_space<vmem>>, %arg7: memref<640x16xf32, #tpu.memory_space<vmem>>, %arg8: memref<10240x16xf32, #tpu.memory_space<vmem_shared>>, %arg9: memref<!tpu.dma_semaphore, #tpu.memory_space<semaphore_mem>>) attributes {dimension_semantics = [#tpu.dimension_semantics<core_parallel>, #tpu.dimension_semantics<subcore_parallel>], iteration_bounds = array<i64: 2, 16>, scalar_prefetch = 0 : i64, scratch_operands = 6 : i64, tpu.core_type = #tpu.core_type<sc_vector_subcore>, window_params = [{transform_indices = #map}, {transform_indices = #map}]} {
    %mul3A = arith.constant 16 : i32
    %mul3A_0 = arith.muli %arg0, %mul3A : i32
    %add3A = arith.addi %mul3A_0, %arg1 : i32
    %scan3A = arith.constant 0 : i32
    %scan3A_1 = arith.constant 640 : i32
    %scan3A_2 = arith.addi %scan3A, %scan3A_1 : i32
    %scan3A_3 = arith.constant 1 : i32
    scf.for %scan3A_46 = %scan3A to %scan3A_2 step %scan3A_3  : i32 {
      %mul3A_47 = arith.constant 1 : i32
      %mul3A_48 = arith.muli %scan3A_46, %mul3A_47 : i32
      %add3A_49 = arith.constant 0 : i32
      %add3A_50 = arith.addi %add3A_49, %mul3A_48 : i32
      %broadcast_in_dim3A = arith.constant 0.000000e+00 : f32
      %broadcast_in_dim3A_51 = vector.broadcast %broadcast_in_dim3A : f32 to vector<16xf32>
      %swap3A = arith.index_cast %add3A_50 : i32 to index
      %swap3A_52 = arith.constant 0 : index
      %swap3A_53 = tpu.vector_load %arg7[%swap3A, %swap3A_52] {strides = array<i32>} : memref<640x16xf32, #tpu.memory_space<vmem>>, vector<1x16xf32>,
      %swap3A_54 = vector.shape_cast %swap3A_53 : vector<1x16xf32> to vector<16xf32>
      %swap3A_55 = vector.shape_cast %broadcast_in_dim3A_51 : vector<16xf32> to vector<1x16xf32>
      tpu.vector_store %arg7[%swap3A, %swap3A_52], %swap3A_55 {strides = array<i32>} : memref<640x16xf32, #tpu.memory_space<vmem>>, vector<1x16xf32>,
    }
    %scan3A_4 = arith.constant 640 : i32
    %scan3A_5 = arith.constant 0 : i32
    %scan3A_6 = arith.constant 128 : i32
    %scan3A_7 = arith.addi %scan3A_5, %scan3A_6 : i32
    %scan3A_8 = arith.constant 1 : i32
    scf.for %scan3A_46 = %scan3A_5 to %scan3A_7 step %scan3A_8  : i32 {
      %mul3A_47 = arith.constant 1 : i32
      %mul3A_48 = arith.muli %scan3A_46, %mul3A_47 : i32
      %add3A_49 = arith.constant 0 : i32
      %add3A_50 = arith.addi %add3A_49, %mul3A_48 : i32
      %broadcast_in_dim3A = arith.constant 1.000000e+00 : f32
      %broadcast_in_dim3A_51 = vector.broadcast %broadcast_in_dim3A : f32 to vector<16xf32>
      %swap3A = arith.index_cast %add3A_50 : i32 to index
      %swap3A_52 = arith.constant 0 : index
      %swap3A_53 = tpu.vector_load %arg5[%swap3A, %swap3A_52] {strides = array<i32>} : memref<128x16xf32, #tpu.memory_space<vmem>>, vector<1x16xf32>,
      %swap3A_54 = vector.shape_cast %swap3A_53 : vector<1x16xf32> to vector<16xf32>
      %swap3A_55 = vector.shape_cast %broadcast_in_dim3A_51 : vector<16xf32> to vector<1x16xf32>
      tpu.vector_store %arg5[%swap3A, %swap3A_52], %swap3A_55 {strides = array<i32>} : memref<128x16xf32, #tpu.memory_space<vmem>>, vector<1x16xf32>,
    }
    %scan3A_9 = arith.constant 128 : i32
    %dma_start3A = arith.constant 0 : i32
    %dma_start3A_10 = arith.constant 0 : i32
    %dma_start3A_11 = tpu.memref_slice %arg2[%add3A, %dma_start3A, %dma_start3A_10] : memref<32x80x128xi32, #tpu.memory_space<hbm>> -> memref<1x80x128xi32, #tpu.memory_space<hbm>>
    %dma_start3A_12 = tpu.memref_squeeze %dma_start3A_11 : memref<1x80x128xi32, #tpu.memory_space<hbm>> -> memref<80x128xi32, #tpu.memory_space<hbm>>
    %dma_start3A_13 = arith.constant 0 : i32
    %dma_start3A_14 = arith.constant 0 : i32
    %dma_start3A_15 = tpu.memref_slice %arg2[%add3A, %dma_start3A_13, %dma_start3A_14] : memref<32x80x128xi32, #tpu.memory_space<hbm>> -> memref<1x80x128xi32, #tpu.memory_space<hbm>>
    %dma_start3A_16 = tpu.memref_squeeze %dma_start3A_15 : memref<1x80x128xi32, #tpu.memory_space<hbm>> -> memref<80x128xi32, #tpu.memory_space<hbm>>
    tpu.enqueue_dma source(%dma_start3A_16 : memref<80x128xi32, #tpu.memory_space<hbm>>) target(%arg4 : memref<80x128xi32, #tpu.memory_space<vmem>>) target_semaphore(%arg9 : memref<!tpu.dma_semaphore, #tpu.memory_space<semaphore_mem>>)
    %dma_wait3A = arith.constant 0 : i32
    %dma_wait3A_17 = arith.constant 0 : i32
    %dma_wait3A_18 = tpu.memref_slice %arg2[%add3A, %dma_wait3A, %dma_wait3A_17] : memref<32x80x128xi32, #tpu.memory_space<hbm>> -> memref<1x80x128xi32, #tpu.memory_space<hbm>>
    %dma_wait3A_19 = tpu.memref_squeeze %dma_wait3A_18 : memref<1x80x128xi32, #tpu.memory_space<hbm>> -> memref<80x128xi32, #tpu.memory_space<hbm>>
    %dma_wait3A_20 = arith.constant 0 : i32
    %dma_wait3A_21 = arith.constant 0 : i32
    %dma_wait3A_22 = tpu.memref_slice %arg2[%add3A, %dma_wait3A_20, %dma_wait3A_21] : memref<32x80x128xi32, #tpu.memory_space<hbm>> -> memref<1x80x128xi32, #tpu.memory_space<hbm>>
    %dma_wait3A_23 = tpu.memref_squeeze %dma_wait3A_22 : memref<1x80x128xi32, #tpu.memory_space<hbm>> -> memref<80x128xi32, #tpu.memory_space<hbm>>
    tpu.wait_dma2 semaphore(%arg9 : memref<!tpu.dma_semaphore, #tpu.memory_space<semaphore_mem>>) src(%dma_wait3A_23 : memref<80x128xi32, #tpu.memory_space<hbm>>) dst(%arg4 : memref<80x128xi32, #tpu.memory_space<vmem>>)
    %mul3A_24 = arith.constant 640 : i32
    %mul3A_25 = arith.muli %arg1, %mul3A_24 : i32
    "tpu.region"() ({
      %run_scoped3A = tpu.sem_alloc : memref<!tpu.dma_semaphore, #tpu.memory_space<semaphore_mem>>
      %dma_start3A_46 = arith.constant 0 : i32
      %dma_start3A_47 = tpu.memref_slice %arg8[%mul3A_25, %dma_start3A_46] : memref<10240x16xf32, #tpu.memory_space<vmem_shared>> -> memref<640x16xf32, #tpu.memory_space<vmem_shared>>
      %dma_start3A_48 = arith.constant 0 : i32
      %dma_start3A_49 = tpu.memref_slice %arg8[%mul3A_25, %dma_start3A_48] : memref<10240x16xf32, #tpu.memory_space<vmem_shared>> -> memref<640x16xf32, #tpu.memory_space<vmem_shared>>
      tpu.enqueue_dma source(%arg7 : memref<640x16xf32, #tpu.memory_space<vmem>>) target(%dma_start3A_49 : memref<640x16xf32, #tpu.memory_space<vmem_shared>>) target_semaphore(%run_scoped3A : memref<!tpu.dma_semaphore, #tpu.memory_space<semaphore_mem>>)
      %dma_wait3A_50 = arith.constant 0 : i32
      %dma_wait3A_51 = tpu.memref_slice %arg8[%mul3A_25, %dma_wait3A_50] : memref<10240x16xf32, #tpu.memory_space<vmem_shared>> -> memref<640x16xf32, #tpu.memory_space<vmem_shared>>
      %dma_wait3A_52 = arith.constant 0 : i32
      %dma_wait3A_53 = tpu.memref_slice %arg8[%mul3A_25, %dma_wait3A_52] : memref<10240x16xf32, #tpu.memory_space<vmem_shared>> -> memref<640x16xf32, #tpu.memory_space<vmem_shared>>
      tpu.wait_dma2 semaphore(%run_scoped3A : memref<!tpu.dma_semaphore, #tpu.memory_space<semaphore_mem>>) src(%arg7 : memref<640x16xf32, #tpu.memory_space<vmem>>) dst(%dma_wait3A_53 : memref<640x16xf32, #tpu.memory_space<vmem_shared>>)
      tpu.yield
    }) : () -> ()
    %barrier3A = arith.constant 0 : index
    tpu.barrier barrier_id(%barrier3A)
    %scan3A_26 = arith.constant 0 : i32
    %scan3A_27 = arith.constant 80 : i32
    %scan3A_28 = arith.addi %scan3A_26, %scan3A_27 : i32
    %scan3A_29 = arith.constant 1 : i32
    scf.for %scan3A_46 = %scan3A_26 to %scan3A_28 step %scan3A_29  : i32 {
      %mul3A_47 = arith.constant 1 : i32
      %mul3A_48 = arith.muli %scan3A_46, %mul3A_47 : i32
      %add3A_49 = arith.constant 0 : i32
      %add3A_50 = arith.addi %add3A_49, %mul3A_48 : i32
      %dma_start3A_51 = arith.constant 0 : i32
      %dma_start3A_52 = tpu.memref_slice %arg4[%add3A_50, %dma_start3A_51] : memref<80x128xi32, #tpu.memory_space<vmem>> -> memref<1x128xi32, #tpu.memory_space<vmem>>
      %dma_start3A_53 = tpu.memref_squeeze %dma_start3A_52 : memref<1x128xi32, #tpu.memory_space<vmem>> -> memref<128xi32, #tpu.memory_space<vmem>>
      %dma_start3A_54 = arith.constant 0 : i32
      %dma_start3A_55 = arith.constant 0 : i32
      %dma_start3A_56 = tpu.memref_slice %arg8[%dma_start3A_54, %dma_start3A_55] : memref<10240x16xf32, #tpu.memory_space<vmem_shared>> -> memref<10240x16xf32, #tpu.memory_space<vmem_shared>>
      tpu.enqueue_indirect_dma source(%arg5 : memref<128x16xf32, #tpu.memory_space<vmem>>) target(%dma_start3A_56 : memref<10240x16xf32, #tpu.memory_space<vmem_shared>>) offsets(%dma_start3A_53 : memref<128xi32, #tpu.memory_space<vmem>>) semaphore(%arg9 : memref<!tpu.dma_semaphore, #tpu.memory_space<semaphore_mem>>) {add = true}
    }
    %scan3A_30 = arith.constant 80 : i32
    %scan3A_31 = arith.constant 0 : i32
    %scan3A_32 = arith.constant 80 : i32
    %scan3A_33 = arith.addi %scan3A_31, %scan3A_32 : i32
    %scan3A_34 = arith.constant 1 : i32
    scf.for %scan3A_46 = %scan3A_31 to %scan3A_33 step %scan3A_34  : i32 {
      %mul3A_47 = arith.constant 1 : i32
      %mul3A_48 = arith.muli %scan3A_46, %mul3A_47 : i32
      %add3A_49 = arith.constant 0 : i32
      %add3A_50 = arith.addi %add3A_49, %mul3A_48 : i32
      %dma_wait3A_51 = arith.constant 0 : i32
      %dma_wait3A_52 = arith.constant 0 : i32
      %dma_wait3A_53 = tpu.memref_slice %arg4[%dma_wait3A_51, %dma_wait3A_52] : memref<80x128xi32, #tpu.memory_space<vmem>> -> memref<1x128xi32, #tpu.memory_space<vmem>>
      %dma_wait3A_54 = tpu.memref_squeeze %dma_wait3A_53 : memref<1x128xi32, #tpu.memory_space<vmem>> -> memref<128xi32, #tpu.memory_space<vmem>>
      %dma_wait3A_55 = arith.constant 0 : i32
      %dma_wait3A_56 = arith.constant 0 : i32
      %dma_wait3A_57 = tpu.memref_slice %arg8[%dma_wait3A_55, %dma_wait3A_56] : memref<10240x16xf32, #tpu.memory_space<vmem_shared>> -> memref<10240x16xf32, #tpu.memory_space<vmem_shared>>
      tpu.wait_indirect_dma semaphore(%arg9 : memref<!tpu.dma_semaphore, #tpu.memory_space<semaphore_mem>>) src(%arg5 : memref<128x16xf32, #tpu.memory_space<vmem>>) dst(%dma_wait3A_57 : memref<10240x16xf32, #tpu.memory_space<vmem_shared>>)
    }
    %scan3A_35 = arith.constant 80 : i32
    %barrier3A_36 = arith.constant 0 : index
    tpu.barrier barrier_id(%barrier3A_36)
    %mul3A_37 = arith.constant 640 : i32
    %mul3A_38 = arith.muli %arg1, %mul3A_37 : i32
    "tpu.region"() ({
      %run_scoped3A = tpu.sem_alloc : memref<!tpu.dma_semaphore, #tpu.memory_space<semaphore_mem>>
      %dma_start3A_46 = arith.constant 0 : i32
      %dma_start3A_47 = tpu.memref_slice %arg8[%mul3A_38, %dma_start3A_46] : memref<10240x16xf32, #tpu.memory_space<vmem_shared>> -> memref<640x16xf32, #tpu.memory_space<vmem_shared>>
      %dma_start3A_48 = arith.constant 0 : i32
      %dma_start3A_49 = tpu.memref_slice %arg8[%mul3A_38, %dma_start3A_48] : memref<10240x16xf32, #tpu.memory_space<vmem_shared>> -> memref<640x16xf32, #tpu.memory_space<vmem_shared>>
      tpu.enqueue_dma source(%dma_start3A_49 : memref<640x16xf32, #tpu.memory_space<vmem_shared>>) target(%arg7 : memref<640x16xf32, #tpu.memory_space<vmem>>) target_semaphore(%run_scoped3A : memref<!tpu.dma_semaphore, #tpu.memory_space<semaphore_mem>>)
      %dma_wait3A_50 = arith.constant 0 : i32
      %dma_wait3A_51 = tpu.memref_slice %arg8[%mul3A_38, %dma_wait3A_50] : memref<10240x16xf32, #tpu.memory_space<vmem_shared>> -> memref<640x16xf32, #tpu.memory_space<vmem_shared>>
      %dma_wait3A_52 = arith.constant 0 : i32
      %dma_wait3A_53 = tpu.memref_slice %arg8[%mul3A_38, %dma_wait3A_52] : memref<10240x16xf32, #tpu.memory_space<vmem_shared>> -> memref<640x16xf32, #tpu.memory_space<vmem_shared>>
      tpu.wait_dma2 semaphore(%run_scoped3A : memref<!tpu.dma_semaphore, #tpu.memory_space<semaphore_mem>>) src(%dma_wait3A_53 : memref<640x16xf32, #tpu.memory_space<vmem_shared>>) dst(%arg7 : memref<640x16xf32, #tpu.memory_space<vmem>>)
      tpu.yield
    }) : () -> ()
    %scan3A_39 = arith.constant 0 : i32
    %scan3A_40 = arith.constant 80 : i32
    %scan3A_41 = arith.addi %scan3A_39, %scan3A_40 : i32
    %scan3A_42 = arith.constant 1 : i32
    scf.for %scan3A_46 = %scan3A_39 to %scan3A_41 step %scan3A_42  : i32 {
      %mul3A_47 = arith.constant 1 : i32
      %mul3A_48 = arith.muli %scan3A_46, %mul3A_47 : i32
      %add3A_49 = arith.constant 0 : i32
      %add3A_50 = arith.addi %add3A_49, %mul3A_48 : i32
      %mul3A_51 = arith.constant 8 : i32
      %mul3A_52 = arith.muli %add3A_50, %mul3A_51 : i32
      %add3A_53 = arith.constant 0 : i32
      %add3A_54 = arith.addi %mul3A_52, %add3A_53 : i32
      %get3A = arith.index_cast %add3A_54 : i32 to index
      %get3A_55 = arith.constant 0 : index
      %get3A_56 = tpu.vector_load %arg7[%get3A, %get3A_55] {strides = array<i32>} : memref<640x16xf32, #tpu.memory_space<vmem>>, vector<1x16xf32>,
      %get3A_57 = vector.shape_cast %get3A_56 : vector<1x16xf32> to vector<16xf32>
      %swap3A = arith.index_cast %add3A_50 : i32 to index
      %swap3A_58 = arith.constant 0 : index
      %swap3A_59 = tpu.vector_load %arg6[%swap3A, %swap3A_58] {strides = array<i32>} : memref<80x128xf32, #tpu.memory_space<vmem>>, vector<1x16xf32>,
      %swap3A_60 = vector.shape_cast %swap3A_59 : vector<1x16xf32> to vector<16xf32>
      %swap3A_61 = vector.shape_cast %get3A_57 : vector<16xf32> to vector<1x16xf32>
      tpu.vector_store %arg6[%swap3A, %swap3A_58], %swap3A_61 {strides = array<i32>} : memref<80x128xf32, #tpu.memory_space<vmem>>, vector<1x16xf32>,
      %mul3A_62 = arith.constant 8 : i32
      %mul3A_63 = arith.muli %add3A_50, %mul3A_62 : i32
      %add3A_64 = arith.constant 1 : i32
      %add3A_65 = arith.addi %mul3A_63, %add3A_64 : i32
      %get3A_66 = arith.index_cast %add3A_65 : i32 to index
      %get3A_67 = arith.constant 0 : index
      %get3A_68 = tpu.vector_load %arg7[%get3A_66, %get3A_67] {strides = array<i32>} : memref<640x16xf32, #tpu.memory_space<vmem>>, vector<1x16xf32>,
      %get3A_69 = vector.shape_cast %get3A_68 : vector<1x16xf32> to vector<16xf32>
      %swap3A_70 = arith.index_cast %add3A_50 : i32 to index
      %swap3A_71 = arith.constant 16 : index
      %swap3A_72 = tpu.vector_load %arg6[%swap3A_70, %swap3A_71] {strides = array<i32>} : memref<80x128xf32, #tpu.memory_space<vmem>>, vector<1x16xf32>,
      %swap3A_73 = vector.shape_cast %swap3A_72 : vector<1x16xf32> to vector<16xf32>
      %swap3A_74 = vector.shape_cast %get3A_69 : vector<16xf32> to vector<1x16xf32>
      tpu.vector_store %arg6[%swap3A_70, %swap3A_71], %swap3A_74 {strides = array<i32>} : memref<80x128xf32, #tpu.memory_space<vmem>>, vector<1x16xf32>,
      %mul3A_75 = arith.constant 8 : i32
      %mul3A_76 = arith.muli %add3A_50, %mul3A_75 : i32
      %add3A_77 = arith.constant 2 : i32
      %add3A_78 = arith.addi %mul3A_76, %add3A_77 : i32
      %get3A_79 = arith.index_cast %add3A_78 : i32 to index
      %get3A_80 = arith.constant 0 : index
      %get3A_81 = tpu.vector_load %arg7[%get3A_79, %get3A_80] {strides = array<i32>} : memref<640x16xf32, #tpu.memory_space<vmem>>, vector<1x16xf32>,
      %get3A_82 = vector.shape_cast %get3A_81 : vector<1x16xf32> to vector<16xf32>
      %swap3A_83 = arith.index_cast %add3A_50 : i32 to index
      %swap3A_84 = arith.constant 32 : index
      %swap3A_85 = tpu.vector_load %arg6[%swap3A_83, %swap3A_84] {strides = array<i32>} : memref<80x128xf32, #tpu.memory_space<vmem>>, vector<1x16xf32>,
      %swap3A_86 = vector.shape_cast %swap3A_85 : vector<1x16xf32> to vector<16xf32>
      %swap3A_87 = vector.shape_cast %get3A_82 : vector<16xf32> to vector<1x16xf32>
      tpu.vector_store %arg6[%swap3A_83, %swap3A_84], %swap3A_87 {strides = array<i32>} : memref<80x128xf32, #tpu.memory_space<vmem>>, vector<1x16xf32>,
      %mul3A_88 = arith.constant 8 : i32
      %mul3A_89 = arith.muli %add3A_50, %mul3A_88 : i32
      %add3A_90 = arith.constant 3 : i32
      %add3A_91 = arith.addi %mul3A_89, %add3A_90 : i32
      %get3A_92 = arith.index_cast %add3A_91 : i32 to index
      %get3A_93 = arith.constant 0 : index
      %get3A_94 = tpu.vector_load %arg7[%get3A_92, %get3A_93] {strides = array<i32>} : memref<640x16xf32, #tpu.memory_space<vmem>>, vector<1x16xf32>,
      %get3A_95 = vector.shape_cast %get3A_94 : vector<1x16xf32> to vector<16xf32>
      %swap3A_96 = arith.index_cast %add3A_50 : i32 to index
      %swap3A_97 = arith.constant 48 : index
      %swap3A_98 = tpu.vector_load %arg6[%swap3A_96, %swap3A_97] {strides = array<i32>} : memref<80x128xf32, #tpu.memory_space<vmem>>, vector<1x16xf32>,
      %swap3A_99 = vector.shape_cast %swap3A_98 : vector<1x16xf32> to vector<16xf32>
      %swap3A_100 = vector.shape_cast %get3A_95 : vector<16xf32> to vector<1x16xf32>
      tpu.vector_store %arg6[%swap3A_96, %swap3A_97], %swap3A_100 {strides = array<i32>} : memref<80x128xf32, #tpu.memory_space<vmem>>, vector<1x16xf32>,
      %mul3A_101 = arith.constant 8 : i32
      %mul3A_102 = arith.muli %add3A_50, %mul3A_101 : i32
      %add3A_103 = arith.constant 4 : i32
      %add3A_104 = arith.addi %mul3A_102, %add3A_103 : i32
      %get3A_105 = arith.index_cast %add3A_104 : i32 to index
      %get3A_106 = arith.constant 0 : index
      %get3A_107 = tpu.vector_load %arg7[%get3A_105, %get3A_106] {strides = array<i32>} : memref<640x16xf32, #tpu.memory_space<vmem>>, vector<1x16xf32>,
      %get3A_108 = vector.shape_cast %get3A_107 : vector<1x16xf32> to vector<16xf32>
      %swap3A_109 = arith.index_cast %add3A_50 : i32 to index
      %swap3A_110 = arith.constant 64 : index
      %swap3A_111 = tpu.vector_load %arg6[%swap3A_109, %swap3A_110] {strides = array<i32>} : memref<80x128xf32, #tpu.memory_space<vmem>>, vector<1x16xf32>,
      %swap3A_112 = vector.shape_cast %swap3A_111 : vector<1x16xf32> to vector<16xf32>
      %swap3A_113 = vector.shape_cast %get3A_108 : vector<16xf32> to vector<1x16xf32>
      tpu.vector_store %arg6[%swap3A_109, %swap3A_110], %swap3A_113 {strides = array<i32>} : memref<80x128xf32, #tpu.memory_space<vmem>>, vector<1x16xf32>,
      %mul3A_114 = arith.constant 8 : i32
      %mul3A_115 = arith.muli %add3A_50, %mul3A_114 : i32
      %add3A_116 = arith.constant 5 : i32
      %add3A_117 = arith.addi %mul3A_115, %add3A_116 : i32
      %get3A_118 = arith.index_cast %add3A_117 : i32 to index
      %get3A_119 = arith.constant 0 : index
      %get3A_120 = tpu.vector_load %arg7[%get3A_118, %get3A_119] {strides = array<i32>} : memref<640x16xf32, #tpu.memory_space<vmem>>, vector<1x16xf32>,
      %get3A_121 = vector.shape_cast %get3A_120 : vector<1x16xf32> to vector<16xf32>
      %swap3A_122 = arith.index_cast %add3A_50 : i32 to index
      %swap3A_123 = arith.constant 80 : index
      %swap3A_124 = tpu.vector_load %arg6[%swap3A_122, %swap3A_123] {strides = array<i32>} : memref<80x128xf32, #tpu.memory_space<vmem>>, vector<1x16xf32>,
      %swap3A_125 = vector.shape_cast %swap3A_124 : vector<1x16xf32> to vector<16xf32>
      %swap3A_126 = vector.shape_cast %get3A_121 : vector<16xf32> to vector<1x16xf32>
      tpu.vector_store %arg6[%swap3A_122, %swap3A_123], %swap3A_126 {strides = array<i32>} : memref<80x128xf32, #tpu.memory_space<vmem>>, vector<1x16xf32>,
      %mul3A_127 = arith.constant 8 : i32
      %mul3A_128 = arith.muli %add3A_50, %mul3A_127 : i32
      %add3A_129 = arith.constant 6 : i32
      %add3A_130 = arith.addi %mul3A_128, %add3A_129 : i32
      %get3A_131 = arith.index_cast %add3A_130 : i32 to index
      %get3A_132 = arith.constant 0 : index
      %get3A_133 = tpu.vector_load %arg7[%get3A_131, %get3A_132] {strides = array<i32>} : memref<640x16xf32, #tpu.memory_space<vmem>>, vector<1x16xf32>,
      %get3A_134 = vector.shape_cast %get3A_133 : vector<1x16xf32> to vector<16xf32>
      %swap3A_135 = arith.index_cast %add3A_50 : i32 to index
      %swap3A_136 = arith.constant 96 : index
      %swap3A_137 = tpu.vector_load %arg6[%swap3A_135, %swap3A_136] {strides = array<i32>} : memref<80x128xf32, #tpu.memory_space<vmem>>, vector<1x16xf32>,
      %swap3A_138 = vector.shape_cast %swap3A_137 : vector<1x16xf32> to vector<16xf32>
      %swap3A_139 = vector.shape_cast %get3A_134 : vector<16xf32> to vector<1x16xf32>
      tpu.vector_store %arg6[%swap3A_135, %swap3A_136], %swap3A_139 {strides = array<i32>} : memref<80x128xf32, #tpu.memory_space<vmem>>, vector<1x16xf32>,
      %mul3A_140 = arith.constant 8 : i32
      %mul3A_141 = arith.muli %add3A_50, %mul3A_140 : i32
      %add3A_142 = arith.constant 7 : i32
      %add3A_143 = arith.addi %mul3A_141, %add3A_142 : i32
      %get3A_144 = arith.index_cast %add3A_143 : i32 to index
      %get3A_145 = arith.constant 0 : index
      %get3A_146 = tpu.vector_load %arg7[%get3A_144, %get3A_145] {strides = array<i32>} : memref<640x16xf32, #tpu.memory_space<vmem>>, vector<1x16xf32>,
      %get3A_147 = vector.shape_cast %get3A_146 : vector<1x16xf32> to vector<16xf32>
      %swap3A_148 = arith.index_cast %add3A_50 : i32 to index
      %swap3A_149 = arith.constant 112 : index
      %swap3A_150 = tpu.vector_load %arg6[%swap3A_148, %swap3A_149] {strides = array<i32>} : memref<80x128xf32, #tpu.memory_space<vmem>>, vector<1x16xf32>,
      %swap3A_151 = vector.shape_cast %swap3A_150 : vector<1x16xf32> to vector<16xf32>
      %swap3A_152 = vector.shape_cast %get3A_147 : vector<16xf32> to vector<1x16xf32>
      tpu.vector_store %arg6[%swap3A_148, %swap3A_149], %swap3A_152 {strides = array<i32>} : memref<80x128xf32, #tpu.memory_space<vmem>>, vector<1x16xf32>,
    }
    %scan3A_43 = arith.constant 80 : i32
    %mul3A_44 = arith.constant 80 : i32
    %mul3A_45 = arith.muli %arg1, %mul3A_44 : i32
    "tpu.region"() ({
      %run_scoped3A = tpu.sem_alloc : memref<!tpu.dma_semaphore, #tpu.memory_space<semaphore_mem>>
      %dma_start3A_46 = arith.constant 0 : i32
      %dma_start3A_47 = tpu.memref_slice %arg3[%arg0, %mul3A_45, %dma_start3A_46] : memref<2x1280x128xf32, #tpu.memory_space<hbm>> -> memref<1x80x128xf32, #tpu.memory_space<hbm>>
      %dma_start3A_48 = tpu.memref_squeeze %dma_start3A_47 : memref<1x80x128xf32, #tpu.memory_space<hbm>> -> memref<80x128xf32, #tpu.memory_space<hbm>>
      %dma_start3A_49 = arith.constant 0 : i32
      %dma_start3A_50 = tpu.memref_slice %arg3[%arg0, %mul3A_45, %dma_start3A_49] : memref<2x1280x128xf32, #tpu.memory_space<hbm>> -> memref<1x80x128xf32, #tpu.memory_space<hbm>>
      %dma_start3A_51 = tpu.memref_squeeze %dma_start3A_50 : memref<1x80x128xf32, #tpu.memory_space<hbm>> -> memref<80x128xf32, #tpu.memory_space<hbm>>
      tpu.enqueue_dma source(%arg6 : memref<80x128xf32, #tpu.memory_space<vmem>>) target(%dma_start3A_51 : memref<80x128xf32, #tpu.memory_space<hbm>>) target_semaphore(%run_scoped3A : memref<!tpu.dma_semaphore, #tpu.memory_space<semaphore_mem>>)
      %dma_wait3A_52 = arith.constant 0 : i32
      %dma_wait3A_53 = tpu.memref_slice %arg3[%arg0, %mul3A_45, %dma_wait3A_52] : memref<2x1280x128xf32, #tpu.memory_space<hbm>> -> memref<1x80x128xf32, #tpu.memory_space<hbm>>
      %dma_wait3A_54 = tpu.memref_squeeze %dma_wait3A_53 : memref<1x80x128xf32, #tpu.memory_space<hbm>> -> memref<80x128xf32, #tpu.memory_space<hbm>>
      %dma_wait3A_55 = arith.constant 0 : i32
      %dma_wait3A_56 = tpu.memref_slice %arg3[%arg0, %mul3A_45, %dma_wait3A_55] : memref<2x1280x128xf32, #tpu.memory_space<hbm>> -> memref<1x80x128xf32, #tpu.memory_space<hbm>>
      %dma_wait3A_57 = tpu.memref_squeeze %dma_wait3A_56 : memref<1x80x128xf32, #tpu.memory_space<hbm>> -> memref<80x128xf32, #tpu.memory_space<hbm>>
      tpu.wait_dma2 semaphore(%run_scoped3A : memref<!tpu.dma_semaphore, #tpu.memory_space<semaphore_mem>>) src(%arg6 : memref<80x128xf32, #tpu.memory_space<vmem>>) dst(%dma_wait3A_57 : memref<80x128xf32, #tpu.memory_space<hbm>>)
      tpu.yield
    }) : () -> ()
    return
  }
}

#map = affine_map<(d0, d1) -> (0, 0)>
#map1 = affine_map<(d0, d1) -> (0, 0, 0)>
module attributes {stable_mosaic.version = 14 : i64} {
  func.func @_prop(%arg0: i32, %arg1: i32, %arg2: memref<1280x128xf32, #tpu.memory_space<hbm>>, %arg3: memref<32x80x128xi32, #tpu.memory_space<hbm>>, %arg4: memref<32x80x128xi32, #tpu.memory_space<hbm>>, %arg5: memref<2x1280x128xf32, #tpu.memory_space<hbm>>, %arg6: memref<80x128xi32, #tpu.memory_space<vmem>>, %arg7: memref<80x128xi32, #tpu.memory_space<vmem>>, %arg8: memref<2x128x16xf32, #tpu.memory_space<vmem>>, %arg9: memref<80x128xf32, #tpu.memory_space<vmem>>, %arg10: memref<640x16xf32, #tpu.memory_space<vmem>>, %arg11: memref<10240x16xf32, #tpu.memory_space<vmem_shared>>, %arg12: memref<10240x16xf32, #tpu.memory_space<vmem_shared>>, %arg13: memref<2x!tpu.dma_semaphore, #tpu.memory_space<semaphore_mem>>, %arg14: memref<!tpu.dma_semaphore, #tpu.memory_space<semaphore_mem>>) attributes {dimension_semantics = [#tpu.dimension_semantics<core_parallel>, #tpu.dimension_semantics<subcore_parallel>], iteration_bounds = array<i64: 2, 16>, scalar_prefetch = 0 : i64, scratch_operands = 9 : i64, tpu.core_type = #tpu.core_type<sc_vector_subcore>, window_params = [{transform_indices = #map}, {transform_indices = #map1}, {transform_indices = #map1}, {transform_indices = #map1}]} {
    %mul3A = arith.constant 16 : i32
    %mul3A_0 = arith.muli %arg0, %mul3A : i32
    %add3A = arith.addi %mul3A_0, %arg1 : i32
    %mul3A_1 = arith.constant 80 : i32
    %mul3A_2 = arith.muli %arg1, %mul3A_1 : i32
    %dma_start3A = arith.constant 0 : i32
    %dma_start3A_3 = tpu.memref_slice %arg2[%mul3A_2, %dma_start3A] : memref<1280x128xf32, #tpu.memory_space<hbm>> -> memref<80x128xf32, #tpu.memory_space<hbm>>
    %dma_start3A_4 = arith.constant 0 : i32
    %dma_start3A_5 = tpu.memref_slice %arg2[%mul3A_2, %dma_start3A_4] : memref<1280x128xf32, #tpu.memory_space<hbm>> -> memref<80x128xf32, #tpu.memory_space<hbm>>
    tpu.enqueue_dma source(%dma_start3A_5 : memref<80x128xf32, #tpu.memory_space<hbm>>) target(%arg9 : memref<80x128xf32, #tpu.memory_space<vmem>>) target_semaphore(%arg14 : memref<!tpu.dma_semaphore, #tpu.memory_space<semaphore_mem>>)
    %dma_start3A_6 = arith.constant 0 : i32
    %dma_start3A_7 = arith.constant 0 : i32
    %dma_start3A_8 = tpu.memref_slice %arg3[%add3A, %dma_start3A_6, %dma_start3A_7] : memref<32x80x128xi32, #tpu.memory_space<hbm>> -> memref<1x80x128xi32, #tpu.memory_space<hbm>>
    %dma_start3A_9 = tpu.memref_squeeze %dma_start3A_8 : memref<1x80x128xi32, #tpu.memory_space<hbm>> -> memref<80x128xi32, #tpu.memory_space<hbm>>
    %dma_start3A_10 = arith.constant 0 : i32
    %dma_start3A_11 = arith.constant 0 : i32
    %dma_start3A_12 = tpu.memref_slice %arg3[%add3A, %dma_start3A_10, %dma_start3A_11] : memref<32x80x128xi32, #tpu.memory_space<hbm>> -> memref<1x80x128xi32, #tpu.memory_space<hbm>>
    %dma_start3A_13 = tpu.memref_squeeze %dma_start3A_12 : memref<1x80x128xi32, #tpu.memory_space<hbm>> -> memref<80x128xi32, #tpu.memory_space<hbm>>
    tpu.enqueue_dma source(%dma_start3A_13 : memref<80x128xi32, #tpu.memory_space<hbm>>) target(%arg6 : memref<80x128xi32, #tpu.memory_space<vmem>>) target_semaphore(%arg14 : memref<!tpu.dma_semaphore, #tpu.memory_space<semaphore_mem>>)
    %dma_start3A_14 = arith.constant 0 : i32
    %dma_start3A_15 = arith.constant 0 : i32
    %dma_start3A_16 = tpu.memref_slice %arg4[%add3A, %dma_start3A_14, %dma_start3A_15] : memref<32x80x128xi32, #tpu.memory_space<hbm>> -> memref<1x80x128xi32, #tpu.memory_space<hbm>>
    %dma_start3A_17 = tpu.memref_squeeze %dma_start3A_16 : memref<1x80x128xi32, #tpu.memory_space<hbm>> -> memref<80x128xi32, #tpu.memory_space<hbm>>
    %dma_start3A_18 = arith.constant 0 : i32
    %dma_start3A_19 = arith.constant 0 : i32
    %dma_start3A_20 = tpu.memref_slice %arg4[%add3A, %dma_start3A_18, %dma_start3A_19] : memref<32x80x128xi32, #tpu.memory_space<hbm>> -> memref<1x80x128xi32, #tpu.memory_space<hbm>>
    %dma_start3A_21 = tpu.memref_squeeze %dma_start3A_20 : memref<1x80x128xi32, #tpu.memory_space<hbm>> -> memref<80x128xi32, #tpu.memory_space<hbm>>
    tpu.enqueue_dma source(%dma_start3A_21 : memref<80x128xi32, #tpu.memory_space<hbm>>) target(%arg7 : memref<80x128xi32, #tpu.memory_space<vmem>>) target_semaphore(%arg14 : memref<!tpu.dma_semaphore, #tpu.memory_space<semaphore_mem>>)
    %mul3A_22 = arith.constant 80 : i32
    %mul3A_23 = arith.muli %arg1, %mul3A_22 : i32
    %dma_wait3A = arith.constant 0 : i32
    %dma_wait3A_24 = tpu.memref_slice %arg2[%mul3A_23, %dma_wait3A] : memref<1280x128xf32, #tpu.memory_space<hbm>> -> memref<80x128xf32, #tpu.memory_space<hbm>>
    %dma_wait3A_25 = arith.constant 0 : i32
    %dma_wait3A_26 = tpu.memref_slice %arg2[%mul3A_23, %dma_wait3A_25] : memref<1280x128xf32, #tpu.memory_space<hbm>> -> memref<80x128xf32, #tpu.memory_space<hbm>>
    tpu.wait_dma2 semaphore(%arg14 : memref<!tpu.dma_semaphore, #tpu.memory_space<semaphore_mem>>) src(%dma_wait3A_26 : memref<80x128xf32, #tpu.memory_space<hbm>>) dst(%arg9 : memref<80x128xf32, #tpu.memory_space<vmem>>)
    %scan3A = arith.constant 0 : i32
    %scan3A_27 = arith.constant 80 : i32
    %scan3A_28 = arith.addi %scan3A, %scan3A_27 : i32
    %scan3A_29 = arith.constant 1 : i32
    scf.for %scan3A_134 = %scan3A to %scan3A_28 step %scan3A_29  : i32 {
      %mul3A_135 = arith.constant 1 : i32
      %mul3A_136 = arith.muli %scan3A_134, %mul3A_135 : i32
      %add3A_137 = arith.constant 0 : i32
      %add3A_138 = arith.addi %add3A_137, %mul3A_136 : i32
      %get3A = arith.index_cast %add3A_138 : i32 to index
      %get3A_139 = arith.constant 0 : index
      %get3A_140 = tpu.vector_load %arg9[%get3A, %get3A_139] {strides = array<i32>} : memref<80x128xf32, #tpu.memory_space<vmem>>, vector<1x16xf32>,
      %get3A_141 = vector.shape_cast %get3A_140 : vector<1x16xf32> to vector<16xf32>
      %mul3A_142 = arith.constant 8 : i32
      %mul3A_143 = arith.muli %add3A_138, %mul3A_142 : i32
      %add3A_144 = arith.constant 0 : i32
      %add3A_145 = arith.addi %mul3A_143, %add3A_144 : i32
      %swap3A = arith.index_cast %add3A_145 : i32 to index
      %swap3A_146 = arith.constant 0 : index
      %swap3A_147 = tpu.vector_load %arg10[%swap3A, %swap3A_146] {strides = array<i32>} : memref<640x16xf32, #tpu.memory_space<vmem>>, vector<1x16xf32>,
      %swap3A_148 = vector.shape_cast %swap3A_147 : vector<1x16xf32> to vector<16xf32>
      %swap3A_149 = vector.shape_cast %get3A_141 : vector<16xf32> to vector<1x16xf32>
      tpu.vector_store %arg10[%swap3A, %swap3A_146], %swap3A_149 {strides = array<i32>} : memref<640x16xf32, #tpu.memory_space<vmem>>, vector<1x16xf32>,
      %get3A_150 = arith.index_cast %add3A_138 : i32 to index
      %get3A_151 = arith.constant 16 : index
      %get3A_152 = tpu.vector_load %arg9[%get3A_150, %get3A_151] {strides = array<i32>} : memref<80x128xf32, #tpu.memory_space<vmem>>, vector<1x16xf32>,
      %get3A_153 = vector.shape_cast %get3A_152 : vector<1x16xf32> to vector<16xf32>
      %mul3A_154 = arith.constant 8 : i32
      %mul3A_155 = arith.muli %add3A_138, %mul3A_154 : i32
      %add3A_156 = arith.constant 1 : i32
      %add3A_157 = arith.addi %mul3A_155, %add3A_156 : i32
      %swap3A_158 = arith.index_cast %add3A_157 : i32 to index
      %swap3A_159 = arith.constant 0 : index
      %swap3A_160 = tpu.vector_load %arg10[%swap3A_158, %swap3A_159] {strides = array<i32>} : memref<640x16xf32, #tpu.memory_space<vmem>>, vector<1x16xf32>,
      %swap3A_161 = vector.shape_cast %swap3A_160 : vector<1x16xf32> to vector<16xf32>
      %swap3A_162 = vector.shape_cast %get3A_153 : vector<16xf32> to vector<1x16xf32>
      tpu.vector_store %arg10[%swap3A_158, %swap3A_159], %swap3A_162 {strides = array<i32>} : memref<640x16xf32, #tpu.memory_space<vmem>>, vector<1x16xf32>,
      %get3A_163 = arith.index_cast %add3A_138 : i32 to index
      %get3A_164 = arith.constant 32 : index
      %get3A_165 = tpu.vector_load %arg9[%get3A_163, %get3A_164] {strides = array<i32>} : memref<80x128xf32, #tpu.memory_space<vmem>>, vector<1x16xf32>,
      %get3A_166 = vector.shape_cast %get3A_165 : vector<1x16xf32> to vector<16xf32>
      %mul3A_167 = arith.constant 8 : i32
      %mul3A_168 = arith.muli %add3A_138, %mul3A_167 : i32
      %add3A_169 = arith.constant 2 : i32
      %add3A_170 = arith.addi %mul3A_168, %add3A_169 : i32
      %swap3A_171 = arith.index_cast %add3A_170 : i32 to index
      %swap3A_172 = arith.constant 0 : index
      %swap3A_173 = tpu.vector_load %arg10[%swap3A_171, %swap3A_172] {strides = array<i32>} : memref<640x16xf32, #tpu.memory_space<vmem>>, vector<1x16xf32>,
      %swap3A_174 = vector.shape_cast %swap3A_173 : vector<1x16xf32> to vector<16xf32>
      %swap3A_175 = vector.shape_cast %get3A_166 : vector<16xf32> to vector<1x16xf32>
      tpu.vector_store %arg10[%swap3A_171, %swap3A_172], %swap3A_175 {strides = array<i32>} : memref<640x16xf32, #tpu.memory_space<vmem>>, vector<1x16xf32>,
      %get3A_176 = arith.index_cast %add3A_138 : i32 to index
      %get3A_177 = arith.constant 48 : index
      %get3A_178 = tpu.vector_load %arg9[%get3A_176, %get3A_177] {strides = array<i32>} : memref<80x128xf32, #tpu.memory_space<vmem>>, vector<1x16xf32>,
      %get3A_179 = vector.shape_cast %get3A_178 : vector<1x16xf32> to vector<16xf32>
      %mul3A_180 = arith.constant 8 : i32
      %mul3A_181 = arith.muli %add3A_138, %mul3A_180 : i32
      %add3A_182 = arith.constant 3 : i32
      %add3A_183 = arith.addi %mul3A_181, %add3A_182 : i32
      %swap3A_184 = arith.index_cast %add3A_183 : i32 to index
      %swap3A_185 = arith.constant 0 : index
      %swap3A_186 = tpu.vector_load %arg10[%swap3A_184, %swap3A_185] {strides = array<i32>} : memref<640x16xf32, #tpu.memory_space<vmem>>, vector<1x16xf32>,
      %swap3A_187 = vector.shape_cast %swap3A_186 : vector<1x16xf32> to vector<16xf32>
      %swap3A_188 = vector.shape_cast %get3A_179 : vector<16xf32> to vector<1x16xf32>
      tpu.vector_store %arg10[%swap3A_184, %swap3A_185], %swap3A_188 {strides = array<i32>} : memref<640x16xf32, #tpu.memory_space<vmem>>, vector<1x16xf32>,
      %get3A_189 = arith.index_cast %add3A_138 : i32 to index
      %get3A_190 = arith.constant 64 : index
      %get3A_191 = tpu.vector_load %arg9[%get3A_189, %get3A_190] {strides = array<i32>} : memref<80x128xf32, #tpu.memory_space<vmem>>, vector<1x16xf32>,
      %get3A_192 = vector.shape_cast %get3A_191 : vector<1x16xf32> to vector<16xf32>
      %mul3A_193 = arith.constant 8 : i32
      %mul3A_194 = arith.muli %add3A_138, %mul3A_193 : i32
      %add3A_195 = arith.constant 4 : i32
      %add3A_196 = arith.addi %mul3A_194, %add3A_195 : i32
      %swap3A_197 = arith.index_cast %add3A_196 : i32 to index
      %swap3A_198 = arith.constant 0 : index
      %swap3A_199 = tpu.vector_load %arg10[%swap3A_197, %swap3A_198] {strides = array<i32>} : memref<640x16xf32, #tpu.memory_space<vmem>>, vector<1x16xf32>,
      %swap3A_200 = vector.shape_cast %swap3A_199 : vector<1x16xf32> to vector<16xf32>
      %swap3A_201 = vector.shape_cast %get3A_192 : vector<16xf32> to vector<1x16xf32>
      tpu.vector_store %arg10[%swap3A_197, %swap3A_198], %swap3A_201 {strides = array<i32>} : memref<640x16xf32, #tpu.memory_space<vmem>>, vector<1x16xf32>,
      %get3A_202 = arith.index_cast %add3A_138 : i32 to index
      %get3A_203 = arith.constant 80 : index
      %get3A_204 = tpu.vector_load %arg9[%get3A_202, %get3A_203] {strides = array<i32>} : memref<80x128xf32, #tpu.memory_space<vmem>>, vector<1x16xf32>,
      %get3A_205 = vector.shape_cast %get3A_204 : vector<1x16xf32> to vector<16xf32>
      %mul3A_206 = arith.constant 8 : i32
      %mul3A_207 = arith.muli %add3A_138, %mul3A_206 : i32
      %add3A_208 = arith.constant 5 : i32
      %add3A_209 = arith.addi %mul3A_207, %add3A_208 : i32
      %swap3A_210 = arith.index_cast %add3A_209 : i32 to index
      %swap3A_211 = arith.constant 0 : index
      %swap3A_212 = tpu.vector_load %arg10[%swap3A_210, %swap3A_211] {strides = array<i32>} : memref<640x16xf32, #tpu.memory_space<vmem>>, vector<1x16xf32>,
      %swap3A_213 = vector.shape_cast %swap3A_212 : vector<1x16xf32> to vector<16xf32>
      %swap3A_214 = vector.shape_cast %get3A_205 : vector<16xf32> to vector<1x16xf32>
      tpu.vector_store %arg10[%swap3A_210, %swap3A_211], %swap3A_214 {strides = array<i32>} : memref<640x16xf32, #tpu.memory_space<vmem>>, vector<1x16xf32>,
      %get3A_215 = arith.index_cast %add3A_138 : i32 to index
      %get3A_216 = arith.constant 96 : index
      %get3A_217 = tpu.vector_load %arg9[%get3A_215, %get3A_216] {strides = array<i32>} : memref<80x128xf32, #tpu.memory_space<vmem>>, vector<1x16xf32>,
      %get3A_218 = vector.shape_cast %get3A_217 : vector<1x16xf32> to vector<16xf32>
      %mul3A_219 = arith.constant 8 : i32
      %mul3A_220 = arith.muli %add3A_138, %mul3A_219 : i32
      %add3A_221 = arith.constant 6 : i32
      %add3A_222 = arith.addi %mul3A_220, %add3A_221 : i32
      %swap3A_223 = arith.index_cast %add3A_222 : i32 to index
      %swap3A_224 = arith.constant 0 : index
      %swap3A_225 = tpu.vector_load %arg10[%swap3A_223, %swap3A_224] {strides = array<i32>} : memref<640x16xf32, #tpu.memory_space<vmem>>, vector<1x16xf32>,
      %swap3A_226 = vector.shape_cast %swap3A_225 : vector<1x16xf32> to vector<16xf32>
      %swap3A_227 = vector.shape_cast %get3A_218 : vector<16xf32> to vector<1x16xf32>
      tpu.vector_store %arg10[%swap3A_223, %swap3A_224], %swap3A_227 {strides = array<i32>} : memref<640x16xf32, #tpu.memory_space<vmem>>, vector<1x16xf32>,
      %get3A_228 = arith.index_cast %add3A_138 : i32 to index
      %get3A_229 = arith.constant 112 : index
      %get3A_230 = tpu.vector_load %arg9[%get3A_228, %get3A_229] {strides = array<i32>} : memref<80x128xf32, #tpu.memory_space<vmem>>, vector<1x16xf32>,
      %get3A_231 = vector.shape_cast %get3A_230 : vector<1x16xf32> to vector<16xf32>
      %mul3A_232 = arith.constant 8 : i32
      %mul3A_233 = arith.muli %add3A_138, %mul3A_232 : i32
      %add3A_234 = arith.constant 7 : i32
      %add3A_235 = arith.addi %mul3A_233, %add3A_234 : i32
      %swap3A_236 = arith.index_cast %add3A_235 : i32 to index
      %swap3A_237 = arith.constant 0 : index
      %swap3A_238 = tpu.vector_load %arg10[%swap3A_236, %swap3A_237] {strides = array<i32>} : memref<640x16xf32, #tpu.memory_space<vmem>>, vector<1x16xf32>,
      %swap3A_239 = vector.shape_cast %swap3A_238 : vector<1x16xf32> to vector<16xf32>
      %swap3A_240 = vector.shape_cast %get3A_231 : vector<16xf32> to vector<1x16xf32>
      tpu.vector_store %arg10[%swap3A_236, %swap3A_237], %swap3A_240 {strides = array<i32>} : memref<640x16xf32, #tpu.memory_space<vmem>>, vector<1x16xf32>,
    }
    %scan3A_30 = arith.constant 80 : i32
    %mul3A_31 = arith.constant 640 : i32
    %mul3A_32 = arith.muli %arg1, %mul3A_31 : i32
    "tpu.region"() ({
      %run_scoped3A_134 = tpu.sem_alloc : memref<!tpu.dma_semaphore, #tpu.memory_space<semaphore_mem>>
      %dma_start3A_135 = arith.constant 0 : i32
      %dma_start3A_136 = tpu.memref_slice %arg11[%mul3A_32, %dma_start3A_135] : memref<10240x16xf32, #tpu.memory_space<vmem_shared>> -> memref<640x16xf32, #tpu.memory_space<vmem_shared>>
      %dma_start3A_137 = arith.constant 0 : i32
      %dma_start3A_138 = tpu.memref_slice %arg11[%mul3A_32, %dma_start3A_137] : memref<10240x16xf32, #tpu.memory_space<vmem_shared>> -> memref<640x16xf32, #tpu.memory_space<vmem_shared>>
      tpu.enqueue_dma source(%arg10 : memref<640x16xf32, #tpu.memory_space<vmem>>) target(%dma_start3A_138 : memref<640x16xf32, #tpu.memory_space<vmem_shared>>) target_semaphore(%run_scoped3A_134 : memref<!tpu.dma_semaphore, #tpu.memory_space<semaphore_mem>>)
      %dma_wait3A_139 = arith.constant 0 : i32
      %dma_wait3A_140 = tpu.memref_slice %arg11[%mul3A_32, %dma_wait3A_139] : memref<10240x16xf32, #tpu.memory_space<vmem_shared>> -> memref<640x16xf32, #tpu.memory_space<vmem_shared>>
      %dma_wait3A_141 = arith.constant 0 : i32
      %dma_wait3A_142 = tpu.memref_slice %arg11[%mul3A_32, %dma_wait3A_141] : memref<10240x16xf32, #tpu.memory_space<vmem_shared>> -> memref<640x16xf32, #tpu.memory_space<vmem_shared>>
      tpu.wait_dma2 semaphore(%run_scoped3A_134 : memref<!tpu.dma_semaphore, #tpu.memory_space<semaphore_mem>>) src(%arg10 : memref<640x16xf32, #tpu.memory_space<vmem>>) dst(%dma_wait3A_142 : memref<640x16xf32, #tpu.memory_space<vmem_shared>>)
      tpu.yield
    }) : () -> ()
    %scan3A_33 = arith.constant 0 : i32
    %scan3A_34 = arith.constant 640 : i32
    %scan3A_35 = arith.addi %scan3A_33, %scan3A_34 : i32
    %scan3A_36 = arith.constant 1 : i32
    scf.for %scan3A_134 = %scan3A_33 to %scan3A_35 step %scan3A_36  : i32 {
      %mul3A_135 = arith.constant 1 : i32
      %mul3A_136 = arith.muli %scan3A_134, %mul3A_135 : i32
      %add3A_137 = arith.constant 0 : i32
      %add3A_138 = arith.addi %add3A_137, %mul3A_136 : i32
      %broadcast_in_dim3A = arith.constant 0.000000e+00 : f32
      %broadcast_in_dim3A_139 = vector.broadcast %broadcast_in_dim3A : f32 to vector<16xf32>
      %swap3A = arith.index_cast %add3A_138 : i32 to index
      %swap3A_140 = arith.constant 0 : index
      %swap3A_141 = tpu.vector_load %arg10[%swap3A, %swap3A_140] {strides = array<i32>} : memref<640x16xf32, #tpu.memory_space<vmem>>, vector<1x16xf32>,
      %swap3A_142 = vector.shape_cast %swap3A_141 : vector<1x16xf32> to vector<16xf32>
      %swap3A_143 = vector.shape_cast %broadcast_in_dim3A_139 : vector<16xf32> to vector<1x16xf32>
      tpu.vector_store %arg10[%swap3A, %swap3A_140], %swap3A_143 {strides = array<i32>} : memref<640x16xf32, #tpu.memory_space<vmem>>, vector<1x16xf32>,
    }
    %scan3A_37 = arith.constant 640 : i32
    %mul3A_38 = arith.constant 640 : i32
    %mul3A_39 = arith.muli %arg1, %mul3A_38 : i32
    "tpu.region"() ({
      %run_scoped3A_134 = tpu.sem_alloc : memref<!tpu.dma_semaphore, #tpu.memory_space<semaphore_mem>>
      %dma_start3A_135 = arith.constant 0 : i32
      %dma_start3A_136 = tpu.memref_slice %arg12[%mul3A_39, %dma_start3A_135] : memref<10240x16xf32, #tpu.memory_space<vmem_shared>> -> memref<640x16xf32, #tpu.memory_space<vmem_shared>>
      %dma_start3A_137 = arith.constant 0 : i32
      %dma_start3A_138 = tpu.memref_slice %arg12[%mul3A_39, %dma_start3A_137] : memref<10240x16xf32, #tpu.memory_space<vmem_shared>> -> memref<640x16xf32, #tpu.memory_space<vmem_shared>>
      tpu.enqueue_dma source(%arg10 : memref<640x16xf32, #tpu.memory_space<vmem>>) target(%dma_start3A_138 : memref<640x16xf32, #tpu.memory_space<vmem_shared>>) target_semaphore(%run_scoped3A_134 : memref<!tpu.dma_semaphore, #tpu.memory_space<semaphore_mem>>)
      %dma_wait3A_139 = arith.constant 0 : i32
      %dma_wait3A_140 = tpu.memref_slice %arg12[%mul3A_39, %dma_wait3A_139] : memref<10240x16xf32, #tpu.memory_space<vmem_shared>> -> memref<640x16xf32, #tpu.memory_space<vmem_shared>>
      %dma_wait3A_141 = arith.constant 0 : i32
      %dma_wait3A_142 = tpu.memref_slice %arg12[%mul3A_39, %dma_wait3A_141] : memref<10240x16xf32, #tpu.memory_space<vmem_shared>> -> memref<640x16xf32, #tpu.memory_space<vmem_shared>>
      tpu.wait_dma2 semaphore(%run_scoped3A_134 : memref<!tpu.dma_semaphore, #tpu.memory_space<semaphore_mem>>) src(%arg10 : memref<640x16xf32, #tpu.memory_space<vmem>>) dst(%dma_wait3A_142 : memref<640x16xf32, #tpu.memory_space<vmem_shared>>)
      tpu.yield
    }) : () -> ()
    %dma_wait3A_40 = arith.constant 0 : i32
    %dma_wait3A_41 = arith.constant 0 : i32
    %dma_wait3A_42 = tpu.memref_slice %arg3[%add3A, %dma_wait3A_40, %dma_wait3A_41] : memref<32x80x128xi32, #tpu.memory_space<hbm>> -> memref<1x80x128xi32, #tpu.memory_space<hbm>>
    %dma_wait3A_43 = tpu.memref_squeeze %dma_wait3A_42 : memref<1x80x128xi32, #tpu.memory_space<hbm>> -> memref<80x128xi32, #tpu.memory_space<hbm>>
    %dma_wait3A_44 = arith.constant 0 : i32
    %dma_wait3A_45 = arith.constant 0 : i32
    %dma_wait3A_46 = tpu.memref_slice %arg3[%add3A, %dma_wait3A_44, %dma_wait3A_45] : memref<32x80x128xi32, #tpu.memory_space<hbm>> -> memref<1x80x128xi32, #tpu.memory_space<hbm>>
    %dma_wait3A_47 = tpu.memref_squeeze %dma_wait3A_46 : memref<1x80x128xi32, #tpu.memory_space<hbm>> -> memref<80x128xi32, #tpu.memory_space<hbm>>
    tpu.wait_dma2 semaphore(%arg14 : memref<!tpu.dma_semaphore, #tpu.memory_space<semaphore_mem>>) src(%dma_wait3A_47 : memref<80x128xi32, #tpu.memory_space<hbm>>) dst(%arg6 : memref<80x128xi32, #tpu.memory_space<vmem>>)
    %dma_wait3A_48 = arith.constant 0 : i32
    %dma_wait3A_49 = arith.constant 0 : i32
    %dma_wait3A_50 = tpu.memref_slice %arg4[%add3A, %dma_wait3A_48, %dma_wait3A_49] : memref<32x80x128xi32, #tpu.memory_space<hbm>> -> memref<1x80x128xi32, #tpu.memory_space<hbm>>
    %dma_wait3A_51 = tpu.memref_squeeze %dma_wait3A_50 : memref<1x80x128xi32, #tpu.memory_space<hbm>> -> memref<80x128xi32, #tpu.memory_space<hbm>>
    %dma_wait3A_52 = arith.constant 0 : i32
    %dma_wait3A_53 = arith.constant 0 : i32
    %dma_wait3A_54 = tpu.memref_slice %arg4[%add3A, %dma_wait3A_52, %dma_wait3A_53] : memref<32x80x128xi32, #tpu.memory_space<hbm>> -> memref<1x80x128xi32, #tpu.memory_space<hbm>>
    %dma_wait3A_55 = tpu.memref_squeeze %dma_wait3A_54 : memref<1x80x128xi32, #tpu.memory_space<hbm>> -> memref<80x128xi32, #tpu.memory_space<hbm>>
    tpu.wait_dma2 semaphore(%arg14 : memref<!tpu.dma_semaphore, #tpu.memory_space<semaphore_mem>>) src(%dma_wait3A_55 : memref<80x128xi32, #tpu.memory_space<hbm>>) dst(%arg7 : memref<80x128xi32, #tpu.memory_space<vmem>>)
    %barrier3A = arith.constant 0 : index
    tpu.barrier barrier_id(%barrier3A)
    %run_scoped3A = arith.constant 0 : i32
    %run_scoped3A_56 = arith.constant 0 : i32
    "tpu.region"() ({
      %run_scoped3A_134 = tpu.sem_alloc : memref<!tpu.dma_semaphore, #tpu.memory_space<semaphore_mem>>
      %dma_start3A_135 = arith.constant 0 : i32
      %dma_start3A_136 = arith.constant 0 : i32
      %dma_start3A_137 = tpu.memref_slice %arg8[%run_scoped3A_56, %dma_start3A_135, %dma_start3A_136] : memref<2x128x16xf32, #tpu.memory_space<vmem>> -> memref<1x128x16xf32, #tpu.memory_space<vmem>>
      %dma_start3A_138 = tpu.memref_squeeze %dma_start3A_137 : memref<1x128x16xf32, #tpu.memory_space<vmem>> -> memref<128x16xf32, #tpu.memory_space<vmem>>
      %dma_start3A_139 = arith.constant 0 : i32
      %dma_start3A_140 = tpu.memref_slice %arg6[%run_scoped3A, %dma_start3A_139] : memref<80x128xi32, #tpu.memory_space<vmem>> -> memref<1x128xi32, #tpu.memory_space<vmem>>
      %dma_start3A_141 = tpu.memref_squeeze %dma_start3A_140 : memref<1x128xi32, #tpu.memory_space<vmem>> -> memref<128xi32, #tpu.memory_space<vmem>>
      %dma_start3A_142 = arith.constant 0 : i32
      %dma_start3A_143 = arith.constant 0 : i32
      %dma_start3A_144 = tpu.memref_slice %arg11[%dma_start3A_142, %dma_start3A_143] : memref<10240x16xf32, #tpu.memory_space<vmem_shared>> -> memref<10240x16xf32, #tpu.memory_space<vmem_shared>>
      tpu.enqueue_indirect_dma source(%dma_start3A_144 : memref<10240x16xf32, #tpu.memory_space<vmem_shared>>) target(%dma_start3A_138 : memref<128x16xf32, #tpu.memory_space<vmem>>) offsets(%dma_start3A_141 : memref<128xi32, #tpu.memory_space<vmem>>) semaphore(%run_scoped3A_134 : memref<!tpu.dma_semaphore, #tpu.memory_space<semaphore_mem>>)
      %dma_wait3A_145 = arith.constant 0 : i32
      %dma_wait3A_146 = arith.constant 0 : i32
      %dma_wait3A_147 = tpu.memref_slice %arg8[%run_scoped3A_56, %dma_wait3A_145, %dma_wait3A_146] : memref<2x128x16xf32, #tpu.memory_space<vmem>> -> memref<1x128x16xf32, #tpu.memory_space<vmem>>
      %dma_wait3A_148 = tpu.memref_squeeze %dma_wait3A_147 : memref<1x128x16xf32, #tpu.memory_space<vmem>> -> memref<128x16xf32, #tpu.memory_space<vmem>>
      %dma_wait3A_149 = arith.constant 0 : i32
      %dma_wait3A_150 = tpu.memref_slice %arg6[%run_scoped3A, %dma_wait3A_149] : memref<80x128xi32, #tpu.memory_space<vmem>> -> memref<1x128xi32, #tpu.memory_space<vmem>>
      %dma_wait3A_151 = tpu.memref_squeeze %dma_wait3A_150 : memref<1x128xi32, #tpu.memory_space<vmem>> -> memref<128xi32, #tpu.memory_space<vmem>>
      %dma_wait3A_152 = arith.constant 0 : i32
      %dma_wait3A_153 = arith.constant 0 : i32
      %dma_wait3A_154 = tpu.memref_slice %arg11[%dma_wait3A_152, %dma_wait3A_153] : memref<10240x16xf32, #tpu.memory_space<vmem_shared>> -> memref<10240x16xf32, #tpu.memory_space<vmem_shared>>
      tpu.wait_indirect_dma semaphore(%run_scoped3A_134 : memref<!tpu.dma_semaphore, #tpu.memory_space<semaphore_mem>>) src(%dma_wait3A_154 : memref<10240x16xf32, #tpu.memory_space<vmem_shared>>) dst(%dma_wait3A_148 : memref<128x16xf32, #tpu.memory_space<vmem>>)
      tpu.yield
    }) : () -> ()
    %dma_start3A_57 = arith.constant 0 : i32
    %dma_start3A_58 = arith.constant 0 : i32
    %dma_start3A_59 = arith.constant 0 : i32
    %dma_start3A_60 = arith.constant 0 : i32
    %dma_start3A_61 = arith.constant 0 : i32
    %dma_start3A_62 = tpu.memref_slice %arg8[%dma_start3A_57, %dma_start3A_60, %dma_start3A_61] : memref<2x128x16xf32, #tpu.memory_space<vmem>> -> memref<1x128x16xf32, #tpu.memory_space<vmem>>
    %dma_start3A_63 = tpu.memref_squeeze %dma_start3A_62 : memref<1x128x16xf32, #tpu.memory_space<vmem>> -> memref<128x16xf32, #tpu.memory_space<vmem>>
    %dma_start3A_64 = arith.constant 0 : i32
    %dma_start3A_65 = tpu.memref_slice %arg7[%dma_start3A_58, %dma_start3A_64] : memref<80x128xi32, #tpu.memory_space<vmem>> -> memref<1x128xi32, #tpu.memory_space<vmem>>
    %dma_start3A_66 = tpu.memref_squeeze %dma_start3A_65 : memref<1x128xi32, #tpu.memory_space<vmem>> -> memref<128xi32, #tpu.memory_space<vmem>>
    %dma_start3A_67 = arith.constant 0 : i32
    %dma_start3A_68 = arith.constant 0 : i32
    %dma_start3A_69 = tpu.memref_slice %arg12[%dma_start3A_67, %dma_start3A_68] : memref<10240x16xf32, #tpu.memory_space<vmem_shared>> -> memref<10240x16xf32, #tpu.memory_space<vmem_shared>>
    %dma_start3A_70 = tpu.memref_slice %arg13[%dma_start3A_59] : memref<2x!tpu.dma_semaphore, #tpu.memory_space<semaphore_mem>> -> memref<1x!tpu.dma_semaphore, #tpu.memory_space<semaphore_mem>>
    %dma_start3A_71 = tpu.memref_squeeze %dma_start3A_70 : memref<1x!tpu.dma_semaphore, #tpu.memory_space<semaphore_mem>> -> memref<!tpu.dma_semaphore, #tpu.memory_space<semaphore_mem>>
    tpu.enqueue_indirect_dma source(%dma_start3A_63 : memref<128x16xf32, #tpu.memory_space<vmem>>) target(%dma_start3A_69 : memref<10240x16xf32, #tpu.memory_space<vmem_shared>>) offsets(%dma_start3A_66 : memref<128xi32, #tpu.memory_space<vmem>>) semaphore(%dma_start3A_71 : memref<!tpu.dma_semaphore, #tpu.memory_space<semaphore_mem>>) {add = true}
    %run_scoped3A_72 = arith.constant 1 : i32
    %run_scoped3A_73 = arith.constant 1 : i32
    "tpu.region"() ({
      %run_scoped3A_134 = tpu.sem_alloc : memref<!tpu.dma_semaphore, #tpu.memory_space<semaphore_mem>>
      %dma_start3A_135 = arith.constant 0 : i32
      %dma_start3A_136 = arith.constant 0 : i32
      %dma_start3A_137 = tpu.memref_slice %arg8[%run_scoped3A_73, %dma_start3A_135, %dma_start3A_136] : memref<2x128x16xf32, #tpu.memory_space<vmem>> -> memref<1x128x16xf32, #tpu.memory_space<vmem>>
      %dma_start3A_138 = tpu.memref_squeeze %dma_start3A_137 : memref<1x128x16xf32, #tpu.memory_space<vmem>> -> memref<128x16xf32, #tpu.memory_space<vmem>>
      %dma_start3A_139 = arith.constant 0 : i32
      %dma_start3A_140 = tpu.memref_slice %arg6[%run_scoped3A_72, %dma_start3A_139] : memref<80x128xi32, #tpu.memory_space<vmem>> -> memref<1x128xi32, #tpu.memory_space<vmem>>
      %dma_start3A_141 = tpu.memref_squeeze %dma_start3A_140 : memref<1x128xi32, #tpu.memory_space<vmem>> -> memref<128xi32, #tpu.memory_space<vmem>>
      %dma_start3A_142 = arith.constant 0 : i32
      %dma_start3A_143 = arith.constant 0 : i32
      %dma_start3A_144 = tpu.memref_slice %arg11[%dma_start3A_142, %dma_start3A_143] : memref<10240x16xf32, #tpu.memory_space<vmem_shared>> -> memref<10240x16xf32, #tpu.memory_space<vmem_shared>>
      tpu.enqueue_indirect_dma source(%dma_start3A_144 : memref<10240x16xf32, #tpu.memory_space<vmem_shared>>) target(%dma_start3A_138 : memref<128x16xf32, #tpu.memory_space<vmem>>) offsets(%dma_start3A_141 : memref<128xi32, #tpu.memory_space<vmem>>) semaphore(%run_scoped3A_134 : memref<!tpu.dma_semaphore, #tpu.memory_space<semaphore_mem>>)
      %dma_wait3A_145 = arith.constant 0 : i32
      %dma_wait3A_146 = arith.constant 0 : i32
      %dma_wait3A_147 = tpu.memref_slice %arg8[%run_scoped3A_73, %dma_wait3A_145, %dma_wait3A_146] : memref<2x128x16xf32, #tpu.memory_space<vmem>> -> memref<1x128x16xf32, #tpu.memory_space<vmem>>
      %dma_wait3A_148 = tpu.memref_squeeze %dma_wait3A_147 : memref<1x128x16xf32, #tpu.memory_space<vmem>> -> memref<128x16xf32, #tpu.memory_space<vmem>>
      %dma_wait3A_149 = arith.constant 0 : i32
      %dma_wait3A_150 = tpu.memref_slice %arg6[%run_scoped3A_72, %dma_wait3A_149] : memref<80x128xi32, #tpu.memory_space<vmem>> -> memref<1x128xi32, #tpu.memory_space<vmem>>
      %dma_wait3A_151 = tpu.memref_squeeze %dma_wait3A_150 : memref<1x128xi32, #tpu.memory_space<vmem>> -> memref<128xi32, #tpu.memory_space<vmem>>
      %dma_wait3A_152 = arith.constant 0 : i32
      %dma_wait3A_153 = arith.constant 0 : i32
      %dma_wait3A_154 = tpu.memref_slice %arg11[%dma_wait3A_152, %dma_wait3A_153] : memref<10240x16xf32, #tpu.memory_space<vmem_shared>> -> memref<10240x16xf32, #tpu.memory_space<vmem_shared>>
      tpu.wait_indirect_dma semaphore(%run_scoped3A_134 : memref<!tpu.dma_semaphore, #tpu.memory_space<semaphore_mem>>) src(%dma_wait3A_154 : memref<10240x16xf32, #tpu.memory_space<vmem_shared>>) dst(%dma_wait3A_148 : memref<128x16xf32, #tpu.memory_space<vmem>>)
      tpu.yield
    }) : () -> ()
    %dma_start3A_74 = arith.constant 1 : i32
    %dma_start3A_75 = arith.constant 1 : i32
    %dma_start3A_76 = arith.constant 1 : i32
    %dma_start3A_77 = arith.constant 0 : i32
    %dma_start3A_78 = arith.constant 0 : i32
    %dma_start3A_79 = tpu.memref_slice %arg8[%dma_start3A_74, %dma_start3A_77, %dma_start3A_78] : memref<2x128x16xf32, #tpu.memory_space<vmem>> -> memref<1x128x16xf32, #tpu.memory_space<vmem>>
    %dma_start3A_80 = tpu.memref_squeeze %dma_start3A_79 : memref<1x128x16xf32, #tpu.memory_space<vmem>> -> memref<128x16xf32, #tpu.memory_space<vmem>>
    %dma_start3A_81 = arith.constant 0 : i32
    %dma_start3A_82 = tpu.memref_slice %arg7[%dma_start3A_75, %dma_start3A_81] : memref<80x128xi32, #tpu.memory_space<vmem>> -> memref<1x128xi32, #tpu.memory_space<vmem>>
    %dma_start3A_83 = tpu.memref_squeeze %dma_start3A_82 : memref<1x128xi32, #tpu.memory_space<vmem>> -> memref<128xi32, #tpu.memory_space<vmem>>
    %dma_start3A_84 = arith.constant 0 : i32
    %dma_start3A_85 = arith.constant 0 : i32
    %dma_start3A_86 = tpu.memref_slice %arg12[%dma_start3A_84, %dma_start3A_85] : memref<10240x16xf32, #tpu.memory_space<vmem_shared>> -> memref<10240x16xf32, #tpu.memory_space<vmem_shared>>
    %dma_start3A_87 = tpu.memref_slice %arg13[%dma_start3A_76] : memref<2x!tpu.dma_semaphore, #tpu.memory_space<semaphore_mem>> -> memref<1x!tpu.dma_semaphore, #tpu.memory_space<semaphore_mem>>
    %dma_start3A_88 = tpu.memref_squeeze %dma_start3A_87 : memref<1x!tpu.dma_semaphore, #tpu.memory_space<semaphore_mem>> -> memref<!tpu.dma_semaphore, #tpu.memory_space<semaphore_mem>>
    tpu.enqueue_indirect_dma source(%dma_start3A_80 : memref<128x16xf32, #tpu.memory_space<vmem>>) target(%dma_start3A_86 : memref<10240x16xf32, #tpu.memory_space<vmem_shared>>) offsets(%dma_start3A_83 : memref<128xi32, #tpu.memory_space<vmem>>) semaphore(%dma_start3A_88 : memref<!tpu.dma_semaphore, #tpu.memory_space<semaphore_mem>>) {add = true}
    %scan3A_89 = arith.constant 0 : i32
    %scan3A_90 = arith.constant 39 : i32
    %scan3A_91 = arith.addi %scan3A_89, %scan3A_90 : i32
    %scan3A_92 = arith.constant 1 : i32
    scf.for %scan3A_134 = %scan3A_89 to %scan3A_91 step %scan3A_92  : i32 {
      %mul3A_135 = arith.constant 2 : i32
      %mul3A_136 = arith.muli %scan3A_134, %mul3A_135 : i32
      %add3A_137 = arith.constant 2 : i32
      %add3A_138 = arith.addi %add3A_137, %mul3A_136 : i32
      %dma_wait3A_139 = arith.constant 0 : i32
      %dma_wait3A_140 = arith.constant 0 : i32
      %dma_wait3A_141 = arith.constant 0 : i32
      %dma_wait3A_142 = arith.constant 0 : i32
      %dma_wait3A_143 = arith.constant 0 : i32
      %dma_wait3A_144 = tpu.memref_slice %arg8[%dma_wait3A_139, %dma_wait3A_142, %dma_wait3A_143] : memref<2x128x16xf32, #tpu.memory_space<vmem>> -> memref<1x128x16xf32, #tpu.memory_space<vmem>>
      %dma_wait3A_145 = tpu.memref_squeeze %dma_wait3A_144 : memref<1x128x16xf32, #tpu.memory_space<vmem>> -> memref<128x16xf32, #tpu.memory_space<vmem>>
      %dma_wait3A_146 = arith.constant 0 : i32
      %dma_wait3A_147 = tpu.memref_slice %arg7[%dma_wait3A_140, %dma_wait3A_146] : memref<80x128xi32, #tpu.memory_space<vmem>> -> memref<1x128xi32, #tpu.memory_space<vmem>>
      %dma_wait3A_148 = tpu.memref_squeeze %dma_wait3A_147 : memref<1x128xi32, #tpu.memory_space<vmem>> -> memref<128xi32, #tpu.memory_space<vmem>>
      %dma_wait3A_149 = arith.constant 0 : i32
      %dma_wait3A_150 = arith.constant 0 : i32
      %dma_wait3A_151 = tpu.memref_slice %arg12[%dma_wait3A_149, %dma_wait3A_150] : memref<10240x16xf32, #tpu.memory_space<vmem_shared>> -> memref<10240x16xf32, #tpu.memory_space<vmem_shared>>
      %dma_wait3A_152 = tpu.memref_slice %arg13[%dma_wait3A_141] : memref<2x!tpu.dma_semaphore, #tpu.memory_space<semaphore_mem>> -> memref<1x!tpu.dma_semaphore, #tpu.memory_space<semaphore_mem>>
      %dma_wait3A_153 = tpu.memref_squeeze %dma_wait3A_152 : memref<1x!tpu.dma_semaphore, #tpu.memory_space<semaphore_mem>> -> memref<!tpu.dma_semaphore, #tpu.memory_space<semaphore_mem>>
      tpu.wait_indirect_dma semaphore(%dma_wait3A_153 : memref<!tpu.dma_semaphore, #tpu.memory_space<semaphore_mem>>) src(%dma_wait3A_145 : memref<128x16xf32, #tpu.memory_space<vmem>>) dst(%dma_wait3A_151 : memref<10240x16xf32, #tpu.memory_space<vmem_shared>>)
      %add3A_154 = arith.constant 0 : i32
      %add3A_155 = arith.addi %add3A_138, %add3A_154 : i32
      %run_scoped3A_156 = arith.constant 0 : i32
      "tpu.region"() ({
        %run_scoped3A_207 = tpu.sem_alloc : memref<!tpu.dma_semaphore, #tpu.memory_space<semaphore_mem>>
        %dma_start3A_208 = arith.constant 0 : i32
        %dma_start3A_209 = arith.constant 0 : i32
        %dma_start3A_210 = tpu.memref_slice %arg8[%run_scoped3A_156, %dma_start3A_208, %dma_start3A_209] : memref<2x128x16xf32, #tpu.memory_space<vmem>> -> memref<1x128x16xf32, #tpu.memory_space<vmem>>
        %dma_start3A_211 = tpu.memref_squeeze %dma_start3A_210 : memref<1x128x16xf32, #tpu.memory_space<vmem>> -> memref<128x16xf32, #tpu.memory_space<vmem>>
        %dma_start3A_212 = arith.constant 0 : i32
        %dma_start3A_213 = tpu.memref_slice %arg6[%add3A_155, %dma_start3A_212] : memref<80x128xi32, #tpu.memory_space<vmem>> -> memref<1x128xi32, #tpu.memory_space<vmem>>
        %dma_start3A_214 = tpu.memref_squeeze %dma_start3A_213 : memref<1x128xi32, #tpu.memory_space<vmem>> -> memref<128xi32, #tpu.memory_space<vmem>>
        %dma_start3A_215 = arith.constant 0 : i32
        %dma_start3A_216 = arith.constant 0 : i32
        %dma_start3A_217 = tpu.memref_slice %arg11[%dma_start3A_215, %dma_start3A_216] : memref<10240x16xf32, #tpu.memory_space<vmem_shared>> -> memref<10240x16xf32, #tpu.memory_space<vmem_shared>>
        tpu.enqueue_indirect_dma source(%dma_start3A_217 : memref<10240x16xf32, #tpu.memory_space<vmem_shared>>) target(%dma_start3A_211 : memref<128x16xf32, #tpu.memory_space<vmem>>) offsets(%dma_start3A_214 : memref<128xi32, #tpu.memory_space<vmem>>) semaphore(%run_scoped3A_207 : memref<!tpu.dma_semaphore, #tpu.memory_space<semaphore_mem>>)
        %dma_wait3A_218 = arith.constant 0 : i32
        %dma_wait3A_219 = arith.constant 0 : i32
        %dma_wait3A_220 = tpu.memref_slice %arg8[%run_scoped3A_156, %dma_wait3A_218, %dma_wait3A_219] : memref<2x128x16xf32, #tpu.memory_space<vmem>> -> memref<1x128x16xf32, #tpu.memory_space<vmem>>
        %dma_wait3A_221 = tpu.memref_squeeze %dma_wait3A_220 : memref<1x128x16xf32, #tpu.memory_space<vmem>> -> memref<128x16xf32, #tpu.memory_space<vmem>>
        %dma_wait3A_222 = arith.constant 0 : i32
        %dma_wait3A_223 = tpu.memref_slice %arg6[%add3A_155, %dma_wait3A_222] : memref<80x128xi32, #tpu.memory_space<vmem>> -> memref<1x128xi32, #tpu.memory_space<vmem>>
        %dma_wait3A_224 = tpu.memref_squeeze %dma_wait3A_223 : memref<1x128xi32, #tpu.memory_space<vmem>> -> memref<128xi32, #tpu.memory_space<vmem>>
        %dma_wait3A_225 = arith.constant 0 : i32
        %dma_wait3A_226 = arith.constant 0 : i32
        %dma_wait3A_227 = tpu.memref_slice %arg11[%dma_wait3A_225, %dma_wait3A_226] : memref<10240x16xf32, #tpu.memory_space<vmem_shared>> -> memref<10240x16xf32, #tpu.memory_space<vmem_shared>>
        tpu.wait_indirect_dma semaphore(%run_scoped3A_207 : memref<!tpu.dma_semaphore, #tpu.memory_space<semaphore_mem>>) src(%dma_wait3A_227 : memref<10240x16xf32, #tpu.memory_space<vmem_shared>>) dst(%dma_wait3A_221 : memref<128x16xf32, #tpu.memory_space<vmem>>)
        tpu.yield
      }) : () -> ()
      %add3A_157 = arith.constant 0 : i32
      %add3A_158 = arith.addi %add3A_138, %add3A_157 : i32
      %dma_start3A_159 = arith.constant 0 : i32
      %dma_start3A_160 = arith.constant 0 : i32
      %dma_start3A_161 = arith.constant 0 : i32
      %dma_start3A_162 = arith.constant 0 : i32
      %dma_start3A_163 = tpu.memref_slice %arg8[%dma_start3A_159, %dma_start3A_161, %dma_start3A_162] : memref<2x128x16xf32, #tpu.memory_space<vmem>> -> memref<1x128x16xf32, #tpu.memory_space<vmem>>
      %dma_start3A_164 = tpu.memref_squeeze %dma_start3A_163 : memref<1x128x16xf32, #tpu.memory_space<vmem>> -> memref<128x16xf32, #tpu.memory_space<vmem>>
      %dma_start3A_165 = arith.constant 0 : i32
      %dma_start3A_166 = tpu.memref_slice %arg7[%add3A_158, %dma_start3A_165] : memref<80x128xi32, #tpu.memory_space<vmem>> -> memref<1x128xi32, #tpu.memory_space<vmem>>
      %dma_start3A_167 = tpu.memref_squeeze %dma_start3A_166 : memref<1x128xi32, #tpu.memory_space<vmem>> -> memref<128xi32, #tpu.memory_space<vmem>>
      %dma_start3A_168 = arith.constant 0 : i32
      %dma_start3A_169 = arith.constant 0 : i32
      %dma_start3A_170 = tpu.memref_slice %arg12[%dma_start3A_168, %dma_start3A_169] : memref<10240x16xf32, #tpu.memory_space<vmem_shared>> -> memref<10240x16xf32, #tpu.memory_space<vmem_shared>>
      %dma_start3A_171 = tpu.memref_slice %arg13[%dma_start3A_160] : memref<2x!tpu.dma_semaphore, #tpu.memory_space<semaphore_mem>> -> memref<1x!tpu.dma_semaphore, #tpu.memory_space<semaphore_mem>>
      %dma_start3A_172 = tpu.memref_squeeze %dma_start3A_171 : memref<1x!tpu.dma_semaphore, #tpu.memory_space<semaphore_mem>> -> memref<!tpu.dma_semaphore, #tpu.memory_space<semaphore_mem>>
      tpu.enqueue_indirect_dma source(%dma_start3A_164 : memref<128x16xf32, #tpu.memory_space<vmem>>) target(%dma_start3A_170 : memref<10240x16xf32, #tpu.memory_space<vmem_shared>>) offsets(%dma_start3A_167 : memref<128xi32, #tpu.memory_space<vmem>>) semaphore(%dma_start3A_172 : memref<!tpu.dma_semaphore, #tpu.memory_space<semaphore_mem>>) {add = true}
      %dma_wait3A_173 = arith.constant 1 : i32
      %dma_wait3A_174 = arith.constant 0 : i32
      %dma_wait3A_175 = arith.constant 1 : i32
      %dma_wait3A_176 = arith.constant 0 : i32
      %dma_wait3A_177 = arith.constant 0 : i32
      %dma_wait3A_178 = tpu.memref_slice %arg8[%dma_wait3A_173, %dma_wait3A_176, %dma_wait3A_177] : memref<2x128x16xf32, #tpu.memory_space<vmem>> -> memref<1x128x16xf32, #tpu.memory_space<vmem>>
      %dma_wait3A_179 = tpu.memref_squeeze %dma_wait3A_178 : memref<1x128x16xf32, #tpu.memory_space<vmem>> -> memref<128x16xf32, #tpu.memory_space<vmem>>
      %dma_wait3A_180 = arith.constant 0 : i32
      %dma_wait3A_181 = tpu.memref_slice %arg7[%dma_wait3A_174, %dma_wait3A_180] : memref<80x128xi32, #tpu.memory_space<vmem>> -> memref<1x128xi32, #tpu.memory_space<vmem>>
      %dma_wait3A_182 = tpu.memref_squeeze %dma_wait3A_181 : memref<1x128xi32, #tpu.memory_space<vmem>> -> memref<128xi32, #tpu.memory_space<vmem>>
      %dma_wait3A_183 = arith.constant 0 : i32
      %dma_wait3A_184 = arith.constant 0 : i32
      %dma_wait3A_185 = tpu.memref_slice %arg12[%dma_wait3A_183, %dma_wait3A_184] : memref<10240x16xf32, #tpu.memory_space<vmem_shared>> -> memref<10240x16xf32, #tpu.memory_space<vmem_shared>>
      %dma_wait3A_186 = tpu.memref_slice %arg13[%dma_wait3A_175] : memref<2x!tpu.dma_semaphore, #tpu.memory_space<semaphore_mem>> -> memref<1x!tpu.dma_semaphore, #tpu.memory_space<semaphore_mem>>
      %dma_wait3A_187 = tpu.memref_squeeze %dma_wait3A_186 : memref<1x!tpu.dma_semaphore, #tpu.memory_space<semaphore_mem>> -> memref<!tpu.dma_semaphore, #tpu.memory_space<semaphore_mem>>
      tpu.wait_indirect_dma semaphore(%dma_wait3A_187 : memref<!tpu.dma_semaphore, #tpu.memory_space<semaphore_mem>>) src(%dma_wait3A_179 : memref<128x16xf32, #tpu.memory_space<vmem>>) dst(%dma_wait3A_185 : memref<10240x16xf32, #tpu.memory_space<vmem_shared>>)
      %add3A_188 = arith.constant 1 : i32
      %add3A_189 = arith.addi %add3A_138, %add3A_188 : i32
      %run_scoped3A_190 = arith.constant 1 : i32
      "tpu.region"() ({
        %run_scoped3A_207 = tpu.sem_alloc : memref<!tpu.dma_semaphore, #tpu.memory_space<semaphore_mem>>
        %dma_start3A_208 = arith.constant 0 : i32
        %dma_start3A_209 = arith.constant 0 : i32
        %dma_start3A_210 = tpu.memref_slice %arg8[%run_scoped3A_190, %dma_start3A_208, %dma_start3A_209] : memref<2x128x16xf32, #tpu.memory_space<vmem>> -> memref<1x128x16xf32, #tpu.memory_space<vmem>>
        %dma_start3A_211 = tpu.memref_squeeze %dma_start3A_210 : memref<1x128x16xf32, #tpu.memory_space<vmem>> -> memref<128x16xf32, #tpu.memory_space<vmem>>
        %dma_start3A_212 = arith.constant 0 : i32
        %dma_start3A_213 = tpu.memref_slice %arg6[%add3A_189, %dma_start3A_212] : memref<80x128xi32, #tpu.memory_space<vmem>> -> memref<1x128xi32, #tpu.memory_space<vmem>>
        %dma_start3A_214 = tpu.memref_squeeze %dma_start3A_213 : memref<1x128xi32, #tpu.memory_space<vmem>> -> memref<128xi32, #tpu.memory_space<vmem>>
        %dma_start3A_215 = arith.constant 0 : i32
        %dma_start3A_216 = arith.constant 0 : i32
        %dma_start3A_217 = tpu.memref_slice %arg11[%dma_start3A_215, %dma_start3A_216] : memref<10240x16xf32, #tpu.memory_space<vmem_shared>> -> memref<10240x16xf32, #tpu.memory_space<vmem_shared>>
        tpu.enqueue_indirect_dma source(%dma_start3A_217 : memref<10240x16xf32, #tpu.memory_space<vmem_shared>>) target(%dma_start3A_211 : memref<128x16xf32, #tpu.memory_space<vmem>>) offsets(%dma_start3A_214 : memref<128xi32, #tpu.memory_space<vmem>>) semaphore(%run_scoped3A_207 : memref<!tpu.dma_semaphore, #tpu.memory_space<semaphore_mem>>)
        %dma_wait3A_218 = arith.constant 0 : i32
        %dma_wait3A_219 = arith.constant 0 : i32
        %dma_wait3A_220 = tpu.memref_slice %arg8[%run_scoped3A_190, %dma_wait3A_218, %dma_wait3A_219] : memref<2x128x16xf32, #tpu.memory_space<vmem>> -> memref<1x128x16xf32, #tpu.memory_space<vmem>>
        %dma_wait3A_221 = tpu.memref_squeeze %dma_wait3A_220 : memref<1x128x16xf32, #tpu.memory_space<vmem>> -> memref<128x16xf32, #tpu.memory_space<vmem>>
        %dma_wait3A_222 = arith.constant 0 : i32
        %dma_wait3A_223 = tpu.memref_slice %arg6[%add3A_189, %dma_wait3A_222] : memref<80x128xi32, #tpu.memory_space<vmem>> -> memref<1x128xi32, #tpu.memory_space<vmem>>
        %dma_wait3A_224 = tpu.memref_squeeze %dma_wait3A_223 : memref<1x128xi32, #tpu.memory_space<vmem>> -> memref<128xi32, #tpu.memory_space<vmem>>
        %dma_wait3A_225 = arith.constant 0 : i32
        %dma_wait3A_226 = arith.constant 0 : i32
        %dma_wait3A_227 = tpu.memref_slice %arg11[%dma_wait3A_225, %dma_wait3A_226] : memref<10240x16xf32, #tpu.memory_space<vmem_shared>> -> memref<10240x16xf32, #tpu.memory_space<vmem_shared>>
        tpu.wait_indirect_dma semaphore(%run_scoped3A_207 : memref<!tpu.dma_semaphore, #tpu.memory_space<semaphore_mem>>) src(%dma_wait3A_227 : memref<10240x16xf32, #tpu.memory_space<vmem_shared>>) dst(%dma_wait3A_221 : memref<128x16xf32, #tpu.memory_space<vmem>>)
        tpu.yield
      }) : () -> ()
      %add3A_191 = arith.constant 1 : i32
      %add3A_192 = arith.addi %add3A_138, %add3A_191 : i32
      %dma_start3A_193 = arith.constant 1 : i32
      %dma_start3A_194 = arith.constant 1 : i32
      %dma_start3A_195 = arith.constant 0 : i32
      %dma_start3A_196 = arith.constant 0 : i32
      %dma_start3A_197 = tpu.memref_slice %arg8[%dma_start3A_193, %dma_start3A_195, %dma_start3A_196] : memref<2x128x16xf32, #tpu.memory_space<vmem>> -> memref<1x128x16xf32, #tpu.memory_space<vmem>>
      %dma_start3A_198 = tpu.memref_squeeze %dma_start3A_197 : memref<1x128x16xf32, #tpu.memory_space<vmem>> -> memref<128x16xf32, #tpu.memory_space<vmem>>
      %dma_start3A_199 = arith.constant 0 : i32
      %dma_start3A_200 = tpu.memref_slice %arg7[%add3A_192, %dma_start3A_199] : memref<80x128xi32, #tpu.memory_space<vmem>> -> memref<1x128xi32, #tpu.memory_space<vmem>>
      %dma_start3A_201 = tpu.memref_squeeze %dma_start3A_200 : memref<1x128xi32, #tpu.memory_space<vmem>> -> memref<128xi32, #tpu.memory_space<vmem>>
      %dma_start3A_202 = arith.constant 0 : i32
      %dma_start3A_203 = arith.constant 0 : i32
      %dma_start3A_204 = tpu.memref_slice %arg12[%dma_start3A_202, %dma_start3A_203] : memref<10240x16xf32, #tpu.memory_space<vmem_shared>> -> memref<10240x16xf32, #tpu.memory_space<vmem_shared>>
      %dma_start3A_205 = tpu.memref_slice %arg13[%dma_start3A_194] : memref<2x!tpu.dma_semaphore, #tpu.memory_space<semaphore_mem>> -> memref<1x!tpu.dma_semaphore, #tpu.memory_space<semaphore_mem>>
      %dma_start3A_206 = tpu.memref_squeeze %dma_start3A_205 : memref<1x!tpu.dma_semaphore, #tpu.memory_space<semaphore_mem>> -> memref<!tpu.dma_semaphore, #tpu.memory_space<semaphore_mem>>
      tpu.enqueue_indirect_dma source(%dma_start3A_198 : memref<128x16xf32, #tpu.memory_space<vmem>>) target(%dma_start3A_204 : memref<10240x16xf32, #tpu.memory_space<vmem_shared>>) offsets(%dma_start3A_201 : memref<128xi32, #tpu.memory_space<vmem>>) semaphore(%dma_start3A_206 : memref<!tpu.dma_semaphore, #tpu.memory_space<semaphore_mem>>) {add = true}
    }
    %scan3A_93 = arith.constant 39 : i32
    %dma_wait3A_94 = arith.constant 0 : i32
    %dma_wait3A_95 = arith.constant 0 : i32
    %dma_wait3A_96 = arith.constant 0 : i32
    %dma_wait3A_97 = arith.constant 0 : i32
    %dma_wait3A_98 = arith.constant 0 : i32
    %dma_wait3A_99 = tpu.memref_slice %arg8[%dma_wait3A_94, %dma_wait3A_97, %dma_wait3A_98] : memref<2x128x16xf32, #tpu.memory_space<vmem>> -> memref<1x128x16xf32, #tpu.memory_space<vmem>>
    %dma_wait3A_100 = tpu.memref_squeeze %dma_wait3A_99 : memref<1x128x16xf32, #tpu.memory_space<vmem>> -> memref<128x16xf32, #tpu.memory_space<vmem>>
    %dma_wait3A_101 = arith.constant 0 : i32
    %dma_wait3A_102 = tpu.memref_slice %arg7[%dma_wait3A_95, %dma_wait3A_101] : memref<80x128xi32, #tpu.memory_space<vmem>> -> memref<1x128xi32, #tpu.memory_space<vmem>>
    %dma_wait3A_103 = tpu.memref_squeeze %dma_wait3A_102 : memref<1x128xi32, #tpu.memory_space<vmem>> -> memref<128xi32, #tpu.memory_space<vmem>>
    %dma_wait3A_104 = arith.constant 0 : i32
    %dma_wait3A_105 = arith.constant 0 : i32
    %dma_wait3A_106 = tpu.memref_slice %arg12[%dma_wait3A_104, %dma_wait3A_105] : memref<10240x16xf32, #tpu.memory_space<vmem_shared>> -> memref<10240x16xf32, #tpu.memory_space<vmem_shared>>
    %dma_wait3A_107 = tpu.memref_slice %arg13[%dma_wait3A_96] : memref<2x!tpu.dma_semaphore, #tpu.memory_space<semaphore_mem>> -> memref<1x!tpu.dma_semaphore, #tpu.memory_space<semaphore_mem>>
    %dma_wait3A_108 = tpu.memref_squeeze %dma_wait3A_107 : memref<1x!tpu.dma_semaphore, #tpu.memory_space<semaphore_mem>> -> memref<!tpu.dma_semaphore, #tpu.memory_space<semaphore_mem>>
    tpu.wait_indirect_dma semaphore(%dma_wait3A_108 : memref<!tpu.dma_semaphore, #tpu.memory_space<semaphore_mem>>) src(%dma_wait3A_100 : memref<128x16xf32, #tpu.memory_space<vmem>>) dst(%dma_wait3A_106 : memref<10240x16xf32, #tpu.memory_space<vmem_shared>>)
    %dma_wait3A_109 = arith.constant 1 : i32
    %dma_wait3A_110 = arith.constant 0 : i32
    %dma_wait3A_111 = arith.constant 1 : i32
    %dma_wait3A_112 = arith.constant 0 : i32
    %dma_wait3A_113 = arith.constant 0 : i32
    %dma_wait3A_114 = tpu.memref_slice %arg8[%dma_wait3A_109, %dma_wait3A_112, %dma_wait3A_113] : memref<2x128x16xf32, #tpu.memory_space<vmem>> -> memref<1x128x16xf32, #tpu.memory_space<vmem>>
    %dma_wait3A_115 = tpu.memref_squeeze %dma_wait3A_114 : memref<1x128x16xf32, #tpu.memory_space<vmem>> -> memref<128x16xf32, #tpu.memory_space<vmem>>
    %dma_wait3A_116 = arith.constant 0 : i32
    %dma_wait3A_117 = tpu.memref_slice %arg7[%dma_wait3A_110, %dma_wait3A_116] : memref<80x128xi32, #tpu.memory_space<vmem>> -> memref<1x128xi32, #tpu.memory_space<vmem>>
    %dma_wait3A_118 = tpu.memref_squeeze %dma_wait3A_117 : memref<1x128xi32, #tpu.memory_space<vmem>> -> memref<128xi32, #tpu.memory_space<vmem>>
    %dma_wait3A_119 = arith.constant 0 : i32
    %dma_wait3A_120 = arith.constant 0 : i32
    %dma_wait3A_121 = tpu.memref_slice %arg12[%dma_wait3A_119, %dma_wait3A_120] : memref<10240x16xf32, #tpu.memory_space<vmem_shared>> -> memref<10240x16xf32, #tpu.memory_space<vmem_shared>>
    %dma_wait3A_122 = tpu.memref_slice %arg13[%dma_wait3A_111] : memref<2x!tpu.dma_semaphore, #tpu.memory_space<semaphore_mem>> -> memref<1x!tpu.dma_semaphore, #tpu.memory_space<semaphore_mem>>
    %dma_wait3A_123 = tpu.memref_squeeze %dma_wait3A_122 : memref<1x!tpu.dma_semaphore, #tpu.memory_space<semaphore_mem>> -> memref<!tpu.dma_semaphore, #tpu.memory_space<semaphore_mem>>
    tpu.wait_indirect_dma semaphore(%dma_wait3A_123 : memref<!tpu.dma_semaphore, #tpu.memory_space<semaphore_mem>>) src(%dma_wait3A_115 : memref<128x16xf32, #tpu.memory_space<vmem>>) dst(%dma_wait3A_121 : memref<10240x16xf32, #tpu.memory_space<vmem_shared>>)
    %barrier3A_124 = arith.constant 0 : index
    tpu.barrier barrier_id(%barrier3A_124)
    %mul3A_125 = arith.constant 640 : i32
    %mul3A_126 = arith.muli %arg1, %mul3A_125 : i32
    "tpu.region"() ({
      %run_scoped3A_134 = tpu.sem_alloc : memref<!tpu.dma_semaphore, #tpu.memory_space<semaphore_mem>>
      %dma_start3A_135 = arith.constant 0 : i32
      %dma_start3A_136 = tpu.memref_slice %arg12[%mul3A_126, %dma_start3A_135] : memref<10240x16xf32, #tpu.memory_space<vmem_shared>> -> memref<640x16xf32, #tpu.memory_space<vmem_shared>>
      %dma_start3A_137 = arith.constant 0 : i32
      %dma_start3A_138 = tpu.memref_slice %arg12[%mul3A_126, %dma_start3A_137] : memref<10240x16xf32, #tpu.memory_space<vmem_shared>> -> memref<640x16xf32, #tpu.memory_space<vmem_shared>>
      tpu.enqueue_dma source(%dma_start3A_138 : memref<640x16xf32, #tpu.memory_space<vmem_shared>>) target(%arg10 : memref<640x16xf32, #tpu.memory_space<vmem>>) target_semaphore(%run_scoped3A_134 : memref<!tpu.dma_semaphore, #tpu.memory_space<semaphore_mem>>)
      %dma_wait3A_139 = arith.constant 0 : i32
      %dma_wait3A_140 = tpu.memref_slice %arg12[%mul3A_126, %dma_wait3A_139] : memref<10240x16xf32, #tpu.memory_space<vmem_shared>> -> memref<640x16xf32, #tpu.memory_space<vmem_shared>>
      %dma_wait3A_141 = arith.constant 0 : i32
      %dma_wait3A_142 = tpu.memref_slice %arg12[%mul3A_126, %dma_wait3A_141] : memref<10240x16xf32, #tpu.memory_space<vmem_shared>> -> memref<640x16xf32, #tpu.memory_space<vmem_shared>>
      tpu.wait_dma2 semaphore(%run_scoped3A_134 : memref<!tpu.dma_semaphore, #tpu.memory_space<semaphore_mem>>) src(%dma_wait3A_142 : memref<640x16xf32, #tpu.memory_space<vmem_shared>>) dst(%arg10 : memref<640x16xf32, #tpu.memory_space<vmem>>)
      tpu.yield
    }) : () -> ()
    %scan3A_127 = arith.constant 0 : i32
    %scan3A_128 = arith.constant 80 : i32
    %scan3A_129 = arith.addi %scan3A_127, %scan3A_128 : i32
    %scan3A_130 = arith.constant 1 : i32
    scf.for %scan3A_134 = %scan3A_127 to %scan3A_129 step %scan3A_130  : i32 {
      %mul3A_135 = arith.constant 1 : i32
      %mul3A_136 = arith.muli %scan3A_134, %mul3A_135 : i32
      %add3A_137 = arith.constant 0 : i32
      %add3A_138 = arith.addi %add3A_137, %mul3A_136 : i32
      %mul3A_139 = arith.constant 8 : i32
      %mul3A_140 = arith.muli %add3A_138, %mul3A_139 : i32
      %add3A_141 = arith.constant 0 : i32
      %add3A_142 = arith.addi %mul3A_140, %add3A_141 : i32
      %get3A = arith.index_cast %add3A_142 : i32 to index
      %get3A_143 = arith.constant 0 : index
      %get3A_144 = tpu.vector_load %arg10[%get3A, %get3A_143] {strides = array<i32>} : memref<640x16xf32, #tpu.memory_space<vmem>>, vector<1x16xf32>,
      %get3A_145 = vector.shape_cast %get3A_144 : vector<1x16xf32> to vector<16xf32>
      %swap3A = arith.index_cast %add3A_138 : i32 to index
      %swap3A_146 = arith.constant 0 : index
      %swap3A_147 = tpu.vector_load %arg9[%swap3A, %swap3A_146] {strides = array<i32>} : memref<80x128xf32, #tpu.memory_space<vmem>>, vector<1x16xf32>,
      %swap3A_148 = vector.shape_cast %swap3A_147 : vector<1x16xf32> to vector<16xf32>
      %swap3A_149 = vector.shape_cast %get3A_145 : vector<16xf32> to vector<1x16xf32>
      tpu.vector_store %arg9[%swap3A, %swap3A_146], %swap3A_149 {strides = array<i32>} : memref<80x128xf32, #tpu.memory_space<vmem>>, vector<1x16xf32>,
      %mul3A_150 = arith.constant 8 : i32
      %mul3A_151 = arith.muli %add3A_138, %mul3A_150 : i32
      %add3A_152 = arith.constant 1 : i32
      %add3A_153 = arith.addi %mul3A_151, %add3A_152 : i32
      %get3A_154 = arith.index_cast %add3A_153 : i32 to index
      %get3A_155 = arith.constant 0 : index
      %get3A_156 = tpu.vector_load %arg10[%get3A_154, %get3A_155] {strides = array<i32>} : memref<640x16xf32, #tpu.memory_space<vmem>>, vector<1x16xf32>,
      %get3A_157 = vector.shape_cast %get3A_156 : vector<1x16xf32> to vector<16xf32>
      %swap3A_158 = arith.index_cast %add3A_138 : i32 to index
      %swap3A_159 = arith.constant 16 : index
      %swap3A_160 = tpu.vector_load %arg9[%swap3A_158, %swap3A_159] {strides = array<i32>} : memref<80x128xf32, #tpu.memory_space<vmem>>, vector<1x16xf32>,
      %swap3A_161 = vector.shape_cast %swap3A_160 : vector<1x16xf32> to vector<16xf32>
      %swap3A_162 = vector.shape_cast %get3A_157 : vector<16xf32> to vector<1x16xf32>
      tpu.vector_store %arg9[%swap3A_158, %swap3A_159], %swap3A_162 {strides = array<i32>} : memref<80x128xf32, #tpu.memory_space<vmem>>, vector<1x16xf32>,
      %mul3A_163 = arith.constant 8 : i32
      %mul3A_164 = arith.muli %add3A_138, %mul3A_163 : i32
      %add3A_165 = arith.constant 2 : i32
      %add3A_166 = arith.addi %mul3A_164, %add3A_165 : i32
      %get3A_167 = arith.index_cast %add3A_166 : i32 to index
      %get3A_168 = arith.constant 0 : index
      %get3A_169 = tpu.vector_load %arg10[%get3A_167, %get3A_168] {strides = array<i32>} : memref<640x16xf32, #tpu.memory_space<vmem>>, vector<1x16xf32>,
      %get3A_170 = vector.shape_cast %get3A_169 : vector<1x16xf32> to vector<16xf32>
      %swap3A_171 = arith.index_cast %add3A_138 : i32 to index
      %swap3A_172 = arith.constant 32 : index
      %swap3A_173 = tpu.vector_load %arg9[%swap3A_171, %swap3A_172] {strides = array<i32>} : memref<80x128xf32, #tpu.memory_space<vmem>>, vector<1x16xf32>,
      %swap3A_174 = vector.shape_cast %swap3A_173 : vector<1x16xf32> to vector<16xf32>
      %swap3A_175 = vector.shape_cast %get3A_170 : vector<16xf32> to vector<1x16xf32>
      tpu.vector_store %arg9[%swap3A_171, %swap3A_172], %swap3A_175 {strides = array<i32>} : memref<80x128xf32, #tpu.memory_space<vmem>>, vector<1x16xf32>,
      %mul3A_176 = arith.constant 8 : i32
      %mul3A_177 = arith.muli %add3A_138, %mul3A_176 : i32
      %add3A_178 = arith.constant 3 : i32
      %add3A_179 = arith.addi %mul3A_177, %add3A_178 : i32
      %get3A_180 = arith.index_cast %add3A_179 : i32 to index
      %get3A_181 = arith.constant 0 : index
      %get3A_182 = tpu.vector_load %arg10[%get3A_180, %get3A_181] {strides = array<i32>} : memref<640x16xf32, #tpu.memory_space<vmem>>, vector<1x16xf32>,
      %get3A_183 = vector.shape_cast %get3A_182 : vector<1x16xf32> to vector<16xf32>
      %swap3A_184 = arith.index_cast %add3A_138 : i32 to index
      %swap3A_185 = arith.constant 48 : index
      %swap3A_186 = tpu.vector_load %arg9[%swap3A_184, %swap3A_185] {strides = array<i32>} : memref<80x128xf32, #tpu.memory_space<vmem>>, vector<1x16xf32>,
      %swap3A_187 = vector.shape_cast %swap3A_186 : vector<1x16xf32> to vector<16xf32>
      %swap3A_188 = vector.shape_cast %get3A_183 : vector<16xf32> to vector<1x16xf32>
      tpu.vector_store %arg9[%swap3A_184, %swap3A_185], %swap3A_188 {strides = array<i32>} : memref<80x128xf32, #tpu.memory_space<vmem>>, vector<1x16xf32>,
      %mul3A_189 = arith.constant 8 : i32
      %mul3A_190 = arith.muli %add3A_138, %mul3A_189 : i32
      %add3A_191 = arith.constant 4 : i32
      %add3A_192 = arith.addi %mul3A_190, %add3A_191 : i32
      %get3A_193 = arith.index_cast %add3A_192 : i32 to index
      %get3A_194 = arith.constant 0 : index
      %get3A_195 = tpu.vector_load %arg10[%get3A_193, %get3A_194] {strides = array<i32>} : memref<640x16xf32, #tpu.memory_space<vmem>>, vector<1x16xf32>,
      %get3A_196 = vector.shape_cast %get3A_195 : vector<1x16xf32> to vector<16xf32>
      %swap3A_197 = arith.index_cast %add3A_138 : i32 to index
      %swap3A_198 = arith.constant 64 : index
      %swap3A_199 = tpu.vector_load %arg9[%swap3A_197, %swap3A_198] {strides = array<i32>} : memref<80x128xf32, #tpu.memory_space<vmem>>, vector<1x16xf32>,
      %swap3A_200 = vector.shape_cast %swap3A_199 : vector<1x16xf32> to vector<16xf32>
      %swap3A_201 = vector.shape_cast %get3A_196 : vector<16xf32> to vector<1x16xf32>
      tpu.vector_store %arg9[%swap3A_197, %swap3A_198], %swap3A_201 {strides = array<i32>} : memref<80x128xf32, #tpu.memory_space<vmem>>, vector<1x16xf32>,
      %mul3A_202 = arith.constant 8 : i32
      %mul3A_203 = arith.muli %add3A_138, %mul3A_202 : i32
      %add3A_204 = arith.constant 5 : i32
      %add3A_205 = arith.addi %mul3A_203, %add3A_204 : i32
      %get3A_206 = arith.index_cast %add3A_205 : i32 to index
      %get3A_207 = arith.constant 0 : index
      %get3A_208 = tpu.vector_load %arg10[%get3A_206, %get3A_207] {strides = array<i32>} : memref<640x16xf32, #tpu.memory_space<vmem>>, vector<1x16xf32>,
      %get3A_209 = vector.shape_cast %get3A_208 : vector<1x16xf32> to vector<16xf32>
      %swap3A_210 = arith.index_cast %add3A_138 : i32 to index
      %swap3A_211 = arith.constant 80 : index
      %swap3A_212 = tpu.vector_load %arg9[%swap3A_210, %swap3A_211] {strides = array<i32>} : memref<80x128xf32, #tpu.memory_space<vmem>>, vector<1x16xf32>,
      %swap3A_213 = vector.shape_cast %swap3A_212 : vector<1x16xf32> to vector<16xf32>
      %swap3A_214 = vector.shape_cast %get3A_209 : vector<16xf32> to vector<1x16xf32>
      tpu.vector_store %arg9[%swap3A_210, %swap3A_211], %swap3A_214 {strides = array<i32>} : memref<80x128xf32, #tpu.memory_space<vmem>>, vector<1x16xf32>,
      %mul3A_215 = arith.constant 8 : i32
      %mul3A_216 = arith.muli %add3A_138, %mul3A_215 : i32
      %add3A_217 = arith.constant 6 : i32
      %add3A_218 = arith.addi %mul3A_216, %add3A_217 : i32
      %get3A_219 = arith.index_cast %add3A_218 : i32 to index
      %get3A_220 = arith.constant 0 : index
      %get3A_221 = tpu.vector_load %arg10[%get3A_219, %get3A_220] {strides = array<i32>} : memref<640x16xf32, #tpu.memory_space<vmem>>, vector<1x16xf32>,
      %get3A_222 = vector.shape_cast %get3A_221 : vector<1x16xf32> to vector<16xf32>
      %swap3A_223 = arith.index_cast %add3A_138 : i32 to index
      %swap3A_224 = arith.constant 96 : index
      %swap3A_225 = tpu.vector_load %arg9[%swap3A_223, %swap3A_224] {strides = array<i32>} : memref<80x128xf32, #tpu.memory_space<vmem>>, vector<1x16xf32>,
      %swap3A_226 = vector.shape_cast %swap3A_225 : vector<1x16xf32> to vector<16xf32>
      %swap3A_227 = vector.shape_cast %get3A_222 : vector<16xf32> to vector<1x16xf32>
      tpu.vector_store %arg9[%swap3A_223, %swap3A_224], %swap3A_227 {strides = array<i32>} : memref<80x128xf32, #tpu.memory_space<vmem>>, vector<1x16xf32>,
      %mul3A_228 = arith.constant 8 : i32
      %mul3A_229 = arith.muli %add3A_138, %mul3A_228 : i32
      %add3A_230 = arith.constant 7 : i32
      %add3A_231 = arith.addi %mul3A_229, %add3A_230 : i32
      %get3A_232 = arith.index_cast %add3A_231 : i32 to index
      %get3A_233 = arith.constant 0 : index
      %get3A_234 = tpu.vector_load %arg10[%get3A_232, %get3A_233] {strides = array<i32>} : memref<640x16xf32, #tpu.memory_space<vmem>>, vector<1x16xf32>,
      %get3A_235 = vector.shape_cast %get3A_234 : vector<1x16xf32> to vector<16xf32>
      %swap3A_236 = arith.index_cast %add3A_138 : i32 to index
      %swap3A_237 = arith.constant 112 : index
      %swap3A_238 = tpu.vector_load %arg9[%swap3A_236, %swap3A_237] {strides = array<i32>} : memref<80x128xf32, #tpu.memory_space<vmem>>, vector<1x16xf32>,
      %swap3A_239 = vector.shape_cast %swap3A_238 : vector<1x16xf32> to vector<16xf32>
      %swap3A_240 = vector.shape_cast %get3A_235 : vector<16xf32> to vector<1x16xf32>
      tpu.vector_store %arg9[%swap3A_236, %swap3A_237], %swap3A_240 {strides = array<i32>} : memref<80x128xf32, #tpu.memory_space<vmem>>, vector<1x16xf32>,
    }
    %scan3A_131 = arith.constant 80 : i32
    %mul3A_132 = arith.constant 80 : i32
    %mul3A_133 = arith.muli %arg1, %mul3A_132 : i32
    "tpu.region"() ({
      %run_scoped3A_134 = tpu.sem_alloc : memref<!tpu.dma_semaphore, #tpu.memory_space<semaphore_mem>>
      %dma_start3A_135 = arith.constant 0 : i32
      %dma_start3A_136 = tpu.memref_slice %arg5[%arg0, %mul3A_133, %dma_start3A_135] : memref<2x1280x128xf32, #tpu.memory_space<hbm>> -> memref<1x80x128xf32, #tpu.memory_space<hbm>>
      %dma_start3A_137 = tpu.memref_squeeze %dma_start3A_136 : memref<1x80x128xf32, #tpu.memory_space<hbm>> -> memref<80x128xf32, #tpu.memory_space<hbm>>
      %dma_start3A_138 = arith.constant 0 : i32
      %dma_start3A_139 = tpu.memref_slice %arg5[%arg0, %mul3A_133, %dma_start3A_138] : memref<2x1280x128xf32, #tpu.memory_space<hbm>> -> memref<1x80x128xf32, #tpu.memory_space<hbm>>
      %dma_start3A_140 = tpu.memref_squeeze %dma_start3A_139 : memref<1x80x128xf32, #tpu.memory_space<hbm>> -> memref<80x128xf32, #tpu.memory_space<hbm>>
      tpu.enqueue_dma source(%arg9 : memref<80x128xf32, #tpu.memory_space<vmem>>) target(%dma_start3A_140 : memref<80x128xf32, #tpu.memory_space<hbm>>) target_semaphore(%run_scoped3A_134 : memref<!tpu.dma_semaphore, #tpu.memory_space<semaphore_mem>>)
      %dma_wait3A_141 = arith.constant 0 : i32
      %dma_wait3A_142 = tpu.memref_slice %arg5[%arg0, %mul3A_133, %dma_wait3A_141] : memref<2x1280x128xf32, #tpu.memory_space<hbm>> -> memref<1x80x128xf32, #tpu.memory_space<hbm>>
      %dma_wait3A_143 = tpu.memref_squeeze %dma_wait3A_142 : memref<1x80x128xf32, #tpu.memory_space<hbm>> -> memref<80x128xf32, #tpu.memory_space<hbm>>
      %dma_wait3A_144 = arith.constant 0 : i32
      %dma_wait3A_145 = tpu.memref_slice %arg5[%arg0, %mul3A_133, %dma_wait3A_144] : memref<2x1280x128xf32, #tpu.memory_space<hbm>> -> memref<1x80x128xf32, #tpu.memory_space<hbm>>
      %dma_wait3A_146 = tpu.memref_squeeze %dma_wait3A_145 : memref<1x80x128xf32, #tpu.memory_space<hbm>> -> memref<80x128xf32, #tpu.memory_space<hbm>>
      tpu.wait_dma2 semaphore(%run_scoped3A_134 : memref<!tpu.dma_semaphore, #tpu.memory_space<semaphore_mem>>) src(%arg9 : memref<80x128xf32, #tpu.memory_space<vmem>>) dst(%dma_wait3A_146 : memref<80x128xf32, #tpu.memory_space<hbm>>)
      tpu.yield
    }) : () -> ()
    return
  }
}

#map = affine_map<(d0, d1) -> (0, 0)>
#map1 = affine_map<(d0, d1) -> (0, 0, 0)>
module attributes {stable_mosaic.version = 14 : i64} {
  func.func @_prop(%arg0: i32, %arg1: i32, %arg2: memref<1280x128xf32, #tpu.memory_space<hbm>>, %arg3: memref<32x80x128xi32, #tpu.memory_space<hbm>>, %arg4: memref<32x80x128xi32, #tpu.memory_space<hbm>>, %arg5: memref<2x1280x128xf32, #tpu.memory_space<hbm>>, %arg6: memref<80x128xi32, #tpu.memory_space<vmem>>, %arg7: memref<80x128xi32, #tpu.memory_space<vmem>>, %arg8: memref<2x128x16xf32, #tpu.memory_space<vmem>>, %arg9: memref<80x128xf32, #tpu.memory_space<vmem>>, %arg10: memref<640x16xf32, #tpu.memory_space<vmem>>, %arg11: memref<10240x16xf32, #tpu.memory_space<vmem_shared>>, %arg12: memref<10240x16xf32, #tpu.memory_space<vmem_shared>>, %arg13: memref<2x!tpu.dma_semaphore, #tpu.memory_space<semaphore_mem>>, %arg14: memref<!tpu.dma_semaphore, #tpu.memory_space<semaphore_mem>>) attributes {dimension_semantics = [#tpu.dimension_semantics<core_parallel>, #tpu.dimension_semantics<subcore_parallel>], iteration_bounds = array<i64: 2, 16>, scalar_prefetch = 0 : i64, scratch_operands = 9 : i64, tpu.core_type = #tpu.core_type<sc_vector_subcore>, window_params = [{transform_indices = #map}, {transform_indices = #map1}, {transform_indices = #map1}, {transform_indices = #map1}]} {
    %mul3A = arith.constant 16 : i32
    %mul3A_0 = arith.muli %arg0, %mul3A : i32
    %add3A = arith.addi %mul3A_0, %arg1 : i32
    %mul3A_1 = arith.constant 80 : i32
    %mul3A_2 = arith.muli %arg1, %mul3A_1 : i32
    %dma_start3A = arith.constant 0 : i32
    %dma_start3A_3 = tpu.memref_slice %arg2[%mul3A_2, %dma_start3A] : memref<1280x128xf32, #tpu.memory_space<hbm>> -> memref<80x128xf32, #tpu.memory_space<hbm>>
    %dma_start3A_4 = arith.constant 0 : i32
    %dma_start3A_5 = tpu.memref_slice %arg2[%mul3A_2, %dma_start3A_4] : memref<1280x128xf32, #tpu.memory_space<hbm>> -> memref<80x128xf32, #tpu.memory_space<hbm>>
    tpu.enqueue_dma source(%dma_start3A_5 : memref<80x128xf32, #tpu.memory_space<hbm>>) target(%arg9 : memref<80x128xf32, #tpu.memory_space<vmem>>) target_semaphore(%arg14 : memref<!tpu.dma_semaphore, #tpu.memory_space<semaphore_mem>>)
    %dma_start3A_6 = arith.constant 0 : i32
    %dma_start3A_7 = arith.constant 0 : i32
    %dma_start3A_8 = tpu.memref_slice %arg3[%add3A, %dma_start3A_6, %dma_start3A_7] : memref<32x80x128xi32, #tpu.memory_space<hbm>> -> memref<1x80x128xi32, #tpu.memory_space<hbm>>
    %dma_start3A_9 = tpu.memref_squeeze %dma_start3A_8 : memref<1x80x128xi32, #tpu.memory_space<hbm>> -> memref<80x128xi32, #tpu.memory_space<hbm>>
    %dma_start3A_10 = arith.constant 0 : i32
    %dma_start3A_11 = arith.constant 0 : i32
    %dma_start3A_12 = tpu.memref_slice %arg3[%add3A, %dma_start3A_10, %dma_start3A_11] : memref<32x80x128xi32, #tpu.memory_space<hbm>> -> memref<1x80x128xi32, #tpu.memory_space<hbm>>
    %dma_start3A_13 = tpu.memref_squeeze %dma_start3A_12 : memref<1x80x128xi32, #tpu.memory_space<hbm>> -> memref<80x128xi32, #tpu.memory_space<hbm>>
    tpu.enqueue_dma source(%dma_start3A_13 : memref<80x128xi32, #tpu.memory_space<hbm>>) target(%arg6 : memref<80x128xi32, #tpu.memory_space<vmem>>) target_semaphore(%arg14 : memref<!tpu.dma_semaphore, #tpu.memory_space<semaphore_mem>>)
    %dma_start3A_14 = arith.constant 0 : i32
    %dma_start3A_15 = arith.constant 0 : i32
    %dma_start3A_16 = tpu.memref_slice %arg4[%add3A, %dma_start3A_14, %dma_start3A_15] : memref<32x80x128xi32, #tpu.memory_space<hbm>> -> memref<1x80x128xi32, #tpu.memory_space<hbm>>
    %dma_start3A_17 = tpu.memref_squeeze %dma_start3A_16 : memref<1x80x128xi32, #tpu.memory_space<hbm>> -> memref<80x128xi32, #tpu.memory_space<hbm>>
    %dma_start3A_18 = arith.constant 0 : i32
    %dma_start3A_19 = arith.constant 0 : i32
    %dma_start3A_20 = tpu.memref_slice %arg4[%add3A, %dma_start3A_18, %dma_start3A_19] : memref<32x80x128xi32, #tpu.memory_space<hbm>> -> memref<1x80x128xi32, #tpu.memory_space<hbm>>
    %dma_start3A_21 = tpu.memref_squeeze %dma_start3A_20 : memref<1x80x128xi32, #tpu.memory_space<hbm>> -> memref<80x128xi32, #tpu.memory_space<hbm>>
    tpu.enqueue_dma source(%dma_start3A_21 : memref<80x128xi32, #tpu.memory_space<hbm>>) target(%arg7 : memref<80x128xi32, #tpu.memory_space<vmem>>) target_semaphore(%arg14 : memref<!tpu.dma_semaphore, #tpu.memory_space<semaphore_mem>>)
    %mul3A_22 = arith.constant 80 : i32
    %mul3A_23 = arith.muli %arg1, %mul3A_22 : i32
    %dma_wait3A = arith.constant 0 : i32
    %dma_wait3A_24 = tpu.memref_slice %arg2[%mul3A_23, %dma_wait3A] : memref<1280x128xf32, #tpu.memory_space<hbm>> -> memref<80x128xf32, #tpu.memory_space<hbm>>
    %dma_wait3A_25 = arith.constant 0 : i32
    %dma_wait3A_26 = tpu.memref_slice %arg2[%mul3A_23, %dma_wait3A_25] : memref<1280x128xf32, #tpu.memory_space<hbm>> -> memref<80x128xf32, #tpu.memory_space<hbm>>
    tpu.wait_dma2 semaphore(%arg14 : memref<!tpu.dma_semaphore, #tpu.memory_space<semaphore_mem>>) src(%dma_wait3A_26 : memref<80x128xf32, #tpu.memory_space<hbm>>) dst(%arg9 : memref<80x128xf32, #tpu.memory_space<vmem>>)
    %scan3A = arith.constant 0 : i32
    %scan3A_27 = arith.constant 80 : i32
    %scan3A_28 = arith.addi %scan3A, %scan3A_27 : i32
    %scan3A_29 = arith.constant 1 : i32
    scf.for %scan3A_134 = %scan3A to %scan3A_28 step %scan3A_29  : i32 {
      %mul3A_135 = arith.constant 1 : i32
      %mul3A_136 = arith.muli %scan3A_134, %mul3A_135 : i32
      %add3A_137 = arith.constant 0 : i32
      %add3A_138 = arith.addi %add3A_137, %mul3A_136 : i32
      %get3A = arith.index_cast %add3A_138 : i32 to index
      %get3A_139 = arith.constant 0 : index
      %get3A_140 = tpu.vector_load %arg9[%get3A, %get3A_139] {strides = array<i32>} : memref<80x128xf32, #tpu.memory_space<vmem>>, vector<1x16xf32>,
      %get3A_141 = vector.shape_cast %get3A_140 : vector<1x16xf32> to vector<16xf32>
      %mul3A_142 = arith.constant 8 : i32
      %mul3A_143 = arith.muli %add3A_138, %mul3A_142 : i32
      %add3A_144 = arith.constant 0 : i32
      %add3A_145 = arith.addi %mul3A_143, %add3A_144 : i32
      %swap3A = arith.index_cast %add3A_145 : i32 to index
      %swap3A_146 = arith.constant 0 : index
      %swap3A_147 = tpu.vector_load %arg10[%swap3A, %swap3A_146] {strides = array<i32>} : memref<640x16xf32, #tpu.memory_space<vmem>>, vector<1x16xf32>,
      %swap3A_148 = vector.shape_cast %swap3A_147 : vector<1x16xf32> to vector<16xf32>
      %swap3A_149 = vector.shape_cast %get3A_141 : vector<16xf32> to vector<1x16xf32>
      tpu.vector_store %arg10[%swap3A, %swap3A_146], %swap3A_149 {strides = array<i32>} : memref<640x16xf32, #tpu.memory_space<vmem>>, vector<1x16xf32>,
      %get3A_150 = arith.index_cast %add3A_138 : i32 to index
      %get3A_151 = arith.constant 16 : index
      %get3A_152 = tpu.vector_load %arg9[%get3A_150, %get3A_151] {strides = array<i32>} : memref<80x128xf32, #tpu.memory_space<vmem>>, vector<1x16xf32>,
      %get3A_153 = vector.shape_cast %get3A_152 : vector<1x16xf32> to vector<16xf32>
      %mul3A_154 = arith.constant 8 : i32
      %mul3A_155 = arith.muli %add3A_138, %mul3A_154 : i32
      %add3A_156 = arith.constant 1 : i32
      %add3A_157 = arith.addi %mul3A_155, %add3A_156 : i32
      %swap3A_158 = arith.index_cast %add3A_157 : i32 to index
      %swap3A_159 = arith.constant 0 : index
      %swap3A_160 = tpu.vector_load %arg10[%swap3A_158, %swap3A_159] {strides = array<i32>} : memref<640x16xf32, #tpu.memory_space<vmem>>, vector<1x16xf32>,
      %swap3A_161 = vector.shape_cast %swap3A_160 : vector<1x16xf32> to vector<16xf32>
      %swap3A_162 = vector.shape_cast %get3A_153 : vector<16xf32> to vector<1x16xf32>
      tpu.vector_store %arg10[%swap3A_158, %swap3A_159], %swap3A_162 {strides = array<i32>} : memref<640x16xf32, #tpu.memory_space<vmem>>, vector<1x16xf32>,
      %get3A_163 = arith.index_cast %add3A_138 : i32 to index
      %get3A_164 = arith.constant 32 : index
      %get3A_165 = tpu.vector_load %arg9[%get3A_163, %get3A_164] {strides = array<i32>} : memref<80x128xf32, #tpu.memory_space<vmem>>, vector<1x16xf32>,
      %get3A_166 = vector.shape_cast %get3A_165 : vector<1x16xf32> to vector<16xf32>
      %mul3A_167 = arith.constant 8 : i32
      %mul3A_168 = arith.muli %add3A_138, %mul3A_167 : i32
      %add3A_169 = arith.constant 2 : i32
      %add3A_170 = arith.addi %mul3A_168, %add3A_169 : i32
      %swap3A_171 = arith.index_cast %add3A_170 : i32 to index
      %swap3A_172 = arith.constant 0 : index
      %swap3A_173 = tpu.vector_load %arg10[%swap3A_171, %swap3A_172] {strides = array<i32>} : memref<640x16xf32, #tpu.memory_space<vmem>>, vector<1x16xf32>,
      %swap3A_174 = vector.shape_cast %swap3A_173 : vector<1x16xf32> to vector<16xf32>
      %swap3A_175 = vector.shape_cast %get3A_166 : vector<16xf32> to vector<1x16xf32>
      tpu.vector_store %arg10[%swap3A_171, %swap3A_172], %swap3A_175 {strides = array<i32>} : memref<640x16xf32, #tpu.memory_space<vmem>>, vector<1x16xf32>,
      %get3A_176 = arith.index_cast %add3A_138 : i32 to index
      %get3A_177 = arith.constant 48 : index
      %get3A_178 = tpu.vector_load %arg9[%get3A_176, %get3A_177] {strides = array<i32>} : memref<80x128xf32, #tpu.memory_space<vmem>>, vector<1x16xf32>,
      %get3A_179 = vector.shape_cast %get3A_178 : vector<1x16xf32> to vector<16xf32>
      %mul3A_180 = arith.constant 8 : i32
      %mul3A_181 = arith.muli %add3A_138, %mul3A_180 : i32
      %add3A_182 = arith.constant 3 : i32
      %add3A_183 = arith.addi %mul3A_181, %add3A_182 : i32
      %swap3A_184 = arith.index_cast %add3A_183 : i32 to index
      %swap3A_185 = arith.constant 0 : index
      %swap3A_186 = tpu.vector_load %arg10[%swap3A_184, %swap3A_185] {strides = array<i32>} : memref<640x16xf32, #tpu.memory_space<vmem>>, vector<1x16xf32>,
      %swap3A_187 = vector.shape_cast %swap3A_186 : vector<1x16xf32> to vector<16xf32>
      %swap3A_188 = vector.shape_cast %get3A_179 : vector<16xf32> to vector<1x16xf32>
      tpu.vector_store %arg10[%swap3A_184, %swap3A_185], %swap3A_188 {strides = array<i32>} : memref<640x16xf32, #tpu.memory_space<vmem>>, vector<1x16xf32>,
      %get3A_189 = arith.index_cast %add3A_138 : i32 to index
      %get3A_190 = arith.constant 64 : index
      %get3A_191 = tpu.vector_load %arg9[%get3A_189, %get3A_190] {strides = array<i32>} : memref<80x128xf32, #tpu.memory_space<vmem>>, vector<1x16xf32>,
      %get3A_192 = vector.shape_cast %get3A_191 : vector<1x16xf32> to vector<16xf32>
      %mul3A_193 = arith.constant 8 : i32
      %mul3A_194 = arith.muli %add3A_138, %mul3A_193 : i32
      %add3A_195 = arith.constant 4 : i32
      %add3A_196 = arith.addi %mul3A_194, %add3A_195 : i32
      %swap3A_197 = arith.index_cast %add3A_196 : i32 to index
      %swap3A_198 = arith.constant 0 : index
      %swap3A_199 = tpu.vector_load %arg10[%swap3A_197, %swap3A_198] {strides = array<i32>} : memref<640x16xf32, #tpu.memory_space<vmem>>, vector<1x16xf32>,
      %swap3A_200 = vector.shape_cast %swap3A_199 : vector<1x16xf32> to vector<16xf32>
      %swap3A_201 = vector.shape_cast %get3A_192 : vector<16xf32> to vector<1x16xf32>
      tpu.vector_store %arg10[%swap3A_197, %swap3A_198], %swap3A_201 {strides = array<i32>} : memref<640x16xf32, #tpu.memory_space<vmem>>, vector<1x16xf32>,
      %get3A_202 = arith.index_cast %add3A_138 : i32 to index
      %get3A_203 = arith.constant 80 : index
      %get3A_204 = tpu.vector_load %arg9[%get3A_202, %get3A_203] {strides = array<i32>} : memref<80x128xf32, #tpu.memory_space<vmem>>, vector<1x16xf32>,
      %get3A_205 = vector.shape_cast %get3A_204 : vector<1x16xf32> to vector<16xf32>
      %mul3A_206 = arith.constant 8 : i32
      %mul3A_207 = arith.muli %add3A_138, %mul3A_206 : i32
      %add3A_208 = arith.constant 5 : i32
      %add3A_209 = arith.addi %mul3A_207, %add3A_208 : i32
      %swap3A_210 = arith.index_cast %add3A_209 : i32 to index
      %swap3A_211 = arith.constant 0 : index
      %swap3A_212 = tpu.vector_load %arg10[%swap3A_210, %swap3A_211] {strides = array<i32>} : memref<640x16xf32, #tpu.memory_space<vmem>>, vector<1x16xf32>,
      %swap3A_213 = vector.shape_cast %swap3A_212 : vector<1x16xf32> to vector<16xf32>
      %swap3A_214 = vector.shape_cast %get3A_205 : vector<16xf32> to vector<1x16xf32>
      tpu.vector_store %arg10[%swap3A_210, %swap3A_211], %swap3A_214 {strides = array<i32>} : memref<640x16xf32, #tpu.memory_space<vmem>>, vector<1x16xf32>,
      %get3A_215 = arith.index_cast %add3A_138 : i32 to index
      %get3A_216 = arith.constant 96 : index
      %get3A_217 = tpu.vector_load %arg9[%get3A_215, %get3A_216] {strides = array<i32>} : memref<80x128xf32, #tpu.memory_space<vmem>>, vector<1x16xf32>,
      %get3A_218 = vector.shape_cast %get3A_217 : vector<1x16xf32> to vector<16xf32>
      %mul3A_219 = arith.constant 8 : i32
      %mul3A_220 = arith.muli %add3A_138, %mul3A_219 : i32
      %add3A_221 = arith.constant 6 : i32
      %add3A_222 = arith.addi %mul3A_220, %add3A_221 : i32
      %swap3A_223 = arith.index_cast %add3A_222 : i32 to index
      %swap3A_224 = arith.constant 0 : index
      %swap3A_225 = tpu.vector_load %arg10[%swap3A_223, %swap3A_224] {strides = array<i32>} : memref<640x16xf32, #tpu.memory_space<vmem>>, vector<1x16xf32>,
      %swap3A_226 = vector.shape_cast %swap3A_225 : vector<1x16xf32> to vector<16xf32>
      %swap3A_227 = vector.shape_cast %get3A_218 : vector<16xf32> to vector<1x16xf32>
      tpu.vector_store %arg10[%swap3A_223, %swap3A_224], %swap3A_227 {strides = array<i32>} : memref<640x16xf32, #tpu.memory_space<vmem>>, vector<1x16xf32>,
      %get3A_228 = arith.index_cast %add3A_138 : i32 to index
      %get3A_229 = arith.constant 112 : index
      %get3A_230 = tpu.vector_load %arg9[%get3A_228, %get3A_229] {strides = array<i32>} : memref<80x128xf32, #tpu.memory_space<vmem>>, vector<1x16xf32>,
      %get3A_231 = vector.shape_cast %get3A_230 : vector<1x16xf32> to vector<16xf32>
      %mul3A_232 = arith.constant 8 : i32
      %mul3A_233 = arith.muli %add3A_138, %mul3A_232 : i32
      %add3A_234 = arith.constant 7 : i32
      %add3A_235 = arith.addi %mul3A_233, %add3A_234 : i32
      %swap3A_236 = arith.index_cast %add3A_235 : i32 to index
      %swap3A_237 = arith.constant 0 : index
      %swap3A_238 = tpu.vector_load %arg10[%swap3A_236, %swap3A_237] {strides = array<i32>} : memref<640x16xf32, #tpu.memory_space<vmem>>, vector<1x16xf32>,
      %swap3A_239 = vector.shape_cast %swap3A_238 : vector<1x16xf32> to vector<16xf32>
      %swap3A_240 = vector.shape_cast %get3A_231 : vector<16xf32> to vector<1x16xf32>
      tpu.vector_store %arg10[%swap3A_236, %swap3A_237], %swap3A_240 {strides = array<i32>} : memref<640x16xf32, #tpu.memory_space<vmem>>, vector<1x16xf32>,
    }
    %scan3A_30 = arith.constant 80 : i32
    %mul3A_31 = arith.constant 640 : i32
    %mul3A_32 = arith.muli %arg1, %mul3A_31 : i32
    "tpu.region"() ({
      %run_scoped3A_134 = tpu.sem_alloc : memref<!tpu.dma_semaphore, #tpu.memory_space<semaphore_mem>>
      %dma_start3A_135 = arith.constant 0 : i32
      %dma_start3A_136 = tpu.memref_slice %arg11[%mul3A_32, %dma_start3A_135] : memref<10240x16xf32, #tpu.memory_space<vmem_shared>> -> memref<640x16xf32, #tpu.memory_space<vmem_shared>>
      %dma_start3A_137 = arith.constant 0 : i32
      %dma_start3A_138 = tpu.memref_slice %arg11[%mul3A_32, %dma_start3A_137] : memref<10240x16xf32, #tpu.memory_space<vmem_shared>> -> memref<640x16xf32, #tpu.memory_space<vmem_shared>>
      tpu.enqueue_dma source(%arg10 : memref<640x16xf32, #tpu.memory_space<vmem>>) target(%dma_start3A_138 : memref<640x16xf32, #tpu.memory_space<vmem_shared>>) target_semaphore(%run_scoped3A_134 : memref<!tpu.dma_semaphore, #tpu.memory_space<semaphore_mem>>)
      %dma_wait3A_139 = arith.constant 0 : i32
      %dma_wait3A_140 = tpu.memref_slice %arg11[%mul3A_32, %dma_wait3A_139] : memref<10240x16xf32, #tpu.memory_space<vmem_shared>> -> memref<640x16xf32, #tpu.memory_space<vmem_shared>>
      %dma_wait3A_141 = arith.constant 0 : i32
      %dma_wait3A_142 = tpu.memref_slice %arg11[%mul3A_32, %dma_wait3A_141] : memref<10240x16xf32, #tpu.memory_space<vmem_shared>> -> memref<640x16xf32, #tpu.memory_space<vmem_shared>>
      tpu.wait_dma2 semaphore(%run_scoped3A_134 : memref<!tpu.dma_semaphore, #tpu.memory_space<semaphore_mem>>) src(%arg10 : memref<640x16xf32, #tpu.memory_space<vmem>>) dst(%dma_wait3A_142 : memref<640x16xf32, #tpu.memory_space<vmem_shared>>)
      tpu.yield
    }) : () -> ()
    %scan3A_33 = arith.constant 0 : i32
    %scan3A_34 = arith.constant 640 : i32
    %scan3A_35 = arith.addi %scan3A_33, %scan3A_34 : i32
    %scan3A_36 = arith.constant 1 : i32
    scf.for %scan3A_134 = %scan3A_33 to %scan3A_35 step %scan3A_36  : i32 {
      %mul3A_135 = arith.constant 1 : i32
      %mul3A_136 = arith.muli %scan3A_134, %mul3A_135 : i32
      %add3A_137 = arith.constant 0 : i32
      %add3A_138 = arith.addi %add3A_137, %mul3A_136 : i32
      %broadcast_in_dim3A = arith.constant 0.000000e+00 : f32
      %broadcast_in_dim3A_139 = vector.broadcast %broadcast_in_dim3A : f32 to vector<16xf32>
      %swap3A = arith.index_cast %add3A_138 : i32 to index
      %swap3A_140 = arith.constant 0 : index
      %swap3A_141 = tpu.vector_load %arg10[%swap3A, %swap3A_140] {strides = array<i32>} : memref<640x16xf32, #tpu.memory_space<vmem>>, vector<1x16xf32>,
      %swap3A_142 = vector.shape_cast %swap3A_141 : vector<1x16xf32> to vector<16xf32>
      %swap3A_143 = vector.shape_cast %broadcast_in_dim3A_139 : vector<16xf32> to vector<1x16xf32>
      tpu.vector_store %arg10[%swap3A, %swap3A_140], %swap3A_143 {strides = array<i32>} : memref<640x16xf32, #tpu.memory_space<vmem>>, vector<1x16xf32>,
    }
    %scan3A_37 = arith.constant 640 : i32
    %mul3A_38 = arith.constant 640 : i32
    %mul3A_39 = arith.muli %arg1, %mul3A_38 : i32
    "tpu.region"() ({
      %run_scoped3A_134 = tpu.sem_alloc : memref<!tpu.dma_semaphore, #tpu.memory_space<semaphore_mem>>
      %dma_start3A_135 = arith.constant 0 : i32
      %dma_start3A_136 = tpu.memref_slice %arg12[%mul3A_39, %dma_start3A_135] : memref<10240x16xf32, #tpu.memory_space<vmem_shared>> -> memref<640x16xf32, #tpu.memory_space<vmem_shared>>
      %dma_start3A_137 = arith.constant 0 : i32
      %dma_start3A_138 = tpu.memref_slice %arg12[%mul3A_39, %dma_start3A_137] : memref<10240x16xf32, #tpu.memory_space<vmem_shared>> -> memref<640x16xf32, #tpu.memory_space<vmem_shared>>
      tpu.enqueue_dma source(%arg10 : memref<640x16xf32, #tpu.memory_space<vmem>>) target(%dma_start3A_138 : memref<640x16xf32, #tpu.memory_space<vmem_shared>>) target_semaphore(%run_scoped3A_134 : memref<!tpu.dma_semaphore, #tpu.memory_space<semaphore_mem>>)
      %dma_wait3A_139 = arith.constant 0 : i32
      %dma_wait3A_140 = tpu.memref_slice %arg12[%mul3A_39, %dma_wait3A_139] : memref<10240x16xf32, #tpu.memory_space<vmem_shared>> -> memref<640x16xf32, #tpu.memory_space<vmem_shared>>
      %dma_wait3A_141 = arith.constant 0 : i32
      %dma_wait3A_142 = tpu.memref_slice %arg12[%mul3A_39, %dma_wait3A_141] : memref<10240x16xf32, #tpu.memory_space<vmem_shared>> -> memref<640x16xf32, #tpu.memory_space<vmem_shared>>
      tpu.wait_dma2 semaphore(%run_scoped3A_134 : memref<!tpu.dma_semaphore, #tpu.memory_space<semaphore_mem>>) src(%arg10 : memref<640x16xf32, #tpu.memory_space<vmem>>) dst(%dma_wait3A_142 : memref<640x16xf32, #tpu.memory_space<vmem_shared>>)
      tpu.yield
    }) : () -> ()
    %dma_wait3A_40 = arith.constant 0 : i32
    %dma_wait3A_41 = arith.constant 0 : i32
    %dma_wait3A_42 = tpu.memref_slice %arg3[%add3A, %dma_wait3A_40, %dma_wait3A_41] : memref<32x80x128xi32, #tpu.memory_space<hbm>> -> memref<1x80x128xi32, #tpu.memory_space<hbm>>
    %dma_wait3A_43 = tpu.memref_squeeze %dma_wait3A_42 : memref<1x80x128xi32, #tpu.memory_space<hbm>> -> memref<80x128xi32, #tpu.memory_space<hbm>>
    %dma_wait3A_44 = arith.constant 0 : i32
    %dma_wait3A_45 = arith.constant 0 : i32
    %dma_wait3A_46 = tpu.memref_slice %arg3[%add3A, %dma_wait3A_44, %dma_wait3A_45] : memref<32x80x128xi32, #tpu.memory_space<hbm>> -> memref<1x80x128xi32, #tpu.memory_space<hbm>>
    %dma_wait3A_47 = tpu.memref_squeeze %dma_wait3A_46 : memref<1x80x128xi32, #tpu.memory_space<hbm>> -> memref<80x128xi32, #tpu.memory_space<hbm>>
    tpu.wait_dma2 semaphore(%arg14 : memref<!tpu.dma_semaphore, #tpu.memory_space<semaphore_mem>>) src(%dma_wait3A_47 : memref<80x128xi32, #tpu.memory_space<hbm>>) dst(%arg6 : memref<80x128xi32, #tpu.memory_space<vmem>>)
    %dma_wait3A_48 = arith.constant 0 : i32
    %dma_wait3A_49 = arith.constant 0 : i32
    %dma_wait3A_50 = tpu.memref_slice %arg4[%add3A, %dma_wait3A_48, %dma_wait3A_49] : memref<32x80x128xi32, #tpu.memory_space<hbm>> -> memref<1x80x128xi32, #tpu.memory_space<hbm>>
    %dma_wait3A_51 = tpu.memref_squeeze %dma_wait3A_50 : memref<1x80x128xi32, #tpu.memory_space<hbm>> -> memref<80x128xi32, #tpu.memory_space<hbm>>
    %dma_wait3A_52 = arith.constant 0 : i32
    %dma_wait3A_53 = arith.constant 0 : i32
    %dma_wait3A_54 = tpu.memref_slice %arg4[%add3A, %dma_wait3A_52, %dma_wait3A_53] : memref<32x80x128xi32, #tpu.memory_space<hbm>> -> memref<1x80x128xi32, #tpu.memory_space<hbm>>
    %dma_wait3A_55 = tpu.memref_squeeze %dma_wait3A_54 : memref<1x80x128xi32, #tpu.memory_space<hbm>> -> memref<80x128xi32, #tpu.memory_space<hbm>>
    tpu.wait_dma2 semaphore(%arg14 : memref<!tpu.dma_semaphore, #tpu.memory_space<semaphore_mem>>) src(%dma_wait3A_55 : memref<80x128xi32, #tpu.memory_space<hbm>>) dst(%arg7 : memref<80x128xi32, #tpu.memory_space<vmem>>)
    %barrier3A = arith.constant 0 : index
    tpu.barrier barrier_id(%barrier3A)
    %run_scoped3A = arith.constant 0 : i32
    %run_scoped3A_56 = arith.constant 0 : i32
    "tpu.region"() ({
      %run_scoped3A_134 = tpu.sem_alloc : memref<!tpu.dma_semaphore, #tpu.memory_space<semaphore_mem>>
      %dma_start3A_135 = arith.constant 0 : i32
      %dma_start3A_136 = arith.constant 0 : i32
      %dma_start3A_137 = tpu.memref_slice %arg8[%run_scoped3A_56, %dma_start3A_135, %dma_start3A_136] : memref<2x128x16xf32, #tpu.memory_space<vmem>> -> memref<1x128x16xf32, #tpu.memory_space<vmem>>
      %dma_start3A_138 = tpu.memref_squeeze %dma_start3A_137 : memref<1x128x16xf32, #tpu.memory_space<vmem>> -> memref<128x16xf32, #tpu.memory_space<vmem>>
      %dma_start3A_139 = arith.constant 0 : i32
      %dma_start3A_140 = tpu.memref_slice %arg6[%run_scoped3A, %dma_start3A_139] : memref<80x128xi32, #tpu.memory_space<vmem>> -> memref<1x128xi32, #tpu.memory_space<vmem>>
      %dma_start3A_141 = tpu.memref_squeeze %dma_start3A_140 : memref<1x128xi32, #tpu.memory_space<vmem>> -> memref<128xi32, #tpu.memory_space<vmem>>
      %dma_start3A_142 = arith.constant 0 : i32
      %dma_start3A_143 = arith.constant 0 : i32
      %dma_start3A_144 = tpu.memref_slice %arg11[%dma_start3A_142, %dma_start3A_143] : memref<10240x16xf32, #tpu.memory_space<vmem_shared>> -> memref<10240x16xf32, #tpu.memory_space<vmem_shared>>
      tpu.enqueue_indirect_dma source(%dma_start3A_144 : memref<10240x16xf32, #tpu.memory_space<vmem_shared>>) target(%dma_start3A_138 : memref<128x16xf32, #tpu.memory_space<vmem>>) offsets(%dma_start3A_141 : memref<128xi32, #tpu.memory_space<vmem>>) semaphore(%run_scoped3A_134 : memref<!tpu.dma_semaphore, #tpu.memory_space<semaphore_mem>>)
      %dma_wait3A_145 = arith.constant 0 : i32
      %dma_wait3A_146 = arith.constant 0 : i32
      %dma_wait3A_147 = tpu.memref_slice %arg8[%run_scoped3A_56, %dma_wait3A_145, %dma_wait3A_146] : memref<2x128x16xf32, #tpu.memory_space<vmem>> -> memref<1x128x16xf32, #tpu.memory_space<vmem>>
      %dma_wait3A_148 = tpu.memref_squeeze %dma_wait3A_147 : memref<1x128x16xf32, #tpu.memory_space<vmem>> -> memref<128x16xf32, #tpu.memory_space<vmem>>
      %dma_wait3A_149 = arith.constant 0 : i32
      %dma_wait3A_150 = tpu.memref_slice %arg6[%run_scoped3A, %dma_wait3A_149] : memref<80x128xi32, #tpu.memory_space<vmem>> -> memref<1x128xi32, #tpu.memory_space<vmem>>
      %dma_wait3A_151 = tpu.memref_squeeze %dma_wait3A_150 : memref<1x128xi32, #tpu.memory_space<vmem>> -> memref<128xi32, #tpu.memory_space<vmem>>
      %dma_wait3A_152 = arith.constant 0 : i32
      %dma_wait3A_153 = arith.constant 0 : i32
      %dma_wait3A_154 = tpu.memref_slice %arg11[%dma_wait3A_152, %dma_wait3A_153] : memref<10240x16xf32, #tpu.memory_space<vmem_shared>> -> memref<10240x16xf32, #tpu.memory_space<vmem_shared>>
      tpu.wait_indirect_dma semaphore(%run_scoped3A_134 : memref<!tpu.dma_semaphore, #tpu.memory_space<semaphore_mem>>) src(%dma_wait3A_154 : memref<10240x16xf32, #tpu.memory_space<vmem_shared>>) dst(%dma_wait3A_148 : memref<128x16xf32, #tpu.memory_space<vmem>>)
      tpu.yield
    }) : () -> ()
    %dma_start3A_57 = arith.constant 0 : i32
    %dma_start3A_58 = arith.constant 0 : i32
    %dma_start3A_59 = arith.constant 0 : i32
    %dma_start3A_60 = arith.constant 0 : i32
    %dma_start3A_61 = arith.constant 0 : i32
    %dma_start3A_62 = tpu.memref_slice %arg8[%dma_start3A_57, %dma_start3A_60, %dma_start3A_61] : memref<2x128x16xf32, #tpu.memory_space<vmem>> -> memref<1x128x16xf32, #tpu.memory_space<vmem>>
    %dma_start3A_63 = tpu.memref_squeeze %dma_start3A_62 : memref<1x128x16xf32, #tpu.memory_space<vmem>> -> memref<128x16xf32, #tpu.memory_space<vmem>>
    %dma_start3A_64 = arith.constant 0 : i32
    %dma_start3A_65 = tpu.memref_slice %arg7[%dma_start3A_58, %dma_start3A_64] : memref<80x128xi32, #tpu.memory_space<vmem>> -> memref<1x128xi32, #tpu.memory_space<vmem>>
    %dma_start3A_66 = tpu.memref_squeeze %dma_start3A_65 : memref<1x128xi32, #tpu.memory_space<vmem>> -> memref<128xi32, #tpu.memory_space<vmem>>
    %dma_start3A_67 = arith.constant 0 : i32
    %dma_start3A_68 = arith.constant 0 : i32
    %dma_start3A_69 = tpu.memref_slice %arg12[%dma_start3A_67, %dma_start3A_68] : memref<10240x16xf32, #tpu.memory_space<vmem_shared>> -> memref<10240x16xf32, #tpu.memory_space<vmem_shared>>
    %dma_start3A_70 = tpu.memref_slice %arg13[%dma_start3A_59] : memref<2x!tpu.dma_semaphore, #tpu.memory_space<semaphore_mem>> -> memref<1x!tpu.dma_semaphore, #tpu.memory_space<semaphore_mem>>
    %dma_start3A_71 = tpu.memref_squeeze %dma_start3A_70 : memref<1x!tpu.dma_semaphore, #tpu.memory_space<semaphore_mem>> -> memref<!tpu.dma_semaphore, #tpu.memory_space<semaphore_mem>>
    tpu.enqueue_indirect_dma source(%dma_start3A_63 : memref<128x16xf32, #tpu.memory_space<vmem>>) target(%dma_start3A_69 : memref<10240x16xf32, #tpu.memory_space<vmem_shared>>) offsets(%dma_start3A_66 : memref<128xi32, #tpu.memory_space<vmem>>) semaphore(%dma_start3A_71 : memref<!tpu.dma_semaphore, #tpu.memory_space<semaphore_mem>>) {add = true}
    %run_scoped3A_72 = arith.constant 1 : i32
    %run_scoped3A_73 = arith.constant 1 : i32
    "tpu.region"() ({
      %run_scoped3A_134 = tpu.sem_alloc : memref<!tpu.dma_semaphore, #tpu.memory_space<semaphore_mem>>
      %dma_start3A_135 = arith.constant 0 : i32
      %dma_start3A_136 = arith.constant 0 : i32
      %dma_start3A_137 = tpu.memref_slice %arg8[%run_scoped3A_73, %dma_start3A_135, %dma_start3A_136] : memref<2x128x16xf32, #tpu.memory_space<vmem>> -> memref<1x128x16xf32, #tpu.memory_space<vmem>>
      %dma_start3A_138 = tpu.memref_squeeze %dma_start3A_137 : memref<1x128x16xf32, #tpu.memory_space<vmem>> -> memref<128x16xf32, #tpu.memory_space<vmem>>
      %dma_start3A_139 = arith.constant 0 : i32
      %dma_start3A_140 = tpu.memref_slice %arg6[%run_scoped3A_72, %dma_start3A_139] : memref<80x128xi32, #tpu.memory_space<vmem>> -> memref<1x128xi32, #tpu.memory_space<vmem>>
      %dma_start3A_141 = tpu.memref_squeeze %dma_start3A_140 : memref<1x128xi32, #tpu.memory_space<vmem>> -> memref<128xi32, #tpu.memory_space<vmem>>
      %dma_start3A_142 = arith.constant 0 : i32
      %dma_start3A_143 = arith.constant 0 : i32
      %dma_start3A_144 = tpu.memref_slice %arg11[%dma_start3A_142, %dma_start3A_143] : memref<10240x16xf32, #tpu.memory_space<vmem_shared>> -> memref<10240x16xf32, #tpu.memory_space<vmem_shared>>
      tpu.enqueue_indirect_dma source(%dma_start3A_144 : memref<10240x16xf32, #tpu.memory_space<vmem_shared>>) target(%dma_start3A_138 : memref<128x16xf32, #tpu.memory_space<vmem>>) offsets(%dma_start3A_141 : memref<128xi32, #tpu.memory_space<vmem>>) semaphore(%run_scoped3A_134 : memref<!tpu.dma_semaphore, #tpu.memory_space<semaphore_mem>>)
      %dma_wait3A_145 = arith.constant 0 : i32
      %dma_wait3A_146 = arith.constant 0 : i32
      %dma_wait3A_147 = tpu.memref_slice %arg8[%run_scoped3A_73, %dma_wait3A_145, %dma_wait3A_146] : memref<2x128x16xf32, #tpu.memory_space<vmem>> -> memref<1x128x16xf32, #tpu.memory_space<vmem>>
      %dma_wait3A_148 = tpu.memref_squeeze %dma_wait3A_147 : memref<1x128x16xf32, #tpu.memory_space<vmem>> -> memref<128x16xf32, #tpu.memory_space<vmem>>
      %dma_wait3A_149 = arith.constant 0 : i32
      %dma_wait3A_150 = tpu.memref_slice %arg6[%run_scoped3A_72, %dma_wait3A_149] : memref<80x128xi32, #tpu.memory_space<vmem>> -> memref<1x128xi32, #tpu.memory_space<vmem>>
      %dma_wait3A_151 = tpu.memref_squeeze %dma_wait3A_150 : memref<1x128xi32, #tpu.memory_space<vmem>> -> memref<128xi32, #tpu.memory_space<vmem>>
      %dma_wait3A_152 = arith.constant 0 : i32
      %dma_wait3A_153 = arith.constant 0 : i32
      %dma_wait3A_154 = tpu.memref_slice %arg11[%dma_wait3A_152, %dma_wait3A_153] : memref<10240x16xf32, #tpu.memory_space<vmem_shared>> -> memref<10240x16xf32, #tpu.memory_space<vmem_shared>>
      tpu.wait_indirect_dma semaphore(%run_scoped3A_134 : memref<!tpu.dma_semaphore, #tpu.memory_space<semaphore_mem>>) src(%dma_wait3A_154 : memref<10240x16xf32, #tpu.memory_space<vmem_shared>>) dst(%dma_wait3A_148 : memref<128x16xf32, #tpu.memory_space<vmem>>)
      tpu.yield
    }) : () -> ()
    %dma_start3A_74 = arith.constant 1 : i32
    %dma_start3A_75 = arith.constant 1 : i32
    %dma_start3A_76 = arith.constant 1 : i32
    %dma_start3A_77 = arith.constant 0 : i32
    %dma_start3A_78 = arith.constant 0 : i32
    %dma_start3A_79 = tpu.memref_slice %arg8[%dma_start3A_74, %dma_start3A_77, %dma_start3A_78] : memref<2x128x16xf32, #tpu.memory_space<vmem>> -> memref<1x128x16xf32, #tpu.memory_space<vmem>>
    %dma_start3A_80 = tpu.memref_squeeze %dma_start3A_79 : memref<1x128x16xf32, #tpu.memory_space<vmem>> -> memref<128x16xf32, #tpu.memory_space<vmem>>
    %dma_start3A_81 = arith.constant 0 : i32
    %dma_start3A_82 = tpu.memref_slice %arg7[%dma_start3A_75, %dma_start3A_81] : memref<80x128xi32, #tpu.memory_space<vmem>> -> memref<1x128xi32, #tpu.memory_space<vmem>>
    %dma_start3A_83 = tpu.memref_squeeze %dma_start3A_82 : memref<1x128xi32, #tpu.memory_space<vmem>> -> memref<128xi32, #tpu.memory_space<vmem>>
    %dma_start3A_84 = arith.constant 0 : i32
    %dma_start3A_85 = arith.constant 0 : i32
    %dma_start3A_86 = tpu.memref_slice %arg12[%dma_start3A_84, %dma_start3A_85] : memref<10240x16xf32, #tpu.memory_space<vmem_shared>> -> memref<10240x16xf32, #tpu.memory_space<vmem_shared>>
    %dma_start3A_87 = tpu.memref_slice %arg13[%dma_start3A_76] : memref<2x!tpu.dma_semaphore, #tpu.memory_space<semaphore_mem>> -> memref<1x!tpu.dma_semaphore, #tpu.memory_space<semaphore_mem>>
    %dma_start3A_88 = tpu.memref_squeeze %dma_start3A_87 : memref<1x!tpu.dma_semaphore, #tpu.memory_space<semaphore_mem>> -> memref<!tpu.dma_semaphore, #tpu.memory_space<semaphore_mem>>
    tpu.enqueue_indirect_dma source(%dma_start3A_80 : memref<128x16xf32, #tpu.memory_space<vmem>>) target(%dma_start3A_86 : memref<10240x16xf32, #tpu.memory_space<vmem_shared>>) offsets(%dma_start3A_83 : memref<128xi32, #tpu.memory_space<vmem>>) semaphore(%dma_start3A_88 : memref<!tpu.dma_semaphore, #tpu.memory_space<semaphore_mem>>) {add = true}
    %scan3A_89 = arith.constant 0 : i32
    %scan3A_90 = arith.constant 39 : i32
    %scan3A_91 = arith.addi %scan3A_89, %scan3A_90 : i32
    %scan3A_92 = arith.constant 1 : i32
    scf.for %scan3A_134 = %scan3A_89 to %scan3A_91 step %scan3A_92  : i32 {
      %mul3A_135 = arith.constant 2 : i32
      %mul3A_136 = arith.muli %scan3A_134, %mul3A_135 : i32
      %add3A_137 = arith.constant 2 : i32
      %add3A_138 = arith.addi %add3A_137, %mul3A_136 : i32
      %dma_wait3A_139 = arith.constant 0 : i32
      %dma_wait3A_140 = arith.constant 0 : i32
      %dma_wait3A_141 = arith.constant 0 : i32
      %dma_wait3A_142 = arith.constant 0 : i32
      %dma_wait3A_143 = arith.constant 0 : i32
      %dma_wait3A_144 = tpu.memref_slice %arg8[%dma_wait3A_139, %dma_wait3A_142, %dma_wait3A_143] : memref<2x128x16xf32, #tpu.memory_space<vmem>> -> memref<1x128x16xf32, #tpu.memory_space<vmem>>
      %dma_wait3A_145 = tpu.memref_squeeze %dma_wait3A_144 : memref<1x128x16xf32, #tpu.memory_space<vmem>> -> memref<128x16xf32, #tpu.memory_space<vmem>>
      %dma_wait3A_146 = arith.constant 0 : i32
      %dma_wait3A_147 = tpu.memref_slice %arg7[%dma_wait3A_140, %dma_wait3A_146] : memref<80x128xi32, #tpu.memory_space<vmem>> -> memref<1x128xi32, #tpu.memory_space<vmem>>
      %dma_wait3A_148 = tpu.memref_squeeze %dma_wait3A_147 : memref<1x128xi32, #tpu.memory_space<vmem>> -> memref<128xi32, #tpu.memory_space<vmem>>
      %dma_wait3A_149 = arith.constant 0 : i32
      %dma_wait3A_150 = arith.constant 0 : i32
      %dma_wait3A_151 = tpu.memref_slice %arg12[%dma_wait3A_149, %dma_wait3A_150] : memref<10240x16xf32, #tpu.memory_space<vmem_shared>> -> memref<10240x16xf32, #tpu.memory_space<vmem_shared>>
      %dma_wait3A_152 = tpu.memref_slice %arg13[%dma_wait3A_141] : memref<2x!tpu.dma_semaphore, #tpu.memory_space<semaphore_mem>> -> memref<1x!tpu.dma_semaphore, #tpu.memory_space<semaphore_mem>>
      %dma_wait3A_153 = tpu.memref_squeeze %dma_wait3A_152 : memref<1x!tpu.dma_semaphore, #tpu.memory_space<semaphore_mem>> -> memref<!tpu.dma_semaphore, #tpu.memory_space<semaphore_mem>>
      tpu.wait_indirect_dma semaphore(%dma_wait3A_153 : memref<!tpu.dma_semaphore, #tpu.memory_space<semaphore_mem>>) src(%dma_wait3A_145 : memref<128x16xf32, #tpu.memory_space<vmem>>) dst(%dma_wait3A_151 : memref<10240x16xf32, #tpu.memory_space<vmem_shared>>)
      %add3A_154 = arith.constant 0 : i32
      %add3A_155 = arith.addi %add3A_138, %add3A_154 : i32
      %run_scoped3A_156 = arith.constant 0 : i32
      "tpu.region"() ({
        %run_scoped3A_207 = tpu.sem_alloc : memref<!tpu.dma_semaphore, #tpu.memory_space<semaphore_mem>>
        %dma_start3A_208 = arith.constant 0 : i32
        %dma_start3A_209 = arith.constant 0 : i32
        %dma_start3A_210 = tpu.memref_slice %arg8[%run_scoped3A_156, %dma_start3A_208, %dma_start3A_209] : memref<2x128x16xf32, #tpu.memory_space<vmem>> -> memref<1x128x16xf32, #tpu.memory_space<vmem>>
        %dma_start3A_211 = tpu.memref_squeeze %dma_start3A_210 : memref<1x128x16xf32, #tpu.memory_space<vmem>> -> memref<128x16xf32, #tpu.memory_space<vmem>>
        %dma_start3A_212 = arith.constant 0 : i32
        %dma_start3A_213 = tpu.memref_slice %arg6[%add3A_155, %dma_start3A_212] : memref<80x128xi32, #tpu.memory_space<vmem>> -> memref<1x128xi32, #tpu.memory_space<vmem>>
        %dma_start3A_214 = tpu.memref_squeeze %dma_start3A_213 : memref<1x128xi32, #tpu.memory_space<vmem>> -> memref<128xi32, #tpu.memory_space<vmem>>
        %dma_start3A_215 = arith.constant 0 : i32
        %dma_start3A_216 = arith.constant 0 : i32
        %dma_start3A_217 = tpu.memref_slice %arg11[%dma_start3A_215, %dma_start3A_216] : memref<10240x16xf32, #tpu.memory_space<vmem_shared>> -> memref<10240x16xf32, #tpu.memory_space<vmem_shared>>
        tpu.enqueue_indirect_dma source(%dma_start3A_217 : memref<10240x16xf32, #tpu.memory_space<vmem_shared>>) target(%dma_start3A_211 : memref<128x16xf32, #tpu.memory_space<vmem>>) offsets(%dma_start3A_214 : memref<128xi32, #tpu.memory_space<vmem>>) semaphore(%run_scoped3A_207 : memref<!tpu.dma_semaphore, #tpu.memory_space<semaphore_mem>>)
        %dma_wait3A_218 = arith.constant 0 : i32
        %dma_wait3A_219 = arith.constant 0 : i32
        %dma_wait3A_220 = tpu.memref_slice %arg8[%run_scoped3A_156, %dma_wait3A_218, %dma_wait3A_219] : memref<2x128x16xf32, #tpu.memory_space<vmem>> -> memref<1x128x16xf32, #tpu.memory_space<vmem>>
        %dma_wait3A_221 = tpu.memref_squeeze %dma_wait3A_220 : memref<1x128x16xf32, #tpu.memory_space<vmem>> -> memref<128x16xf32, #tpu.memory_space<vmem>>
        %dma_wait3A_222 = arith.constant 0 : i32
        %dma_wait3A_223 = tpu.memref_slice %arg6[%add3A_155, %dma_wait3A_222] : memref<80x128xi32, #tpu.memory_space<vmem>> -> memref<1x128xi32, #tpu.memory_space<vmem>>
        %dma_wait3A_224 = tpu.memref_squeeze %dma_wait3A_223 : memref<1x128xi32, #tpu.memory_space<vmem>> -> memref<128xi32, #tpu.memory_space<vmem>>
        %dma_wait3A_225 = arith.constant 0 : i32
        %dma_wait3A_226 = arith.constant 0 : i32
        %dma_wait3A_227 = tpu.memref_slice %arg11[%dma_wait3A_225, %dma_wait3A_226] : memref<10240x16xf32, #tpu.memory_space<vmem_shared>> -> memref<10240x16xf32, #tpu.memory_space<vmem_shared>>
        tpu.wait_indirect_dma semaphore(%run_scoped3A_207 : memref<!tpu.dma_semaphore, #tpu.memory_space<semaphore_mem>>) src(%dma_wait3A_227 : memref<10240x16xf32, #tpu.memory_space<vmem_shared>>) dst(%dma_wait3A_221 : memref<128x16xf32, #tpu.memory_space<vmem>>)
        tpu.yield
      }) : () -> ()
      %add3A_157 = arith.constant 0 : i32
      %add3A_158 = arith.addi %add3A_138, %add3A_157 : i32
      %dma_start3A_159 = arith.constant 0 : i32
      %dma_start3A_160 = arith.constant 0 : i32
      %dma_start3A_161 = arith.constant 0 : i32
      %dma_start3A_162 = arith.constant 0 : i32
      %dma_start3A_163 = tpu.memref_slice %arg8[%dma_start3A_159, %dma_start3A_161, %dma_start3A_162] : memref<2x128x16xf32, #tpu.memory_space<vmem>> -> memref<1x128x16xf32, #tpu.memory_space<vmem>>
      %dma_start3A_164 = tpu.memref_squeeze %dma_start3A_163 : memref<1x128x16xf32, #tpu.memory_space<vmem>> -> memref<128x16xf32, #tpu.memory_space<vmem>>
      %dma_start3A_165 = arith.constant 0 : i32
      %dma_start3A_166 = tpu.memref_slice %arg7[%add3A_158, %dma_start3A_165] : memref<80x128xi32, #tpu.memory_space<vmem>> -> memref<1x128xi32, #tpu.memory_space<vmem>>
      %dma_start3A_167 = tpu.memref_squeeze %dma_start3A_166 : memref<1x128xi32, #tpu.memory_space<vmem>> -> memref<128xi32, #tpu.memory_space<vmem>>
      %dma_start3A_168 = arith.constant 0 : i32
      %dma_start3A_169 = arith.constant 0 : i32
      %dma_start3A_170 = tpu.memref_slice %arg12[%dma_start3A_168, %dma_start3A_169] : memref<10240x16xf32, #tpu.memory_space<vmem_shared>> -> memref<10240x16xf32, #tpu.memory_space<vmem_shared>>
      %dma_start3A_171 = tpu.memref_slice %arg13[%dma_start3A_160] : memref<2x!tpu.dma_semaphore, #tpu.memory_space<semaphore_mem>> -> memref<1x!tpu.dma_semaphore, #tpu.memory_space<semaphore_mem>>
      %dma_start3A_172 = tpu.memref_squeeze %dma_start3A_171 : memref<1x!tpu.dma_semaphore, #tpu.memory_space<semaphore_mem>> -> memref<!tpu.dma_semaphore, #tpu.memory_space<semaphore_mem>>
      tpu.enqueue_indirect_dma source(%dma_start3A_164 : memref<128x16xf32, #tpu.memory_space<vmem>>) target(%dma_start3A_170 : memref<10240x16xf32, #tpu.memory_space<vmem_shared>>) offsets(%dma_start3A_167 : memref<128xi32, #tpu.memory_space<vmem>>) semaphore(%dma_start3A_172 : memref<!tpu.dma_semaphore, #tpu.memory_space<semaphore_mem>>) {add = true}
      %dma_wait3A_173 = arith.constant 1 : i32
      %dma_wait3A_174 = arith.constant 0 : i32
      %dma_wait3A_175 = arith.constant 1 : i32
      %dma_wait3A_176 = arith.constant 0 : i32
      %dma_wait3A_177 = arith.constant 0 : i32
      %dma_wait3A_178 = tpu.memref_slice %arg8[%dma_wait3A_173, %dma_wait3A_176, %dma_wait3A_177] : memref<2x128x16xf32, #tpu.memory_space<vmem>> -> memref<1x128x16xf32, #tpu.memory_space<vmem>>
      %dma_wait3A_179 = tpu.memref_squeeze %dma_wait3A_178 : memref<1x128x16xf32, #tpu.memory_space<vmem>> -> memref<128x16xf32, #tpu.memory_space<vmem>>
      %dma_wait3A_180 = arith.constant 0 : i32
      %dma_wait3A_181 = tpu.memref_slice %arg7[%dma_wait3A_174, %dma_wait3A_180] : memref<80x128xi32, #tpu.memory_space<vmem>> -> memref<1x128xi32, #tpu.memory_space<vmem>>
      %dma_wait3A_182 = tpu.memref_squeeze %dma_wait3A_181 : memref<1x128xi32, #tpu.memory_space<vmem>> -> memref<128xi32, #tpu.memory_space<vmem>>
      %dma_wait3A_183 = arith.constant 0 : i32
      %dma_wait3A_184 = arith.constant 0 : i32
      %dma_wait3A_185 = tpu.memref_slice %arg12[%dma_wait3A_183, %dma_wait3A_184] : memref<10240x16xf32, #tpu.memory_space<vmem_shared>> -> memref<10240x16xf32, #tpu.memory_space<vmem_shared>>
      %dma_wait3A_186 = tpu.memref_slice %arg13[%dma_wait3A_175] : memref<2x!tpu.dma_semaphore, #tpu.memory_space<semaphore_mem>> -> memref<1x!tpu.dma_semaphore, #tpu.memory_space<semaphore_mem>>
      %dma_wait3A_187 = tpu.memref_squeeze %dma_wait3A_186 : memref<1x!tpu.dma_semaphore, #tpu.memory_space<semaphore_mem>> -> memref<!tpu.dma_semaphore, #tpu.memory_space<semaphore_mem>>
      tpu.wait_indirect_dma semaphore(%dma_wait3A_187 : memref<!tpu.dma_semaphore, #tpu.memory_space<semaphore_mem>>) src(%dma_wait3A_179 : memref<128x16xf32, #tpu.memory_space<vmem>>) dst(%dma_wait3A_185 : memref<10240x16xf32, #tpu.memory_space<vmem_shared>>)
      %add3A_188 = arith.constant 1 : i32
      %add3A_189 = arith.addi %add3A_138, %add3A_188 : i32
      %run_scoped3A_190 = arith.constant 1 : i32
      "tpu.region"() ({
        %run_scoped3A_207 = tpu.sem_alloc : memref<!tpu.dma_semaphore, #tpu.memory_space<semaphore_mem>>
        %dma_start3A_208 = arith.constant 0 : i32
        %dma_start3A_209 = arith.constant 0 : i32
        %dma_start3A_210 = tpu.memref_slice %arg8[%run_scoped3A_190, %dma_start3A_208, %dma_start3A_209] : memref<2x128x16xf32, #tpu.memory_space<vmem>> -> memref<1x128x16xf32, #tpu.memory_space<vmem>>
        %dma_start3A_211 = tpu.memref_squeeze %dma_start3A_210 : memref<1x128x16xf32, #tpu.memory_space<vmem>> -> memref<128x16xf32, #tpu.memory_space<vmem>>
        %dma_start3A_212 = arith.constant 0 : i32
        %dma_start3A_213 = tpu.memref_slice %arg6[%add3A_189, %dma_start3A_212] : memref<80x128xi32, #tpu.memory_space<vmem>> -> memref<1x128xi32, #tpu.memory_space<vmem>>
        %dma_start3A_214 = tpu.memref_squeeze %dma_start3A_213 : memref<1x128xi32, #tpu.memory_space<vmem>> -> memref<128xi32, #tpu.memory_space<vmem>>
        %dma_start3A_215 = arith.constant 0 : i32
        %dma_start3A_216 = arith.constant 0 : i32
        %dma_start3A_217 = tpu.memref_slice %arg11[%dma_start3A_215, %dma_start3A_216] : memref<10240x16xf32, #tpu.memory_space<vmem_shared>> -> memref<10240x16xf32, #tpu.memory_space<vmem_shared>>
        tpu.enqueue_indirect_dma source(%dma_start3A_217 : memref<10240x16xf32, #tpu.memory_space<vmem_shared>>) target(%dma_start3A_211 : memref<128x16xf32, #tpu.memory_space<vmem>>) offsets(%dma_start3A_214 : memref<128xi32, #tpu.memory_space<vmem>>) semaphore(%run_scoped3A_207 : memref<!tpu.dma_semaphore, #tpu.memory_space<semaphore_mem>>)
        %dma_wait3A_218 = arith.constant 0 : i32
        %dma_wait3A_219 = arith.constant 0 : i32
        %dma_wait3A_220 = tpu.memref_slice %arg8[%run_scoped3A_190, %dma_wait3A_218, %dma_wait3A_219] : memref<2x128x16xf32, #tpu.memory_space<vmem>> -> memref<1x128x16xf32, #tpu.memory_space<vmem>>
        %dma_wait3A_221 = tpu.memref_squeeze %dma_wait3A_220 : memref<1x128x16xf32, #tpu.memory_space<vmem>> -> memref<128x16xf32, #tpu.memory_space<vmem>>
        %dma_wait3A_222 = arith.constant 0 : i32
        %dma_wait3A_223 = tpu.memref_slice %arg6[%add3A_189, %dma_wait3A_222] : memref<80x128xi32, #tpu.memory_space<vmem>> -> memref<1x128xi32, #tpu.memory_space<vmem>>
        %dma_wait3A_224 = tpu.memref_squeeze %dma_wait3A_223 : memref<1x128xi32, #tpu.memory_space<vmem>> -> memref<128xi32, #tpu.memory_space<vmem>>
        %dma_wait3A_225 = arith.constant 0 : i32
        %dma_wait3A_226 = arith.constant 0 : i32
        %dma_wait3A_227 = tpu.memref_slice %arg11[%dma_wait3A_225, %dma_wait3A_226] : memref<10240x16xf32, #tpu.memory_space<vmem_shared>> -> memref<10240x16xf32, #tpu.memory_space<vmem_shared>>
        tpu.wait_indirect_dma semaphore(%run_scoped3A_207 : memref<!tpu.dma_semaphore, #tpu.memory_space<semaphore_mem>>) src(%dma_wait3A_227 : memref<10240x16xf32, #tpu.memory_space<vmem_shared>>) dst(%dma_wait3A_221 : memref<128x16xf32, #tpu.memory_space<vmem>>)
        tpu.yield
      }) : () -> ()
      %add3A_191 = arith.constant 1 : i32
      %add3A_192 = arith.addi %add3A_138, %add3A_191 : i32
      %dma_start3A_193 = arith.constant 1 : i32
      %dma_start3A_194 = arith.constant 1 : i32
      %dma_start3A_195 = arith.constant 0 : i32
      %dma_start3A_196 = arith.constant 0 : i32
      %dma_start3A_197 = tpu.memref_slice %arg8[%dma_start3A_193, %dma_start3A_195, %dma_start3A_196] : memref<2x128x16xf32, #tpu.memory_space<vmem>> -> memref<1x128x16xf32, #tpu.memory_space<vmem>>
      %dma_start3A_198 = tpu.memref_squeeze %dma_start3A_197 : memref<1x128x16xf32, #tpu.memory_space<vmem>> -> memref<128x16xf32, #tpu.memory_space<vmem>>
      %dma_start3A_199 = arith.constant 0 : i32
      %dma_start3A_200 = tpu.memref_slice %arg7[%add3A_192, %dma_start3A_199] : memref<80x128xi32, #tpu.memory_space<vmem>> -> memref<1x128xi32, #tpu.memory_space<vmem>>
      %dma_start3A_201 = tpu.memref_squeeze %dma_start3A_200 : memref<1x128xi32, #tpu.memory_space<vmem>> -> memref<128xi32, #tpu.memory_space<vmem>>
      %dma_start3A_202 = arith.constant 0 : i32
      %dma_start3A_203 = arith.constant 0 : i32
      %dma_start3A_204 = tpu.memref_slice %arg12[%dma_start3A_202, %dma_start3A_203] : memref<10240x16xf32, #tpu.memory_space<vmem_shared>> -> memref<10240x16xf32, #tpu.memory_space<vmem_shared>>
      %dma_start3A_205 = tpu.memref_slice %arg13[%dma_start3A_194] : memref<2x!tpu.dma_semaphore, #tpu.memory_space<semaphore_mem>> -> memref<1x!tpu.dma_semaphore, #tpu.memory_space<semaphore_mem>>
      %dma_start3A_206 = tpu.memref_squeeze %dma_start3A_205 : memref<1x!tpu.dma_semaphore, #tpu.memory_space<semaphore_mem>> -> memref<!tpu.dma_semaphore, #tpu.memory_space<semaphore_mem>>
      tpu.enqueue_indirect_dma source(%dma_start3A_198 : memref<128x16xf32, #tpu.memory_space<vmem>>) target(%dma_start3A_204 : memref<10240x16xf32, #tpu.memory_space<vmem_shared>>) offsets(%dma_start3A_201 : memref<128xi32, #tpu.memory_space<vmem>>) semaphore(%dma_start3A_206 : memref<!tpu.dma_semaphore, #tpu.memory_space<semaphore_mem>>) {add = true}
    }
    %scan3A_93 = arith.constant 39 : i32
    %dma_wait3A_94 = arith.constant 0 : i32
    %dma_wait3A_95 = arith.constant 0 : i32
    %dma_wait3A_96 = arith.constant 0 : i32
    %dma_wait3A_97 = arith.constant 0 : i32
    %dma_wait3A_98 = arith.constant 0 : i32
    %dma_wait3A_99 = tpu.memref_slice %arg8[%dma_wait3A_94, %dma_wait3A_97, %dma_wait3A_98] : memref<2x128x16xf32, #tpu.memory_space<vmem>> -> memref<1x128x16xf32, #tpu.memory_space<vmem>>
    %dma_wait3A_100 = tpu.memref_squeeze %dma_wait3A_99 : memref<1x128x16xf32, #tpu.memory_space<vmem>> -> memref<128x16xf32, #tpu.memory_space<vmem>>
    %dma_wait3A_101 = arith.constant 0 : i32
    %dma_wait3A_102 = tpu.memref_slice %arg7[%dma_wait3A_95, %dma_wait3A_101] : memref<80x128xi32, #tpu.memory_space<vmem>> -> memref<1x128xi32, #tpu.memory_space<vmem>>
    %dma_wait3A_103 = tpu.memref_squeeze %dma_wait3A_102 : memref<1x128xi32, #tpu.memory_space<vmem>> -> memref<128xi32, #tpu.memory_space<vmem>>
    %dma_wait3A_104 = arith.constant 0 : i32
    %dma_wait3A_105 = arith.constant 0 : i32
    %dma_wait3A_106 = tpu.memref_slice %arg12[%dma_wait3A_104, %dma_wait3A_105] : memref<10240x16xf32, #tpu.memory_space<vmem_shared>> -> memref<10240x16xf32, #tpu.memory_space<vmem_shared>>
    %dma_wait3A_107 = tpu.memref_slice %arg13[%dma_wait3A_96] : memref<2x!tpu.dma_semaphore, #tpu.memory_space<semaphore_mem>> -> memref<1x!tpu.dma_semaphore, #tpu.memory_space<semaphore_mem>>
    %dma_wait3A_108 = tpu.memref_squeeze %dma_wait3A_107 : memref<1x!tpu.dma_semaphore, #tpu.memory_space<semaphore_mem>> -> memref<!tpu.dma_semaphore, #tpu.memory_space<semaphore_mem>>
    tpu.wait_indirect_dma semaphore(%dma_wait3A_108 : memref<!tpu.dma_semaphore, #tpu.memory_space<semaphore_mem>>) src(%dma_wait3A_100 : memref<128x16xf32, #tpu.memory_space<vmem>>) dst(%dma_wait3A_106 : memref<10240x16xf32, #tpu.memory_space<vmem_shared>>)
    %dma_wait3A_109 = arith.constant 1 : i32
    %dma_wait3A_110 = arith.constant 0 : i32
    %dma_wait3A_111 = arith.constant 1 : i32
    %dma_wait3A_112 = arith.constant 0 : i32
    %dma_wait3A_113 = arith.constant 0 : i32
    %dma_wait3A_114 = tpu.memref_slice %arg8[%dma_wait3A_109, %dma_wait3A_112, %dma_wait3A_113] : memref<2x128x16xf32, #tpu.memory_space<vmem>> -> memref<1x128x16xf32, #tpu.memory_space<vmem>>
    %dma_wait3A_115 = tpu.memref_squeeze %dma_wait3A_114 : memref<1x128x16xf32, #tpu.memory_space<vmem>> -> memref<128x16xf32, #tpu.memory_space<vmem>>
    %dma_wait3A_116 = arith.constant 0 : i32
    %dma_wait3A_117 = tpu.memref_slice %arg7[%dma_wait3A_110, %dma_wait3A_116] : memref<80x128xi32, #tpu.memory_space<vmem>> -> memref<1x128xi32, #tpu.memory_space<vmem>>
    %dma_wait3A_118 = tpu.memref_squeeze %dma_wait3A_117 : memref<1x128xi32, #tpu.memory_space<vmem>> -> memref<128xi32, #tpu.memory_space<vmem>>
    %dma_wait3A_119 = arith.constant 0 : i32
    %dma_wait3A_120 = arith.constant 0 : i32
    %dma_wait3A_121 = tpu.memref_slice %arg12[%dma_wait3A_119, %dma_wait3A_120] : memref<10240x16xf32, #tpu.memory_space<vmem_shared>> -> memref<10240x16xf32, #tpu.memory_space<vmem_shared>>
    %dma_wait3A_122 = tpu.memref_slice %arg13[%dma_wait3A_111] : memref<2x!tpu.dma_semaphore, #tpu.memory_space<semaphore_mem>> -> memref<1x!tpu.dma_semaphore, #tpu.memory_space<semaphore_mem>>
    %dma_wait3A_123 = tpu.memref_squeeze %dma_wait3A_122 : memref<1x!tpu.dma_semaphore, #tpu.memory_space<semaphore_mem>> -> memref<!tpu.dma_semaphore, #tpu.memory_space<semaphore_mem>>
    tpu.wait_indirect_dma semaphore(%dma_wait3A_123 : memref<!tpu.dma_semaphore, #tpu.memory_space<semaphore_mem>>) src(%dma_wait3A_115 : memref<128x16xf32, #tpu.memory_space<vmem>>) dst(%dma_wait3A_121 : memref<10240x16xf32, #tpu.memory_space<vmem_shared>>)
    %barrier3A_124 = arith.constant 0 : index
    tpu.barrier barrier_id(%barrier3A_124)
    %mul3A_125 = arith.constant 640 : i32
    %mul3A_126 = arith.muli %arg1, %mul3A_125 : i32
    "tpu.region"() ({
      %run_scoped3A_134 = tpu.sem_alloc : memref<!tpu.dma_semaphore, #tpu.memory_space<semaphore_mem>>
      %dma_start3A_135 = arith.constant 0 : i32
      %dma_start3A_136 = tpu.memref_slice %arg12[%mul3A_126, %dma_start3A_135] : memref<10240x16xf32, #tpu.memory_space<vmem_shared>> -> memref<640x16xf32, #tpu.memory_space<vmem_shared>>
      %dma_start3A_137 = arith.constant 0 : i32
      %dma_start3A_138 = tpu.memref_slice %arg12[%mul3A_126, %dma_start3A_137] : memref<10240x16xf32, #tpu.memory_space<vmem_shared>> -> memref<640x16xf32, #tpu.memory_space<vmem_shared>>
      tpu.enqueue_dma source(%dma_start3A_138 : memref<640x16xf32, #tpu.memory_space<vmem_shared>>) target(%arg10 : memref<640x16xf32, #tpu.memory_space<vmem>>) target_semaphore(%run_scoped3A_134 : memref<!tpu.dma_semaphore, #tpu.memory_space<semaphore_mem>>)
      %dma_wait3A_139 = arith.constant 0 : i32
      %dma_wait3A_140 = tpu.memref_slice %arg12[%mul3A_126, %dma_wait3A_139] : memref<10240x16xf32, #tpu.memory_space<vmem_shared>> -> memref<640x16xf32, #tpu.memory_space<vmem_shared>>
      %dma_wait3A_141 = arith.constant 0 : i32
      %dma_wait3A_142 = tpu.memref_slice %arg12[%mul3A_126, %dma_wait3A_141] : memref<10240x16xf32, #tpu.memory_space<vmem_shared>> -> memref<640x16xf32, #tpu.memory_space<vmem_shared>>
      tpu.wait_dma2 semaphore(%run_scoped3A_134 : memref<!tpu.dma_semaphore, #tpu.memory_space<semaphore_mem>>) src(%dma_wait3A_142 : memref<640x16xf32, #tpu.memory_space<vmem_shared>>) dst(%arg10 : memref<640x16xf32, #tpu.memory_space<vmem>>)
      tpu.yield
    }) : () -> ()
    %scan3A_127 = arith.constant 0 : i32
    %scan3A_128 = arith.constant 80 : i32
    %scan3A_129 = arith.addi %scan3A_127, %scan3A_128 : i32
    %scan3A_130 = arith.constant 1 : i32
    scf.for %scan3A_134 = %scan3A_127 to %scan3A_129 step %scan3A_130  : i32 {
      %mul3A_135 = arith.constant 1 : i32
      %mul3A_136 = arith.muli %scan3A_134, %mul3A_135 : i32
      %add3A_137 = arith.constant 0 : i32
      %add3A_138 = arith.addi %add3A_137, %mul3A_136 : i32
      %mul3A_139 = arith.constant 8 : i32
      %mul3A_140 = arith.muli %add3A_138, %mul3A_139 : i32
      %add3A_141 = arith.constant 0 : i32
      %add3A_142 = arith.addi %mul3A_140, %add3A_141 : i32
      %get3A = arith.index_cast %add3A_142 : i32 to index
      %get3A_143 = arith.constant 0 : index
      %get3A_144 = tpu.vector_load %arg10[%get3A, %get3A_143] {strides = array<i32>} : memref<640x16xf32, #tpu.memory_space<vmem>>, vector<1x16xf32>,
      %get3A_145 = vector.shape_cast %get3A_144 : vector<1x16xf32> to vector<16xf32>
      %swap3A = arith.index_cast %add3A_138 : i32 to index
      %swap3A_146 = arith.constant 0 : index
      %swap3A_147 = tpu.vector_load %arg9[%swap3A, %swap3A_146] {strides = array<i32>} : memref<80x128xf32, #tpu.memory_space<vmem>>, vector<1x16xf32>,
      %swap3A_148 = vector.shape_cast %swap3A_147 : vector<1x16xf32> to vector<16xf32>
      %swap3A_149 = vector.shape_cast %get3A_145 : vector<16xf32> to vector<1x16xf32>
      tpu.vector_store %arg9[%swap3A, %swap3A_146], %swap3A_149 {strides = array<i32>} : memref<80x128xf32, #tpu.memory_space<vmem>>, vector<1x16xf32>,
      %mul3A_150 = arith.constant 8 : i32
      %mul3A_151 = arith.muli %add3A_138, %mul3A_150 : i32
      %add3A_152 = arith.constant 1 : i32
      %add3A_153 = arith.addi %mul3A_151, %add3A_152 : i32
      %get3A_154 = arith.index_cast %add3A_153 : i32 to index
      %get3A_155 = arith.constant 0 : index
      %get3A_156 = tpu.vector_load %arg10[%get3A_154, %get3A_155] {strides = array<i32>} : memref<640x16xf32, #tpu.memory_space<vmem>>, vector<1x16xf32>,
      %get3A_157 = vector.shape_cast %get3A_156 : vector<1x16xf32> to vector<16xf32>
      %swap3A_158 = arith.index_cast %add3A_138 : i32 to index
      %swap3A_159 = arith.constant 16 : index
      %swap3A_160 = tpu.vector_load %arg9[%swap3A_158, %swap3A_159] {strides = array<i32>} : memref<80x128xf32, #tpu.memory_space<vmem>>, vector<1x16xf32>,
      %swap3A_161 = vector.shape_cast %swap3A_160 : vector<1x16xf32> to vector<16xf32>
      %swap3A_162 = vector.shape_cast %get3A_157 : vector<16xf32> to vector<1x16xf32>
      tpu.vector_store %arg9[%swap3A_158, %swap3A_159], %swap3A_162 {strides = array<i32>} : memref<80x128xf32, #tpu.memory_space<vmem>>, vector<1x16xf32>,
      %mul3A_163 = arith.constant 8 : i32
      %mul3A_164 = arith.muli %add3A_138, %mul3A_163 : i32
      %add3A_165 = arith.constant 2 : i32
      %add3A_166 = arith.addi %mul3A_164, %add3A_165 : i32
      %get3A_167 = arith.index_cast %add3A_166 : i32 to index
      %get3A_168 = arith.constant 0 : index
      %get3A_169 = tpu.vector_load %arg10[%get3A_167, %get3A_168] {strides = array<i32>} : memref<640x16xf32, #tpu.memory_space<vmem>>, vector<1x16xf32>,
      %get3A_170 = vector.shape_cast %get3A_169 : vector<1x16xf32> to vector<16xf32>
      %swap3A_171 = arith.index_cast %add3A_138 : i32 to index
      %swap3A_172 = arith.constant 32 : index
      %swap3A_173 = tpu.vector_load %arg9[%swap3A_171, %swap3A_172] {strides = array<i32>} : memref<80x128xf32, #tpu.memory_space<vmem>>, vector<1x16xf32>,
      %swap3A_174 = vector.shape_cast %swap3A_173 : vector<1x16xf32> to vector<16xf32>
      %swap3A_175 = vector.shape_cast %get3A_170 : vector<16xf32> to vector<1x16xf32>
      tpu.vector_store %arg9[%swap3A_171, %swap3A_172], %swap3A_175 {strides = array<i32>} : memref<80x128xf32, #tpu.memory_space<vmem>>, vector<1x16xf32>,
      %mul3A_176 = arith.constant 8 : i32
      %mul3A_177 = arith.muli %add3A_138, %mul3A_176 : i32
      %add3A_178 = arith.constant 3 : i32
      %add3A_179 = arith.addi %mul3A_177, %add3A_178 : i32
      %get3A_180 = arith.index_cast %add3A_179 : i32 to index
      %get3A_181 = arith.constant 0 : index
      %get3A_182 = tpu.vector_load %arg10[%get3A_180, %get3A_181] {strides = array<i32>} : memref<640x16xf32, #tpu.memory_space<vmem>>, vector<1x16xf32>,
      %get3A_183 = vector.shape_cast %get3A_182 : vector<1x16xf32> to vector<16xf32>
      %swap3A_184 = arith.index_cast %add3A_138 : i32 to index
      %swap3A_185 = arith.constant 48 : index
      %swap3A_186 = tpu.vector_load %arg9[%swap3A_184, %swap3A_185] {strides = array<i32>} : memref<80x128xf32, #tpu.memory_space<vmem>>, vector<1x16xf32>,
      %swap3A_187 = vector.shape_cast %swap3A_186 : vector<1x16xf32> to vector<16xf32>
      %swap3A_188 = vector.shape_cast %get3A_183 : vector<16xf32> to vector<1x16xf32>
      tpu.vector_store %arg9[%swap3A_184, %swap3A_185], %swap3A_188 {strides = array<i32>} : memref<80x128xf32, #tpu.memory_space<vmem>>, vector<1x16xf32>,
      %mul3A_189 = arith.constant 8 : i32
      %mul3A_190 = arith.muli %add3A_138, %mul3A_189 : i32
      %add3A_191 = arith.constant 4 : i32
      %add3A_192 = arith.addi %mul3A_190, %add3A_191 : i32
      %get3A_193 = arith.index_cast %add3A_192 : i32 to index
      %get3A_194 = arith.constant 0 : index
      %get3A_195 = tpu.vector_load %arg10[%get3A_193, %get3A_194] {strides = array<i32>} : memref<640x16xf32, #tpu.memory_space<vmem>>, vector<1x16xf32>,
      %get3A_196 = vector.shape_cast %get3A_195 : vector<1x16xf32> to vector<16xf32>
      %swap3A_197 = arith.index_cast %add3A_138 : i32 to index
      %swap3A_198 = arith.constant 64 : index
      %swap3A_199 = tpu.vector_load %arg9[%swap3A_197, %swap3A_198] {strides = array<i32>} : memref<80x128xf32, #tpu.memory_space<vmem>>, vector<1x16xf32>,
      %swap3A_200 = vector.shape_cast %swap3A_199 : vector<1x16xf32> to vector<16xf32>
      %swap3A_201 = vector.shape_cast %get3A_196 : vector<16xf32> to vector<1x16xf32>
      tpu.vector_store %arg9[%swap3A_197, %swap3A_198], %swap3A_201 {strides = array<i32>} : memref<80x128xf32, #tpu.memory_space<vmem>>, vector<1x16xf32>,
      %mul3A_202 = arith.constant 8 : i32
      %mul3A_203 = arith.muli %add3A_138, %mul3A_202 : i32
      %add3A_204 = arith.constant 5 : i32
      %add3A_205 = arith.addi %mul3A_203, %add3A_204 : i32
      %get3A_206 = arith.index_cast %add3A_205 : i32 to index
      %get3A_207 = arith.constant 0 : index
      %get3A_208 = tpu.vector_load %arg10[%get3A_206, %get3A_207] {strides = array<i32>} : memref<640x16xf32, #tpu.memory_space<vmem>>, vector<1x16xf32>,
      %get3A_209 = vector.shape_cast %get3A_208 : vector<1x16xf32> to vector<16xf32>
      %swap3A_210 = arith.index_cast %add3A_138 : i32 to index
      %swap3A_211 = arith.constant 80 : index
      %swap3A_212 = tpu.vector_load %arg9[%swap3A_210, %swap3A_211] {strides = array<i32>} : memref<80x128xf32, #tpu.memory_space<vmem>>, vector<1x16xf32>,
      %swap3A_213 = vector.shape_cast %swap3A_212 : vector<1x16xf32> to vector<16xf32>
      %swap3A_214 = vector.shape_cast %get3A_209 : vector<16xf32> to vector<1x16xf32>
      tpu.vector_store %arg9[%swap3A_210, %swap3A_211], %swap3A_214 {strides = array<i32>} : memref<80x128xf32, #tpu.memory_space<vmem>>, vector<1x16xf32>,
      %mul3A_215 = arith.constant 8 : i32
      %mul3A_216 = arith.muli %add3A_138, %mul3A_215 : i32
      %add3A_217 = arith.constant 6 : i32
      %add3A_218 = arith.addi %mul3A_216, %add3A_217 : i32
      %get3A_219 = arith.index_cast %add3A_218 : i32 to index
      %get3A_220 = arith.constant 0 : index
      %get3A_221 = tpu.vector_load %arg10[%get3A_219, %get3A_220] {strides = array<i32>} : memref<640x16xf32, #tpu.memory_space<vmem>>, vector<1x16xf32>,
      %get3A_222 = vector.shape_cast %get3A_221 : vector<1x16xf32> to vector<16xf32>
      %swap3A_223 = arith.index_cast %add3A_138 : i32 to index
      %swap3A_224 = arith.constant 96 : index
      %swap3A_225 = tpu.vector_load %arg9[%swap3A_223, %swap3A_224] {strides = array<i32>} : memref<80x128xf32, #tpu.memory_space<vmem>>, vector<1x16xf32>,
      %swap3A_226 = vector.shape_cast %swap3A_225 : vector<1x16xf32> to vector<16xf32>
      %swap3A_227 = vector.shape_cast %get3A_222 : vector<16xf32> to vector<1x16xf32>
      tpu.vector_store %arg9[%swap3A_223, %swap3A_224], %swap3A_227 {strides = array<i32>} : memref<80x128xf32, #tpu.memory_space<vmem>>, vector<1x16xf32>,
      %mul3A_228 = arith.constant 8 : i32
      %mul3A_229 = arith.muli %add3A_138, %mul3A_228 : i32
      %add3A_230 = arith.constant 7 : i32
      %add3A_231 = arith.addi %mul3A_229, %add3A_230 : i32
      %get3A_232 = arith.index_cast %add3A_231 : i32 to index
      %get3A_233 = arith.constant 0 : index
      %get3A_234 = tpu.vector_load %arg10[%get3A_232, %get3A_233] {strides = array<i32>} : memref<640x16xf32, #tpu.memory_space<vmem>>, vector<1x16xf32>,
      %get3A_235 = vector.shape_cast %get3A_234 : vector<1x16xf32> to vector<16xf32>
      %swap3A_236 = arith.index_cast %add3A_138 : i32 to index
      %swap3A_237 = arith.constant 112 : index
      %swap3A_238 = tpu.vector_load %arg9[%swap3A_236, %swap3A_237] {strides = array<i32>} : memref<80x128xf32, #tpu.memory_space<vmem>>, vector<1x16xf32>,
      %swap3A_239 = vector.shape_cast %swap3A_238 : vector<1x16xf32> to vector<16xf32>
      %swap3A_240 = vector.shape_cast %get3A_235 : vector<16xf32> to vector<1x16xf32>
      tpu.vector_store %arg9[%swap3A_236, %swap3A_237], %swap3A_240 {strides = array<i32>} : memref<80x128xf32, #tpu.memory_space<vmem>>, vector<1x16xf32>,
    }
    %scan3A_131 = arith.constant 80 : i32
    %mul3A_132 = arith.constant 80 : i32
    %mul3A_133 = arith.muli %arg1, %mul3A_132 : i32
    "tpu.region"() ({
      %run_scoped3A_134 = tpu.sem_alloc : memref<!tpu.dma_semaphore, #tpu.memory_space<semaphore_mem>>
      %dma_start3A_135 = arith.constant 0 : i32
      %dma_start3A_136 = tpu.memref_slice %arg5[%arg0, %mul3A_133, %dma_start3A_135] : memref<2x1280x128xf32, #tpu.memory_space<hbm>> -> memref<1x80x128xf32, #tpu.memory_space<hbm>>
      %dma_start3A_137 = tpu.memref_squeeze %dma_start3A_136 : memref<1x80x128xf32, #tpu.memory_space<hbm>> -> memref<80x128xf32, #tpu.memory_space<hbm>>
      %dma_start3A_138 = arith.constant 0 : i32
      %dma_start3A_139 = tpu.memref_slice %arg5[%arg0, %mul3A_133, %dma_start3A_138] : memref<2x1280x128xf32, #tpu.memory_space<hbm>> -> memref<1x80x128xf32, #tpu.memory_space<hbm>>
      %dma_start3A_140 = tpu.memref_squeeze %dma_start3A_139 : memref<1x80x128xf32, #tpu.memory_space<hbm>> -> memref<80x128xf32, #tpu.memory_space<hbm>>
      tpu.enqueue_dma source(%arg9 : memref<80x128xf32, #tpu.memory_space<vmem>>) target(%dma_start3A_140 : memref<80x128xf32, #tpu.memory_space<hbm>>) target_semaphore(%run_scoped3A_134 : memref<!tpu.dma_semaphore, #tpu.memory_space<semaphore_mem>>)
      %dma_wait3A_141 = arith.constant 0 : i32
      %dma_wait3A_142 = tpu.memref_slice %arg5[%arg0, %mul3A_133, %dma_wait3A_141] : memref<2x1280x128xf32, #tpu.memory_space<hbm>> -> memref<1x80x128xf32, #tpu.memory_space<hbm>>
      %dma_wait3A_143 = tpu.memref_squeeze %dma_wait3A_142 : memref<1x80x128xf32, #tpu.memory_space<hbm>> -> memref<80x128xf32, #tpu.memory_space<hbm>>
      %dma_wait3A_144 = arith.constant 0 : i32
      %dma_wait3A_145 = tpu.memref_slice %arg5[%arg0, %mul3A_133, %dma_wait3A_144] : memref<2x1280x128xf32, #tpu.memory_space<hbm>> -> memref<1x80x128xf32, #tpu.memory_space<hbm>>
      %dma_wait3A_146 = tpu.memref_squeeze %dma_wait3A_145 : memref<1x80x128xf32, #tpu.memory_space<hbm>> -> memref<80x128xf32, #tpu.memory_space<hbm>>
      tpu.wait_dma2 semaphore(%run_scoped3A_134 : memref<!tpu.dma_semaphore, #tpu.memory_space<semaphore_mem>>) src(%arg9 : memref<80x128xf32, #tpu.memory_space<vmem>>) dst(%dma_wait3A_146 : memref<80x128xf32, #tpu.memory_space<hbm>>)
      tpu.yield
    }) : () -> ()
    return
  }
}

module attributes {stable_mosaic.version = 14 : i64} {
  func.func @_y1_body(%arg0: i32, %arg1: memref<2x1280x128xf32, #tpu.memory_space<vmem>>, %arg2: memref<10240x128xf32, #tpu.memory_space<vmem>>, %arg3: memref<128x16xf32, #tpu.memory_space<vmem>>, %arg4: memref<1280x128xf32, #tpu.memory_space<vmem>>, %arg5: memref<1280x128xf32, #tpu.memory_space<vmem>>) attributes {dimension_semantics = [#tpu.dimension_semantics<arbitrary>], iteration_bounds = array<i64: 1>, scalar_prefetch = 0 : i64, scratch_operands = 0 : i64, tpu.core_type = #tpu.core_type<tc>, window_params = [{pipeline_mode = #tpu.pipeline_mode<synchronous>, transform_indices = @transform_0, window_bounds = array<i64: 2, 1280, 128>}, {pipeline_mode = #tpu.pipeline_mode<synchronous>, transform_indices = @transform_1, window_bounds = array<i64: 10240, 128>}, {pipeline_mode = #tpu.pipeline_mode<synchronous>, transform_indices = @transform_2, window_bounds = array<i64: 128, 16>}, {pipeline_mode = #tpu.pipeline_mode<synchronous>, transform_indices = @transform_3, window_bounds = array<i64: 1280, 128>}, {pipeline_mode = #tpu.pipeline_mode<synchronous>, transform_indices = @transform_4, window_bounds = array<i64: 1280, 128>}]} {
    %get3A = arith.constant 0 : index
    %get3A_0 = arith.constant 0 : index
    %get3A_1 = arith.constant 0 : index
    %get3A_2 = vector.load %arg1[%get3A, %get3A_0, %get3A_1] : memref<2x1280x128xf32, #tpu.memory_space<vmem>>, vector<1x1280x128xf32>
    %get3A_3 = vector.shape_cast %get3A_2 : vector<1x1280x128xf32> to vector<1280x128xf32>
    %get3A_4 = arith.constant 1 : index
    %get3A_5 = arith.constant 0 : index
    %get3A_6 = arith.constant 0 : index
    %get3A_7 = vector.load %arg1[%get3A_4, %get3A_5, %get3A_6] : memref<2x1280x128xf32, #tpu.memory_space<vmem>>, vector<1x1280x128xf32>
    %get3A_8 = vector.shape_cast %get3A_7 : vector<1x1280x128xf32> to vector<1280x128xf32>
    %add3A = arith.addf %get3A_3, %get3A_8 : vector<1280x128xf32>
    %add3A_9 = arith.constant 1.000000e+00 : f32
    %add3A_10 = vector.broadcast %add3A_9 : f32 to vector<1280x128xf32>
    %add3A_11 = arith.addf %add3A, %add3A_10 : vector<1280x128xf32>
    %rsqrt3A = math.rsqrt %add3A_11 : vector<1280x128xf32>
    %swap3A = arith.constant 0 : index
    %swap3A_12 = arith.constant 0 : index
    %swap3A_13 = vector.load %arg4[%swap3A, %swap3A_12] : memref<1280x128xf32, #tpu.memory_space<vmem>>, vector<1280x128xf32>
    tpu.vector_store %arg4[%swap3A, %swap3A_12], %rsqrt3A {strides = array<i32>} : memref<1280x128xf32, #tpu.memory_space<vmem>>, vector<1280x128xf32>,
    %get3A_14 = arith.constant 0 : index
    %get3A_15 = arith.constant 0 : index
    %get3A_16 = vector.load %arg2[%get3A_14, %get3A_15] : memref<10240x128xf32, #tpu.memory_space<vmem>>, vector<10240x128xf32>
    %get3A_17 = arith.constant 0 : index
    %get3A_18 = arith.constant 0 : index
    %get3A_19 = vector.load %arg3[%get3A_17, %get3A_18] : memref<128x16xf32, #tpu.memory_space<vmem>>, vector<128x16xf32>
    %dot_general3A = arith.constant dense<0.000000e+00> : vector<10240x16xf32>
    %dot_general3A_20 = tpu.matmul %get3A_16, %get3A_19, %dot_general3A {dimension_numbers = #tpu.dot_dimension_numbers<[1], [0], [0], [1], [0, 0, 1, 1], [], []>, transpose_lhs_hint = false} : vector<10240x128xf32>, vector<128x16xf32>, vector<10240x16xf32> -> vector<10240x16xf32>
    %slice3A = vector.extract_strided_slice %dot_general3A_20 {offsets = [0, 0], sizes = [1280, 16], strides = [1, 1]} : vector<10240x16xf32> to vector<1280x16xf32>
    %slice3A_21 = vector.extract_strided_slice %dot_general3A_20 {offsets = [1280, 0], sizes = [1280, 16], strides = [1, 1]} : vector<10240x16xf32> to vector<1280x16xf32>
    %slice3A_22 = vector.extract_strided_slice %dot_general3A_20 {offsets = [2560, 0], sizes = [1280, 16], strides = [1, 1]} : vector<10240x16xf32> to vector<1280x16xf32>
    %slice3A_23 = vector.extract_strided_slice %dot_general3A_20 {offsets = [3840, 0], sizes = [1280, 16], strides = [1, 1]} : vector<10240x16xf32> to vector<1280x16xf32>
    %slice3A_24 = vector.extract_strided_slice %dot_general3A_20 {offsets = [5120, 0], sizes = [1280, 16], strides = [1, 1]} : vector<10240x16xf32> to vector<1280x16xf32>
    %slice3A_25 = vector.extract_strided_slice %dot_general3A_20 {offsets = [6400, 0], sizes = [1280, 16], strides = [1, 1]} : vector<10240x16xf32> to vector<1280x16xf32>
    %slice3A_26 = vector.extract_strided_slice %dot_general3A_20 {offsets = [7680, 0], sizes = [1280, 16], strides = [1, 1]} : vector<10240x16xf32> to vector<1280x16xf32>
    %slice3A_27 = vector.extract_strided_slice %dot_general3A_20 {offsets = [8960, 0], sizes = [1280, 16], strides = [1, 1]} : vector<10240x16xf32> to vector<1280x16xf32>
    %concatenate3A = tpu.concatenate %slice3A, %slice3A_21, %slice3A_22, %slice3A_23, %slice3A_24, %slice3A_25, %slice3A_26, %slice3A_27 in 1 : vector<1280x16xf32>, vector<1280x16xf32>, vector<1280x16xf32>, vector<1280x16xf32>, vector<1280x16xf32>, vector<1280x16xf32>, vector<1280x16xf32>, vector<1280x16xf32> -> vector<1280x128xf32>
    %mul3A = arith.mulf %concatenate3A, %rsqrt3A : vector<1280x128xf32>
    %swap3A_28 = arith.constant 0 : index
    %swap3A_29 = arith.constant 0 : index
    %swap3A_30 = vector.load %arg5[%swap3A_28, %swap3A_29] : memref<1280x128xf32, #tpu.memory_space<vmem>>, vector<1280x128xf32>
    tpu.vector_store %arg5[%swap3A_28, %swap3A_29], %mul3A {strides = array<i32>} : memref<1280x128xf32, #tpu.memory_space<vmem>>, vector<1280x128xf32>,
    return
  }
  func.func @transform_0(%arg0: i32) -> (i32, i32, i32) {
    %c0_i32 = arith.constant 0 : i32
    %c0_i32_0 = arith.constant 0 : i32
    %c0_i32_1 = arith.constant 0 : i32
    %c0_i32_2 = arith.constant 0 : i32
    return %c0_i32, %c0_i32_0, %c0_i32_1 : i32, i32, i32
  }
  func.func @transform_1(%arg0: i32) -> (i32, i32) {
    %c0_i32 = arith.constant 0 : i32
    %c0_i32_0 = arith.constant 0 : i32
    %c0_i32_1 = arith.constant 0 : i32
    return %c0_i32, %c0_i32_0 : i32, i32
  }
  func.func @transform_2(%arg0: i32) -> (i32, i32) {
    %c0_i32 = arith.constant 0 : i32
    %c0_i32_0 = arith.constant 0 : i32
    %c0_i32_1 = arith.constant 0 : i32
    return %c0_i32, %c0_i32_0 : i32, i32
  }
  func.func @transform_3(%arg0: i32) -> (i32, i32) {
    %c0_i32 = arith.constant 0 : i32
    %c0_i32_0 = arith.constant 0 : i32
    %c0_i32_1 = arith.constant 0 : i32
    return %c0_i32, %c0_i32_0 : i32, i32
  }
  func.func @transform_4(%arg0: i32) -> (i32, i32) {
    %c0_i32 = arith.constant 0 : i32
    %c0_i32_0 = arith.constant 0 : i32
    %c0_i32_1 = arith.constant 0 : i32
    return %c0_i32, %c0_i32_0 : i32, i32
  }
}

module attributes {stable_mosaic.version = 14 : i64} {
  func.func @_h_body(%arg0: i32, %arg1: memref<2x256x128xf32, #tpu.memory_space<vmem>>, %arg2: memref<256x128xf32, #tpu.memory_space<vmem>>, %arg3: memref<256x128xf32, #tpu.memory_space<vmem>>, %arg4: memref<1x128xf32, #tpu.memory_space<vmem>>, %arg5: memref<256x128xf32, #tpu.memory_space<vmem>>) attributes {dimension_semantics = [#tpu.dimension_semantics<arbitrary>], iteration_bounds = array<i64: 5>, scalar_prefetch = 0 : i64, scratch_operands = 0 : i64, tpu.core_type = #tpu.core_type<tc>, window_params = [{transform_indices = @transform_0, window_bounds = array<i64: 2, 256, 128>}, {transform_indices = @transform_1, window_bounds = array<i64: 256, 128>}, {transform_indices = @transform_2, window_bounds = array<i64: 256, 128>}, {pipeline_mode = #tpu.pipeline_mode<synchronous>, transform_indices = @transform_3, window_bounds = array<i64: 1, 128>}, {transform_indices = @transform_4, window_bounds = array<i64: 256, 128>}]} {
    %get3A = arith.constant 0 : index
    %get3A_0 = arith.constant 0 : index
    %get3A_1 = arith.constant 0 : index
    %get3A_2 = vector.load %arg1[%get3A, %get3A_0, %get3A_1] : memref<2x256x128xf32, #tpu.memory_space<vmem>>, vector<1x256x128xf32>
    %get3A_3 = vector.shape_cast %get3A_2 : vector<1x256x128xf32> to vector<256x128xf32>
    %get3A_4 = arith.constant 1 : index
    %get3A_5 = arith.constant 0 : index
    %get3A_6 = arith.constant 0 : index
    %get3A_7 = vector.load %arg1[%get3A_4, %get3A_5, %get3A_6] : memref<2x256x128xf32, #tpu.memory_space<vmem>>, vector<1x256x128xf32>
    %get3A_8 = vector.shape_cast %get3A_7 : vector<1x256x128xf32> to vector<256x128xf32>
    %add3A = arith.addf %get3A_3, %get3A_8 : vector<256x128xf32>
    %get3A_9 = arith.constant 0 : index
    %get3A_10 = arith.constant 0 : index
    %get3A_11 = vector.load %arg2[%get3A_9, %get3A_10] : memref<256x128xf32, #tpu.memory_space<vmem>>, vector<256x128xf32>
    %add3A_12 = arith.addf %add3A, %get3A_11 : vector<256x128xf32>
    %get3A_13 = arith.constant 0 : index
    %get3A_14 = arith.constant 0 : index
    %get3A_15 = vector.load %arg3[%get3A_13, %get3A_14] : memref<256x128xf32, #tpu.memory_space<vmem>>, vector<256x128xf32>
    %mul3A = arith.mulf %add3A_12, %get3A_15 : vector<256x128xf32>
    %get3A_16 = arith.constant 0 : index
    %get3A_17 = arith.constant 0 : index
    %get3A_18 = vector.load %arg4[%get3A_16, %get3A_17] : memref<1x128xf32, #tpu.memory_space<vmem>>, vector<1x128xf32>
    %add3A_19 = vector.broadcast %get3A_18 : vector<1x128xf32> to vector<256x128xf32>
    %add3A_20 = arith.addf %mul3A, %add3A_19 : vector<256x128xf32>
    %max3A = arith.constant 0.000000e+00 : f32
    %max3A_21 = vector.broadcast %max3A : f32 to vector<256x128xf32>
    %max3A_22 = arith.maximumf %add3A_20, %max3A_21 : vector<256x128xf32>
    %get3A_23 = arith.constant 0 : index
    %get3A_24 = arith.constant 0 : index
    %get3A_25 = vector.load %arg3[%get3A_23, %get3A_24] : memref<256x128xf32, #tpu.memory_space<vmem>>, vector<256x128xf32>
    %mul3A_26 = arith.mulf %max3A_22, %get3A_25 : vector<256x128xf32>
    %swap3A = arith.constant 0 : index
    %swap3A_27 = arith.constant 0 : index
    %swap3A_28 = vector.load %arg5[%swap3A, %swap3A_27] : memref<256x128xf32, #tpu.memory_space<vmem>>, vector<256x128xf32>
    tpu.vector_store %arg5[%swap3A, %swap3A_27], %mul3A_26 {strides = array<i32>} : memref<256x128xf32, #tpu.memory_space<vmem>>, vector<256x128xf32>,
    return
  }
  func.func @transform_0(%arg0: i32) -> (i32, i32, i32) {
    %c0_i32 = arith.constant 0 : i32
    %c0_i32_0 = arith.constant 0 : i32
    %c0_i32_1 = arith.constant 0 : i32
    return %c0_i32, %arg0, %c0_i32_0 : i32, i32, i32
  }
  func.func @transform_1(%arg0: i32) -> (i32, i32) {
    %c0_i32 = arith.constant 0 : i32
    %c0_i32_0 = arith.constant 0 : i32
    return %arg0, %c0_i32 : i32, i32
  }
  func.func @transform_2(%arg0: i32) -> (i32, i32) {
    %c0_i32 = arith.constant 0 : i32
    %c0_i32_0 = arith.constant 0 : i32
    return %arg0, %c0_i32 : i32, i32
  }
  func.func @transform_3(%arg0: i32) -> (i32, i32) {
    %c0_i32 = arith.constant 0 : i32
    %c0_i32_0 = arith.constant 0 : i32
    %c0_i32_1 = arith.constant 0 : i32
    return %c0_i32, %c0_i32_0 : i32, i32
  }
  func.func @transform_4(%arg0: i32) -> (i32, i32) {
    %c0_i32 = arith.constant 0 : i32
    %c0_i32_0 = arith.constant 0 : i32
    return %arg0, %c0_i32 : i32, i32
  }
}

module attributes {stable_mosaic.version = 14 : i64} {
  func.func @_out_body(%arg0: i32, %arg1: memref<2x1280x128xf32, #tpu.memory_space<vmem>>, %arg2: memref<1280x128xf32, #tpu.memory_space<vmem>>, %arg3: memref<1280x128xf32, #tpu.memory_space<vmem>>, %arg4: memref<16x128xf32, #tpu.memory_space<vmem>>, %arg5: memref<1x128xf32, #tpu.memory_space<vmem>>, %arg6: memref<10240x128xf32, #tpu.memory_space<vmem>>) attributes {dimension_semantics = [#tpu.dimension_semantics<arbitrary>], iteration_bounds = array<i64: 1>, scalar_prefetch = 0 : i64, scratch_operands = 0 : i64, tpu.core_type = #tpu.core_type<tc>, window_params = [{pipeline_mode = #tpu.pipeline_mode<synchronous>, transform_indices = @transform_0, window_bounds = array<i64: 2, 1280, 128>}, {pipeline_mode = #tpu.pipeline_mode<synchronous>, transform_indices = @transform_1, window_bounds = array<i64: 1280, 128>}, {pipeline_mode = #tpu.pipeline_mode<synchronous>, transform_indices = @transform_2, window_bounds = array<i64: 1280, 128>}, {pipeline_mode = #tpu.pipeline_mode<synchronous>, transform_indices = @transform_3, window_bounds = array<i64: 16, 128>}, {pipeline_mode = #tpu.pipeline_mode<synchronous>, transform_indices = @transform_4, window_bounds = array<i64: 1, 128>}, {pipeline_mode = #tpu.pipeline_mode<synchronous>, transform_indices = @transform_5, window_bounds = array<i64: 10240, 128>}]} {
    %get3A = arith.constant 0 : index
    %get3A_0 = arith.constant 0 : index
    %get3A_1 = arith.constant 0 : index
    %get3A_2 = vector.load %arg1[%get3A, %get3A_0, %get3A_1] : memref<2x1280x128xf32, #tpu.memory_space<vmem>>, vector<1x1280x128xf32>
    %get3A_3 = vector.shape_cast %get3A_2 : vector<1x1280x128xf32> to vector<1280x128xf32>
    %get3A_4 = arith.constant 1 : index
    %get3A_5 = arith.constant 0 : index
    %get3A_6 = arith.constant 0 : index
    %get3A_7 = vector.load %arg1[%get3A_4, %get3A_5, %get3A_6] : memref<2x1280x128xf32, #tpu.memory_space<vmem>>, vector<1x1280x128xf32>
    %get3A_8 = vector.shape_cast %get3A_7 : vector<1x1280x128xf32> to vector<1280x128xf32>
    %add3A = arith.addf %get3A_3, %get3A_8 : vector<1280x128xf32>
    %get3A_9 = arith.constant 0 : index
    %get3A_10 = arith.constant 0 : index
    %get3A_11 = vector.load %arg2[%get3A_9, %get3A_10] : memref<1280x128xf32, #tpu.memory_space<vmem>>, vector<1280x128xf32>
    %add3A_12 = arith.addf %add3A, %get3A_11 : vector<1280x128xf32>
    %get3A_13 = arith.constant 0 : index
    %get3A_14 = arith.constant 0 : index
    %get3A_15 = vector.load %arg3[%get3A_13, %get3A_14] : memref<1280x128xf32, #tpu.memory_space<vmem>>, vector<1280x128xf32>
    %mul3A = arith.mulf %add3A_12, %get3A_15 : vector<1280x128xf32>
    %slice3A = vector.extract_strided_slice %mul3A {offsets = [0, 0], sizes = [1280, 16], strides = [1, 1]} : vector<1280x128xf32> to vector<1280x16xf32>
    %slice3A_16 = vector.extract_strided_slice %mul3A {offsets = [0, 16], sizes = [1280, 16], strides = [1, 1]} : vector<1280x128xf32> to vector<1280x16xf32>
    %slice3A_17 = vector.extract_strided_slice %mul3A {offsets = [0, 32], sizes = [1280, 16], strides = [1, 1]} : vector<1280x128xf32> to vector<1280x16xf32>
    %slice3A_18 = vector.extract_strided_slice %mul3A {offsets = [0, 48], sizes = [1280, 16], strides = [1, 1]} : vector<1280x128xf32> to vector<1280x16xf32>
    %slice3A_19 = vector.extract_strided_slice %mul3A {offsets = [0, 64], sizes = [1280, 16], strides = [1, 1]} : vector<1280x128xf32> to vector<1280x16xf32>
    %slice3A_20 = vector.extract_strided_slice %mul3A {offsets = [0, 80], sizes = [1280, 16], strides = [1, 1]} : vector<1280x128xf32> to vector<1280x16xf32>
    %slice3A_21 = vector.extract_strided_slice %mul3A {offsets = [0, 96], sizes = [1280, 16], strides = [1, 1]} : vector<1280x128xf32> to vector<1280x16xf32>
    %slice3A_22 = vector.extract_strided_slice %mul3A {offsets = [0, 112], sizes = [1280, 16], strides = [1, 1]} : vector<1280x128xf32> to vector<1280x16xf32>
    %concatenate3A = tpu.concatenate %slice3A, %slice3A_16, %slice3A_17, %slice3A_18, %slice3A_19, %slice3A_20, %slice3A_21, %slice3A_22 in 0 : vector<1280x16xf32>, vector<1280x16xf32>, vector<1280x16xf32>, vector<1280x16xf32>, vector<1280x16xf32>, vector<1280x16xf32>, vector<1280x16xf32>, vector<1280x16xf32> -> vector<10240x16xf32>
    %get3A_23 = arith.constant 0 : index
    %get3A_24 = arith.constant 0 : index
    %get3A_25 = vector.load %arg4[%get3A_23, %get3A_24] : memref<16x128xf32, #tpu.memory_space<vmem>>, vector<16x128xf32>
    %dot_general3A = arith.constant dense<0.000000e+00> : vector<10240x128xf32>
    %dot_general3A_26 = tpu.matmul %concatenate3A, %get3A_25, %dot_general3A {dimension_numbers = #tpu.dot_dimension_numbers<[1], [0], [0], [1], [0, 0, 1, 1], [], []>, transpose_lhs_hint = false} : vector<10240x16xf32>, vector<16x128xf32>, vector<10240x128xf32> -> vector<10240x128xf32>
    %get3A_27 = arith.constant 0 : index
    %get3A_28 = arith.constant 0 : index
    %get3A_29 = vector.load %arg5[%get3A_27, %get3A_28] : memref<1x128xf32, #tpu.memory_space<vmem>>, vector<1x128xf32>
    %add3A_30 = vector.broadcast %get3A_29 : vector<1x128xf32> to vector<10240x128xf32>
    %add3A_31 = arith.addf %dot_general3A_26, %add3A_30 : vector<10240x128xf32>
    %swap3A = arith.constant 0 : index
    %swap3A_32 = arith.constant 0 : index
    %swap3A_33 = vector.load %arg6[%swap3A, %swap3A_32] : memref<10240x128xf32, #tpu.memory_space<vmem>>, vector<10240x128xf32>
    tpu.vector_store %arg6[%swap3A, %swap3A_32], %add3A_31 {strides = array<i32>} : memref<10240x128xf32, #tpu.memory_space<vmem>>, vector<10240x128xf32>,
    return
  }
  func.func @transform_0(%arg0: i32) -> (i32, i32, i32) {
    %c0_i32 = arith.constant 0 : i32
    %c0_i32_0 = arith.constant 0 : i32
    %c0_i32_1 = arith.constant 0 : i32
    %c0_i32_2 = arith.constant 0 : i32
    return %c0_i32, %c0_i32_0, %c0_i32_1 : i32, i32, i32
  }
  func.func @transform_1(%arg0: i32) -> (i32, i32) {
    %c0_i32 = arith.constant 0 : i32
    %c0_i32_0 = arith.constant 0 : i32
    %c0_i32_1 = arith.constant 0 : i32
    return %c0_i32, %c0_i32_0 : i32, i32
  }
  func.func @transform_2(%arg0: i32) -> (i32, i32) {
    %c0_i32 = arith.constant 0 : i32
    %c0_i32_0 = arith.constant 0 : i32
    %c0_i32_1 = arith.constant 0 : i32
    return %c0_i32, %c0_i32_0 : i32, i32
  }
  func.func @transform_3(%arg0: i32) -> (i32, i32) {
    %c0_i32 = arith.constant 0 : i32
    %c0_i32_0 = arith.constant 0 : i32
    %c0_i32_1 = arith.constant 0 : i32
    return %c0_i32, %c0_i32_0 : i32, i32
  }
  func.func @transform_4(%arg0: i32) -> (i32, i32) {
    %c0_i32 = arith.constant 0 : i32
    %c0_i32_0 = arith.constant 0 : i32
    %c0_i32_1 = arith.constant 0 : i32
    return %c0_i32, %c0_i32_0 : i32, i32
  }
  func.func @transform_5(%arg0: i32) -> (i32, i32) {
    %c0_i32 = arith.constant 0 : i32
    %c0_i32_0 = arith.constant 0 : i32
    %c0_i32_1 = arith.constant 0 : i32
    return %c0_i32, %c0_i32_0 : i32, i32
  }
}

</mosaic_0001>

<sc_bundles>
// kernel: kernel.11.cloned.1.call-start
scs
__scs_entry_jumppad:
0x0: {  	(pc) =	sbr.rel $0x88, $3  }
0x1: {  	(tag) =	ssettag $0x0;
	lr =	simm.s32 $0x1  }
0x2: {  	[smem:$0x3F9B] =	sst lr;
	_ =	strace $0xD0000000  }
0x3: {  	_ = 	snop  }
0x4: {  	_ = 	snop  }
0x5: {  	_ = 	snop  }
0x6: {  	_ = 	snop  }
0x7: {  	_ = 	snop  }
__scs_overlays_trampoline_lowered:
0x8: {  	[smem:$0x3FAA] =	sst s0  }
0x9: {  	[smem:$0x3FAB] =	sst s1  }
0xa: {  	[smem:$0x3FAC] =	sst s2  }
0xb: {  	[smem:$0x3FAD] =	sst s3  }
0xc: {  	[smem:$0x3FAE] =	sst s4  }
0xd: {  	[smem:$0x3FAF] =	sst s5  }
0xe: {  	[smem:$0x3FB0] =	sst s6  }
0xf: {  	[smem:$0x3FB1] =	sst s7  }
0x10: {  	[smem:$0x3FB2] =	sst s8  }
0x11: {  	[smem:$0x3FB3] =	sst s9;
	s0 =	simm.s32 @!p0 $0x0  }
0x12: {  	s1 =	sld [smem:$0x3F99];
	s0 =	simm.s32 @p0 $0x1  }
0x13: {  	[smem:$0x3FB4] =	sst s0;
	s0 =	simm.s32 @!p1 $0x0  }
0x14: {  	s2 =	sld [smem:$0x3F98];
	s0 =	simm.s32 @p1 $0x1  }
0x15: {  	[smem:$0x3FB5] =	sst s0;
	s0 =	simm.s32 @!p2 $0x0  }
0x16: {  	s3 =	sld [smem:$0x3FDB];
	s0 =	simm.s32 @p2 $0x1  }
0x17: {  	s4 =	simm.s32 $0x1BF5;
	[smem:$0x3FB7] =	sst s0  }
0x18: {  	s0 =	sld [smem:$0x3F9A];
	_ =	swait.ge [sflag:s4], $0x0  }
0x19: {  	s7 =	sld [smem:$0x3F9B]  }
0x1a: {  	s8 =	sadd.s32 $0xFFFFE003, lr  }
0x1b: {  	s9 =	sadd.s32 $0xFFFFFEF7, lr;
	s5 =	simm.s32 $0xFFFFFFFF;
	p2 =	slt.u32 s8, $0xFFFFF086  }
0x1c: {  	p1 =	slt.u32 s9, $0xF7A;
	s5 =	simm.s32 @!p2 $0x0  }
0x1d: {  	s5 =	simm.s32 @p1 $0x1;
	p0 =	seq.s32 s7, s2  }
0x1e: {  	s7 =	smul.u32 @!p0 $0xF7A, s2;
	p2 =	seq.s32 @!p0 s5, $0x0  }
0x1f: {  	s9 =	smul.u32 $0xF7A, s1;
	s8 =	simm.s32 @!p0 $0x1BF5;
	p2 =	por !p2, p0  }
0x20: {  	[sflag:s8] =	ssyncset.s32 @!p0 $0xFFFFF086;
	s6 =	sadd.s32 @!p0 s3, s7;
	s7 =	simm.s32 @!p0 $0x108  }
0x21: {  	s3 =	sadd.s32 s3, s9;
	s6 =	sadd.s32 @!p0 $0x88, s6;
	s7 =	simm.s32 @p2 $0x1082  }
0x22: {  	[simem:s7], [sflag:s8] =	dma.local @!p0 [hbm:s6], $0xF7A  }
0x23: {  	s9 =	sor.u32 $0xD0000000, s2;
	s6 =	simm.s32 $0x108;
	_ =	swait.ge @!p0 [sflag:s8], $0x0  }
0x24: {  	s3 =	sadd.s32 $0x88, s3;
	s6 =	simm.s32 @!p1 $0x1082;
	[sflag:s4] =	ssyncset.s32 $0xFFFFF086  }
0x25: {  	[simem:s6], [sflag:s4] =	dma.local [hbm:s3], $0xF7A  }
0x26: {  	[smem:$0x3F9B] =	sst s1;
	(tag) =	ssettag s2;
	_ =	strace s9  }
0x27: {  	s1 =	sld [smem:$0x3FAB]  }
0x28: {  	s2 =	sld [smem:$0x3FAC]  }
0x29: {  	s4 =	sld [smem:$0x3FAE]  }
0x2a: {  	p0 =	seq.s32 s5, $0x0;
	s5 =	sld [smem:$0x3FAF]  }
0x2b: {  	s6 =	sld [smem:$0x3FB0]  }
0x2c: {  	s7 =	sld [smem:$0x3FB1]  }
0x2d: {  	s3 =	simm.s32 $0x108;
	s8 =	sld [smem:$0x3FB2]  }
0x2e: {  	s3 =	simm.s32 @!p0 $0x1082;
	s9 =	sld [smem:$0x3FB3]  }
0x2f: {  	lr =	sadd.s32 s0, s3;
	s0 =	sld [smem:$0x3FAA]  }
0x30: {  	s3 =	sld [smem:$0x3FAD]  }
0x31: {  	[smem:$0x3FB6] =	sst s10  }
0x32: {  	s10 =	sld [smem:$0x3FB4];
	_ =	sdelay $0x3  }
0x33: {  	p0 =	seq.s32 s10, $0x1;
	s10 =	sld [smem:$0x3FB6];
	_ =	sdelay $0x3  }
0x34: {  	[smem:$0x3FB6] =	sst s10  }
0x35: {  	s10 =	sld [smem:$0x3FB5];
	_ =	sdelay $0x3  }
0x36: {  	p1 =	seq.s32 s10, $0x1;
	s10 =	sld [smem:$0x3FB6];
	_ =	sdelay $0x3  }
0x37: {  	[smem:$0x3FB6] =	sst s10  }
0x38: {  	s10 =	sld [smem:$0x3FB7]  }
0x39: {  	_ = 	snop;
	(pc) =	sbr.ind lr, $3  }
0x3a: {  	_ = 	snop  }
0x3b: {  	_ = 	snop  }
0x3c: {  	p2 =	seq.s32 s10, $0x1;
	s10 =	sld [smem:$0x3FB6]  }
0x3d: {  	_ =	shalt  }
0x3e: {  	_ =	shalt  }
0x3f: {  	_ =	shalt  }
0x40: {  	_ =	shalt  }
0x41: {  	_ =	shalt  }
0x42: {  	_ =	shalt  }
0x43: {  	_ =	shalt  }
0x44: {  	_ =	shalt  }
0x45: {  	_ =	shalt  }
0x46: {  	_ =	shalt  }
0x47: {  	_ =	shalt  }
0x48: {  	_ =	shalt  }
0x49: {  	_ =	shalt  }
0x4a: {  	_ =	shalt  }
0x4b: {  	_ =	shalt  }
0x4c: {  	_ =	shalt  }
0x4d: {  	_ =	shalt  }
0x4e: {  	_ =	shalt  }
0x4f: {  	_ =	shalt  }
0x50: {  	_ =	shalt  }
0x51: {  	_ =	shalt  }
0x52: {  	_ =	shalt  }
0x53: {  	_ =	shalt  }
0x54: {  	_ =	shalt  }
0x55: {  	_ =	shalt  }
0x56: {  	_ =	shalt  }
0x57: {  	_ =	shalt  }
0x58: {  	_ =	shalt  }
0x59: {  	_ =	shalt  }
0x5a: {  	_ =	shalt  }
0x5b: {  	_ =	shalt  }
0x5c: {  	_ =	shalt  }
0x5d: {  	_ =	shalt  }
0x5e: {  	_ =	shalt  }
0x5f: {  	_ =	shalt  }
0x60: {  	_ =	shalt  }
0x61: {  	_ =	shalt  }
0x62: {  	_ =	shalt  }
0x63: {  	_ =	shalt  }
0x64: {  	_ =	shalt  }
0x65: {  	_ =	shalt  }
0x66: {  	_ =	shalt  }
0x67: {  	_ =	shalt  }
0x68: {  	_ =	shalt  }
0x69: {  	_ =	shalt  }
0x6a: {  	_ =	shalt  }
0x6b: {  	_ =	shalt  }
0x6c: {  	_ =	shalt  }
0x6d: {  	_ =	shalt  }
0x6e: {  	_ =	shalt  }
0x6f: {  	_ =	shalt  }
0x70: {  	_ =	shalt  }
0x71: {  	_ =	shalt  }
0x72: {  	_ =	shalt  }
0x73: {  	_ =	shalt  }
0x74: {  	_ =	shalt  }
0x75: {  	_ =	shalt  }
0x76: {  	_ =	shalt  }
0x77: {  	_ =	shalt  }
0x78: {  	_ =	shalt  }
0x79: {  	_ =	shalt  }
0x7a: {  	_ =	shalt  }
0x7b: {  	_ =	shalt  }
0x7c: {  	_ =	shalt  }
0x7d: {  	_ =	shalt  }
0x7e: {  	_ =	shalt  }
0x7f: {  	_ =	shalt  }
0x80: {  	_ =	shalt  }
0x81: {  	_ =	shalt  }
0x82: {  	_ =	shalt  }
0x83: {  	_ =	shalt  }
0x84: {  	_ =	shalt  }
0x85: {  	_ =	shalt  }
0x86: {  	_ =	shalt  }
0x87: {  	_ =	shalt  }
.Lfunc_end0:
.L_simem_size_0:
called_computation.1_lowered:
.L_overlay_start_0:
0x88: {  	s2 =	sld [smem:$0x3FD9]  }
0x89: {  	s3 =	sld [smem:$0x3FFE];
	_ =	sdelay $0x1  }
0x8a: {  	s1 =	srdreg.scid  }
0x8b: {  	s0 =	sand.u32 $0x1, s1  }
0x8c: {  	s17 =	sshll.u32 s0, $0xA;
	s2 =	sadd.s32 s3, s2  }
0x8d: {  	s2 =	sadd.s32 s2, s17  }
0x8e: {  	[smem:$0x3FC2] =	sst s2  }
0x8f: {  	_ = 	snop  }
0x90: {  	s2 =	sld [smem:$0x3FD0];
	(tm) =	ssettm $0x1  }
0x91: {  	s18 =	sld [smem:$0x3FFB];
	_ =	sdelay $0x3  }
0x92: {  	_ =	strace s18  }
0x93: {  	s3 =	sld [smem:$0x3FFC];
	_ =	sdelay $0x3  }
0x94: {  	_ =	strace s3  }
0x95: {  	s3 =	sld [smem:$0x3FFD];
	_ =	sdelay $0x3  }
0x96: {  	_ =	strace s3  }
0x97: {  	_ =	strace $0x8FFFFFFF  }
0x98: {  	s19 =	sld [smem:$0x3FDB];
	_ =	sdelay $0x1  }
0x99: {  	s4 =	simm.s32 $_scs_section_size  }
0x9a: {  	s5 =	simm.s32 $_size__tile_overlayer_lowered;
	s6 =	simm.s32 $_tile_overlayer_lowered  }
0x9b: {  	s22 =	simm.s32 $0x1BFF;
	s21 =	sshll.u32 s6, $0x1;
	s3 =	sadd.s32 s4, s19  }
0x9c: {  	s7 =	simm.s32 $0x0;
	s20 =	sshll.u32 s5, $0x1;
	s5 =	sadd.s32 s21, s3  }
0x9d: {  	[timem:s7], [sflag:s22] =	dma.local [hbm:s5], s20  }
0x9e: {  	_ =	swait.ge [sflag:s22], s20  }
0x9f: {  	s4 =	ssub.s32 $0x0, s20;
	[sflag:s22] =	ssyncset.done $0x0  }
0xa0: {  	[sflag:s22] =	ssyncadd.s32 s4;
	_ =	sdelay $0x1  }
0xa1: {  	s23 =	simm.s32 $0x1B8B  }
0xa2: {  	_ =	swait.ge [sflag:s23], $0x1  }
0xa3: {  	[sflag:s23] =	ssyncset.done $0x0  }
0xa4: {  	s25 =	simm.s32 $0x1B8E;
	s24 =	sld [smem:$0x3FFE];
	[sflag:s23] =	ssyncadd.s32 $0xFFFFFFFF  }
0xa5: {  	s26 =	simm.s32 $execute0_lowered;
	[smem:$0x3FD2] =	sst s25  }
0xa6: {  	s5 =	sshll.u32 s26, $0x1;
	_ =	strace $0x80000049;
	[dreg:$0x1] =	wrdreg $0xFFFFFFFF  }
0xa7: {  	s28 =	simm.s32 $_size_execute0_lowered;
	s3 =	sadd.s32 s3, s5;
	[dreg:$0x0] =	wrdreg $0x0  }
0xa8: {  	s5 =	sshll.u32 s28, $0x1;
	[dreg:$0x2] =	wrdreg s3  }
0xa9: {  	[dreg:$0x3] =	wrdreg s5  }
0xaa: {  	[dreg:$0x4] =	wrdreg $0xC0  }
0xab: {  	_ =	task [dreg:s7], $0x5FFFF  }
0xac: {  	[dreg:$0x1] =	wrdreg $0xFFFFFFFF  }
0xad: {  	[dreg:$0x0] =	wrdreg $0x60  }
0xae: {  	[dreg:$0x2] =	wrdreg s24  }
0xaf: {  	[dreg:$0x3] =	wrdreg s2  }
0xb0: {  	[dreg:$0x4] =	wrdreg $0xB0000  }
0xb1: {  	[dreg:$0x5] =	wrdreg $0xD8000  }
0xb2: {  	[dreg:$0x6] =	wrdreg $0x9  }
0xb3: {  	_ =	task.clear_ibuf [dreg:s7], $0x7FFFF;
	_ =	strace $0x90000049  }
0xb4: {  	s29 =	simm.s32 $0x9;
	_ =	strace $0x8000004B  }
0xb5: {  	_ =	swait.ge [sflag:s29], $0x1  }
0xb6: {  	[sflag:s29] =	ssyncadd.s32 $0xFFFFFFFF  }
0xb7: {  	_ =	strace $0x9000004B  }
0xb8: {  	_ =	sfence  }
0xb9: {  	s30 =	sld [smem:$0x0];
	_ =	sdelay $0x2  }
0xba: {  	s31 =	sshll.u32 s1, $0xD;
	s1 =	sshrl.u32 s1, $0x2  }
0xbb: {  	s3 =	sand.u32 $0x4000, s31;
	s1 =	sadd.s32 s1, s30  }
0xbc: {  	s0 =	sor.u32 s3, s0;
	s1 =	sshll.u32 s1, $0x11  }
0xbd: {  	s0 =	sor.u32 s1, s0  }
0xbe: {  	s0 =	sadd.s32 $0x8F2B, s0  }
0xbf: {  	[sflag:s0] =	ssyncadd.remote.s32 $0x1  }
0xc0: {  	_ =	sfence.sel $0xFFFF  }
0xc1: {  	[dreg:$0x0] =	wrdreg $0xFFFFFFFF;
	(pc) =	sbr.abs _section_cstart, $3  }
0xc2: {  	[dreg:$0x1] =	wrdreg $0xFFFFFFFF  }
0xc3: {  	_ =	task.clear_ibuf [dreg:s7], $0x2FFFF;
	_ =	strace $0x9FFFFFFF  }
0xc4: {  	(tm) =	ssettm $0x7FFFFFFF  }
0xc5: {  	_ =	shalt  }
tec
execute0_lowered:
.L_overlay_start_1:
0x0: {  	(tag) =	ssettag $0x1  }
0x1: {  	s5 =	rddreg [dreg:$0x0]  }
0x2: {  	s7 =	rddreg [dreg:$0x1]  }
0x3: {  	s2 =	rddreg [dreg:$0x2]  }
0x4: {  	s3 =	rddreg [dreg:$0x3];
	s4 =	srdreg.scid  }
0x5: {  	s0 =	rddreg [dreg:$0x4];
	s1 =	stileid.u32;
	s14 =	simm.s32 $0x3  }
0x6: {  	s15 =	simm.s32 $0x8800;
	s16 =	simm.s32 $0x4;
	s17 =	simm.s32 $0x80  }
0x7: {  	s18 =	simm.s32 $0x5000;
	s19 =	simm.s32 $0x5800;
	s20 =	simm.s32 $0x2880  }
0x8: {  	s21 =	simm.s32 $0x1;
	s22 =	simm.s32 $0x2;
	s23 =	simm.s32 $0x0  }
0x9: {  	s6 =	sand.u32 $0x1, s4;
	s4 =	simm.s32 $0x0;
	s9 =	smul.u32 $0x2800, s1  }
0xa: {  	s8 =	sshll.u32 s6, $0x4;
	[smem:$0x7FF] =	sst s4;
	s10 =	smul.u32 $0x28000, s6  }
0xb: {  	s6 =	ssub.s32 $0x2, s6;
	s8 =	sor.u32 s1, s8;
	_ =	strace $0x8000004A  }
0xc: {  	s11 =	sshrl.u32 s9, $0x3;
	s8 =	smul.u32 $0x500, s8;
	s10 =	sadd.s32 s9, s10  }
0xd: {  	s13 =	sshrl.u32 s6, $0x1;
	s11 =	sadd.s32 s11, s5;
	s10 =	sshrl.u32 s10, $0x3  }
0xe: {  	s13 =	ssub.s32 s6, s13;
	s12 =	sadd.s32 s8, s5;
	s10 =	sadd.s32 s10, s5  }
0xf: {  	s5 =	sadd.s32 $0x2400, s11;
	s7 =	sadd.s32 s7, s8;
	s8 =	sadd.s32 s9, s2  }
0x10: {  	s9 =	sadd.s32 s9, s3;
	s11 =	smax.u32 s13, $0x1;
	s13 =	simm.s32 $0x2800  }
0x11: {  	v0 =	vimm.f32 $0.0e+00;
	s6 =	sadd.s32 $0xC400, s12;
	s10 =	sadd.s32 $0x16400, s10;
	s12 =	simm.s32 $0x6000  }
.LBB2_1:
0x12: {  	[tilespmem:s12], [sflag:$0x3] =	stream.linear.gather [hbm4b:s5+s4], $0x2800, $0x38;
	[tilespmem:$0x10000] =	vst v63  }
0x13: {  	_ = 	snop  }
0x14: {  	[tilespmem:s4], [sflag:$0x3] =	stream.linear.gather [hbm4b:s6+s4], $0x2800, $0x38;
	[tilespmem:$0x10000] =	vst v63  }
0x15: {  	_ = 	snop  }
0x16: {  	[tilespmem:s13], [sflag:$0x3] =	stream.linear.gather [hbm4b:s7+s4], $0x2800, $0x38;
	[tilespmem:$0x10000] =	vst v63  }
0x17: {  	_ =	swait.ge [sflag:s14], $0x2800  }
0x18: {  	[sflag:s14] =	ssyncset.done $0x0  }
0x19: {  	s24 =	simm.s32 $0x0;
	[sflag:s14] =	ssyncadd.s32 $0xFFFFD800  }
0x1a: {  	v4 =	vld [tilespmem:s24+$0x6070]  }
0x1b: {  	v5 =	vld [tilespmem:s24+$0x6000]  }
0x1c: {  	v6 =	vld [tilespmem:s24+$0x6010]  }
0x1d: {  	v3 =	vld [tilespmem:s24+$0x6020]  }
0x1e: {  	v1 =	vld [tilespmem:s24+$0x6030]  }
0x1f: {  	v2 =	vld [tilespmem:s24+$0x6040];
	[tilespmem:s24+$0x8870] =	vst v4  }
0x20: {  	[tilespmem:s24+$0x8800] =	vst v5;
	v4 =	vld [tilespmem:s24+$0x6050]  }
0x21: {  	s25 =	simm.s32 $0x80;
	s26 =	simm.s32 $0x400;
	[tilespmem:s24+$0x8810] =	vst v6;
	v5 =	vld [tilespmem:s24+$0x6060]  }
.LBB2_2:
0x22: {  	p0 =	sne.s32 s26, $0x9E00;
	v6 =	vld [tilespmem:s25+$0x6070];
	[tilespmem:s24+$0x8820] =	vst v3  }
0x23: {  	v7 =	vld [tilespmem:s25+$0x6000];
	[tilespmem:s24+$0x8830] =	vst v1  }
0x24: {  	v8 =	vld [tilespmem:s25+$0x6010];
	[tilespmem:s24+$0x8840] =	vst v2  }
.Ltmp0:
0x25: {  	v3 =	vld [tilespmem:s25+$0x6020];
	[tilespmem:s24+$0x8850] =	vst v4;
	(pc) =	sbr.rel @p0 .LBB2_2-.Ltmp0, $4  }
0x26: {  	v1 =	vld [tilespmem:s25+$0x6030];
	[tilespmem:s24+$0x8860] =	vst v5;
	s24 =	smov.u32 s25  }
0x27: {  	v2 =	vld [tilespmem:s24+$0x6040];
	[tilespmem:s24+$0x8870] =	vst v6  }
0x28: {  	[tilespmem:s24+$0x8800] =	vst v7;
	v4 =	vld [tilespmem:s24+$0x6050]  }
0x29: {  	s25 =	sshra.s32 s26, $0x2;
	s26 =	sadd.s32 $0x200, s26;
	[tilespmem:s24+$0x8810] =	vst v8;
	v5 =	vld [tilespmem:s24+$0x6060]  }
0x2a: {  	v6 =	vld [tilespmem:s25+$0x6070];
	[tilespmem:s24+$0x8820] =	vst v3  }
0x2b: {  	v3 =	vld [tilespmem:s25+$0x6000];
	[tilespmem:s24+$0x8830] =	vst v1  }
0x2c: {  	v1 =	vld [tilespmem:s25+$0x6010];
	[tilespmem:s24+$0x8840] =	vst v2  }
0x2d: {  	v2 =	vld [tilespmem:s25+$0x6020];
	[tilespmem:s24+$0x8850] =	vst v4  }
0x2e: {  	v4 =	vld [tilespmem:s25+$0x6030];
	[tilespmem:s24+$0x8860] =	vst v5  }
0x2f: {  	v5 =	vld [tilespmem:s25+$0x6040];
	[tilespmem:s25+$0x8870] =	vst v6  }
0x30: {  	[tilespmem:s25+$0x8800] =	vst v3;
	v3 =	vld [tilespmem:s25+$0x6050]  }
0x31: {  	[tilespmem:s25+$0x8810] =	vst v1;
	v1 =	vld [tilespmem:s25+$0x6060]  }
0x32: {  	[tilespmem:s25+$0x8820] =	vst v2  }
0x33: {  	[tilespmem:s25+$0x8830] =	vst v4  }
0x34: {  	[tilespmem:s25+$0x8840] =	vst v5  }
0x35: {  	[tilespmem:s25+$0x8850] =	vst v3  }
0x36: {  	[tilespmem:s25+$0x8860] =	vst v1  }
0x37: {  	[spmem:s8] =	stream.linear.scatter [tilespmem:s15], [sflag:$0x4], $0x2800, $0x38;
	[tilespmem:$0x10000] =	vst v63  }
0x38: {  	_ =	swait.ge [sflag:s16], $0x2800  }
0x39: {  	[sflag:s16] =	ssyncset.done $0x0  }
0x3a: {  	s24 =	simm.s32 $0x40;
	s25 =	simm.s32 $0x0;
	[sflag:s16] =	ssyncadd.s32 $0xFFFFD800  }
.LBB2_4:
0x3b: {  	p0 =	sne.s32 s24, $0x9FC0;
	[tilespmem:s25+$0x8800] =	vst v0;
	s25 =	smov.u32 s24;
	s24 =	sadd.s32 $0x40, s24  }
.Ltmp1:
0x3c: {  	(pc) =	sbr.rel @p0 .LBB2_4-.Ltmp1, $2  }
0x3d: {  	_ =	sdelay $0x2  }
0x3e: {  	s25 =	sshra.s32 s25, $0x2  }
0x3f: {  	[tilespmem:s25+$0x8800] =	vst v0  }
0x40: {  	[spmem:s9] =	stream.linear.scatter [tilespmem:s15], [sflag:$0x4], $0x2800, $0x38;
	[tilespmem:$0x10000] =	vst v63  }
0x41: {  	_ =	swait.ge [sflag:s16], $0x2800  }
0x42: {  	[sflag:s16] =	ssyncset.done $0x0  }
0x43: {  	[sflag:s16] =	ssyncadd.s32 $0xFFFFD800  }
0x44: {  	_ =	swait.ge [sflag:s14], $0x2800  }
0x45: {  	[sflag:s14] =	ssyncset.done $0x0  }
0x46: {  	[sflag:s14] =	ssyncadd.s32 $0xFFFFD800  }
0x47: {  	_ =	swait.ge [sflag:s14], $0x2800  }
0x48: {  	[sflag:s14] =	ssyncset.done $0x0  }
0x49: {  	[sflag:s14] =	ssyncadd.s32 $0xFFFFD800  }
0x4a: {  	[bflag:$0x0] =	sbarrier.arrive $0xFFFF  }
0x4b: {  	[tilespmem:s18], [sflag:$0x4] =	stream.indirect.gather [spmem:s2], $0x10, s4, s17, $0xb8;
	[tilespmem:$0x10000] =	vst v63  }
0x4c: {  	_ =	swait.ge [sflag:s16], $0x800  }
0x4d: {  	[sflag:s16] =	ssyncset.done $0x0  }
0x4e: {  	[sflag:s16] =	ssyncadd.s32 $0xFFFFF800  }
0x4f: {  	[spmem:s3] =	stream.indirect.scatter.add.f32 [tilespmem:s18], [sflag:$0x1], $0x10, s13, s17, $0xb8;
	[tilespmem:$0x10000] =	vst v63  }
0x50: {  	_ = 	snop  }
0x51: {  	[tilespmem:s19], [sflag:$0x4] =	stream.indirect.gather [spmem:s2], $0x10, s17, s17, $0xb8;
	[tilespmem:$0x10000] =	vst v63  }
0x52: {  	_ =	swait.ge [sflag:s16], $0x800  }
0x53: {  	[sflag:s16] =	ssyncset.done $0x0  }
0x54: {  	[sflag:s16] =	ssyncadd.s32 $0xFFFFF800  }
0x55: {  	[spmem:s3] =	stream.indirect.scatter.add.f32 [tilespmem:s19], [sflag:$0x2], $0x10, s20, s17, $0xb8;
	[tilespmem:$0x10000] =	vst v63  }
0x56: {  	_ =	swait.ge [sflag:s21], $0x800  }
0x57: {  	[sflag:s21] =	ssyncset.done $0x0  }
0x58: {  	s24 =	simm.s32 $0x100;
	[sflag:s21] =	ssyncadd.s32 $0xFFFFF800  }
0x59: {  	[tilespmem:s18], [sflag:$0x4] =	stream.indirect.gather [spmem:s2], $0x10, s24, s17, $0xb8;
	[tilespmem:$0x10000] =	vst v63  }
0x5a: {  	_ =	swait.ge [sflag:s16], $0x800  }
0x5b: {  	[sflag:s16] =	ssyncset.done $0x0  }
0x5c: {  	s30 =	simm.s32 $0x2900;
	[sflag:s16] =	ssyncadd.s32 $0xFFFFF800  }
0x5d: {  	[spmem:s3] =	stream.indirect.scatter.add.f32 [tilespmem:s18], [sflag:$0x1], $0x10, s30, s17, $0xb8;
	[tilespmem:$0x10000] =	vst v63  }
0x5e: {  	_ =	swait.ge [sflag:s22], $0x800  }
0x5f: {  	[sflag:s22] =	ssyncset.done $0x0  }
0x60: {  	s31 =	simm.s32 $0x180;
	[sflag:s22] =	ssyncadd.s32 $0xFFFFF800  }
0x61: {  	[tilespmem:s19], [sflag:$0x4] =	stream.indirect.gather [spmem:s2], $0x10, s31, s17, $0xb8;
	[tilespmem:$0x10000] =	vst v63  }
0x62: {  	_ =	swait.ge [sflag:s16], $0x800  }
0x63: {  	[sflag:s16] =	ssyncset.done $0x0  }
0x64: {  	s25 =	simm.s32 $0x2980;
	s24 =	simm.s32 $0xFFFF6800;
	[sflag:s16] =	ssyncadd.s32 $0xFFFFF800  }
.LBB2_6:
0x65: {  	[spmem:s3] =	stream.indirect.scatter.add.f32 [tilespmem:s19], [sflag:$0x2], $0x10, s25, s17, $0xb8;
	[tilespmem:$0x10000] =	vst v63  }
0x66: {  	s25 =	smov.u32 s24  }
0x67: {  	p0 =	sne.s32 s24, $0xFFFFFC00;
	s24 =	sadd.s32 $0x400, s24;
	_ =	swait.ge [sflag:s21], $0x800  }
0x68: {  	s25 =	sshra.s32 s25, $0x2;
	[sflag:s21] =	ssyncset.done $0x0  }
0x69: {  	s26 =	sadd.s32 $0x2800, s25;
	[sflag:s21] =	ssyncadd.s32 $0xFFFFF800  }
0x6a: {  	[tilespmem:s18], [sflag:$0x4] =	stream.indirect.gather [spmem:s2], $0x10, s26, s17, $0xb8;
	[tilespmem:$0x10000] =	vst v63  }
0x6b: {  	_ =	swait.ge [sflag:s16], $0x800  }
0x6c: {  	[sflag:s16] =	ssyncset.done $0x0  }
0x6d: {  	s26 =	sadd.s32 $0x5000, s25;
	[sflag:s16] =	ssyncadd.s32 $0xFFFFF800  }
0x6e: {  	[spmem:s3] =	stream.indirect.scatter.add.f32 [tilespmem:s18], [sflag:$0x1], $0x10, s26, s17, $0xb8;
	[tilespmem:$0x10000] =	vst v63  }
0x6f: {  	_ =	swait.ge [sflag:s22], $0x800  }
0x70: {  	[sflag:s22] =	ssyncset.done $0x0  }
.Ltmp2:
0x71: {  	s26 =	sadd.s32 $0x2880, s25;
	[sflag:s22] =	ssyncadd.s32 $0xFFFFF800;
	(pc) =	sbr.rel @p0 .LBB2_6-.Ltmp2, $4  }
0x72: {  	[tilespmem:s19], [sflag:$0x4] =	stream.indirect.gather [spmem:s2], $0x10, s26, s17, $0xb8;
	[tilespmem:$0x10000] =	vst v63  }
0x73: {  	_ =	swait.ge [sflag:s16], $0x800  }
0x74: {  	[sflag:s16] =	ssyncset.done $0x0  }
0x75: {  	s25 =	sadd.s32 $0x5080, s25;
	[sflag:s16] =	ssyncadd.s32 $0xFFFFF800  }
0x76: {  	[spmem:s3] =	stream.indirect.scatter.add.f32 [tilespmem:s19], [sflag:$0x2], $0x10, s25, s17, $0xb8;
	[tilespmem:$0x10000] =	vst v63  }
0x77: {  	_ =	swait.ge [sflag:s21], $0x800  }
0x78: {  	[sflag:s21] =	ssyncset.done $0x0  }
0x79: {  	[sflag:s21] =	ssyncadd.s32 $0xFFFFF800  }
0x7a: {  	_ =	swait.ge [sflag:s22], $0x800  }
0x7b: {  	[sflag:s22] =	ssyncset.done $0x0  }
0x7c: {  	[sflag:s22] =	ssyncadd.s32 $0xFFFFF800  }
0x7d: {  	[bflag:$0x0] =	sbarrier.arrive $0xFFFF  }
0x7e: {  	[tilespmem:s15], [sflag:$0x4] =	stream.linear.gather [spmem:s9], $0x2800, $0x38;
	[tilespmem:$0x10000] =	vst v63  }
0x7f: {  	_ =	swait.ge [sflag:s16], $0x2800  }
0x80: {  	[sflag:s16] =	ssyncset.done $0x0  }
0x81: {  	s24 =	simm.s32 $0x0;
	[sflag:s16] =	ssyncadd.s32 $0xFFFFD800  }
0x82: {  	v4 =	vld [tilespmem:s24+$0x8870]  }
0x83: {  	v5 =	vld [tilespmem:s24+$0x8800]  }
0x84: {  	v6 =	vld [tilespmem:s24+$0x8810]  }
0x85: {  	v3 =	vld [tilespmem:s24+$0x8820]  }
0x86: {  	v1 =	vld [tilespmem:s24+$0x8830]  }
0x87: {  	v2 =	vld [tilespmem:s24+$0x8840];
	[tilespmem:s24+$0x6070] =	vst v4  }
0x88: {  	[tilespmem:s24+$0x6000] =	vst v5;
	v4 =	vld [tilespmem:s24+$0x8850]  }
0x89: {  	s25 =	simm.s32 $0x80;
	s26 =	simm.s32 $0x400;
	[tilespmem:s24+$0x6010] =	vst v6;
	v5 =	vld [tilespmem:s24+$0x8860]  }
.LBB2_8:
0x8a: {  	p0 =	sne.s32 s26, $0x9E00;
	v6 =	vld [tilespmem:s25+$0x8870];
	[tilespmem:s24+$0x6020] =	vst v3  }
0x8b: {  	v7 =	vld [tilespmem:s25+$0x8800];
	[tilespmem:s24+$0x6030] =	vst v1  }
0x8c: {  	v8 =	vld [tilespmem:s25+$0x8810];
	[tilespmem:s24+$0x6040] =	vst v2  }
.Ltmp3:
0x8d: {  	v3 =	vld [tilespmem:s25+$0x8820];
	[tilespmem:s24+$0x6050] =	vst v4;
	(pc) =	sbr.rel @p0 .LBB2_8-.Ltmp3, $4  }
0x8e: {  	v1 =	vld [tilespmem:s25+$0x8830];
	[tilespmem:s24+$0x6060] =	vst v5;
	s24 =	smov.u32 s25  }
0x8f: {  	v2 =	vld [tilespmem:s24+$0x8840];
	[tilespmem:s24+$0x6070] =	vst v6  }
0x90: {  	[tilespmem:s24+$0x6000] =	vst v7;
	v4 =	vld [tilespmem:s24+$0x8850]  }
0x91: {  	s25 =	sshra.s32 s26, $0x2;
	s26 =	sadd.s32 $0x200, s26;
	[tilespmem:s24+$0x6010] =	vst v8;
	v5 =	vld [tilespmem:s24+$0x8860]  }
0x92: {  	v6 =	vld [tilespmem:s25+$0x8870];
	[tilespmem:s24+$0x6020] =	vst v3  }
0x93: {  	v3 =	vld [tilespmem:s25+$0x8800];
	[tilespmem:s24+$0x6030] =	vst v1  }
0x94: {  	v1 =	vld [tilespmem:s25+$0x8810];
	[tilespmem:s24+$0x6040] =	vst v2  }
0x95: {  	v2 =	vld [tilespmem:s25+$0x8820];
	[tilespmem:s24+$0x6050] =	vst v4  }
0x96: {  	v4 =	vld [tilespmem:s25+$0x8830];
	[tilespmem:s24+$0x6060] =	vst v5  }
0x97: {  	v5 =	vld [tilespmem:s25+$0x8840];
	[tilespmem:s25+$0x6070] =	vst v6  }
0x98: {  	[tilespmem:s25+$0x6000] =	vst v3;
	v3 =	vld [tilespmem:s25+$0x8850]  }
0x99: {  	[tilespmem:s25+$0x6010] =	vst v1;
	v1 =	vld [tilespmem:s25+$0x8860]  }
0x9a: {  	[tilespmem:s25+$0x6020] =	vst v2  }
0x9b: {  	[tilespmem:s25+$0x6030] =	vst v4  }
0x9c: {  	s23 =	sadd.s32 $0x1, s23;
	[tilespmem:s25+$0x6040] =	vst v5  }
0x9d: {  	p0 =	sne.s32 s23, s11;
	[tilespmem:s25+$0x6050] =	vst v3  }
.Ltmp4:
0x9e: {  	[tilespmem:s25+$0x6060] =	vst v1;
	(pc) =	sbr.rel @p0 .LBB2_1-.Ltmp4, $4  }
0x9f: {  	[hbm4b:s10+s4] =	stream.linear.scatter [tilespmem:s12], [sflag:$0x4], $0x2800, $0x38;
	[tilespmem:$0x10000] =	vst v63  }
0xa0: {  	_ =	swait.ge [sflag:s16], $0x2800  }
0xa1: {  	[sflag:s16] =	ssyncset.done $0x0  }
0xa2: {  	[sflag:s16] =	ssyncadd.s32 $0xFFFFD800  }
0xa3: {  	_ =	sfence.sel $0x180000  }
0xa4: {  	[bflag:$0x0] =	sbarrier.arrive $0xFFFF  }
0xa5: {  	p0 =	sne.s32 s1, $0x0;
	_ =	strace $0x9000004A  }
0xa6: {  	s0 =	sadd.s32 @!p0 $0x100000, s0;
	[bflag:$0x2] =	sbarrier.arrive $0xFFFF  }
0xa7: {  	[sflag:s0] =	ssyncadd.tile.s32 @!p0 $0x1;
	_ =	shalt  }
.Lfunc_end2:
_tile_overlayer_lowered:
.L_overlay_start_2:
0xa8: {  	(tag) =	ssettag $0x2  }
0xa9: {  	s0 =	rddreg [dreg:$0x0];
	s2 =	stileid.u32  }
0xaa: {  	s1 =	rddreg [dreg:$0x1];
	p0 =	sne.s32 s2, $0x0  }
0xab: {  	s3 =	rddreg [dreg:$0x2];
	[bflag:$0x3] =	sbarrier.arrive $0xFFFF;
	s2 =	simm.s32 @!p0 $0x1C04  }
0xac: {  	[timem:s3], [sflag:s2] =	dma.local @!p0 [hbm:s0], s1  }
0xad: {  	s0 =	simm.s32 @!p0 $0x4  }
0xae: {  	_ =	swait.ge @!p0 [sflag:s0], s1  }
0xaf: {  	s1 =	ssub.s32 @!p0 $0x0, s1;
	[sflag:s0] =	ssyncset.done @!p0 $0x0  }
0xb0: {  	[sflag:s0] =	ssyncadd.s32 @!p0 s1  }
0xb1: {  	[bflag:$0x3] =	sbarrier.arrive $0xFFFF  }
0xb2: {  	_ =	shalt  }

// kernel: kernel.14.cloned.1.call-start
scs
__scs_entry_jumppad:
0x0: {  	(pc) =	sbr.rel $0x88, $3  }
0x1: {  	(tag) =	ssettag $0x0;
	lr =	simm.s32 $0x1  }
0x2: {  	[smem:$0x3F9B] =	sst lr;
	_ =	strace $0xD0000000  }
0x3: {  	_ = 	snop  }
0x4: {  	_ = 	snop  }
0x5: {  	_ = 	snop  }
0x6: {  	_ = 	snop  }
0x7: {  	_ = 	snop  }
__scs_overlays_trampoline_lowered:
0x8: {  	[smem:$0x3FAA] =	sst s0  }
0x9: {  	[smem:$0x3FAB] =	sst s1  }
0xa: {  	[smem:$0x3FAC] =	sst s2  }
0xb: {  	[smem:$0x3FAD] =	sst s3  }
0xc: {  	[smem:$0x3FAE] =	sst s4  }
0xd: {  	[smem:$0x3FAF] =	sst s5  }
0xe: {  	[smem:$0x3FB0] =	sst s6  }
0xf: {  	[smem:$0x3FB1] =	sst s7  }
0x10: {  	[smem:$0x3FB2] =	sst s8  }
0x11: {  	[smem:$0x3FB3] =	sst s9;
	s0 =	simm.s32 @!p0 $0x0  }
0x12: {  	s1 =	sld [smem:$0x3F99];
	s0 =	simm.s32 @p0 $0x1  }
0x13: {  	[smem:$0x3FB4] =	sst s0;
	s0 =	simm.s32 @!p1 $0x0  }
0x14: {  	s2 =	sld [smem:$0x3F98];
	s0 =	simm.s32 @p1 $0x1  }
0x15: {  	[smem:$0x3FB5] =	sst s0;
	s0 =	simm.s32 @!p2 $0x0  }
0x16: {  	s3 =	sld [smem:$0x3FDB];
	s0 =	simm.s32 @p2 $0x1  }
0x17: {  	s4 =	simm.s32 $0x1BF5;
	[smem:$0x3FB7] =	sst s0  }
0x18: {  	s0 =	sld [smem:$0x3F9A];
	_ =	swait.ge [sflag:s4], $0x0  }
0x19: {  	s7 =	sld [smem:$0x3F9B]  }
0x1a: {  	s8 =	sadd.s32 $0xFFFFE003, lr  }
0x1b: {  	s9 =	sadd.s32 $0xFFFFFEF7, lr;
	s5 =	simm.s32 $0xFFFFFFFF;
	p2 =	slt.u32 s8, $0xFFFFF086  }
0x1c: {  	p1 =	slt.u32 s9, $0xF7A;
	s5 =	simm.s32 @!p2 $0x0  }
0x1d: {  	s5 =	simm.s32 @p1 $0x1;
	p0 =	seq.s32 s7, s2  }
0x1e: {  	s7 =	smul.u32 @!p0 $0xF7A, s2;
	p2 =	seq.s32 @!p0 s5, $0x0  }
0x1f: {  	s9 =	smul.u32 $0xF7A, s1;
	s8 =	simm.s32 @!p0 $0x1BF5;
	p2 =	por !p2, p0  }
0x20: {  	[sflag:s8] =	ssyncset.s32 @!p0 $0xFFFFF086;
	s6 =	sadd.s32 @!p0 s3, s7;
	s7 =	simm.s32 @!p0 $0x108  }
0x21: {  	s3 =	sadd.s32 s3, s9;
	s6 =	sadd.s32 @!p0 $0x88, s6;
	s7 =	simm.s32 @p2 $0x1082  }
0x22: {  	[simem:s7], [sflag:s8] =	dma.local @!p0 [hbm:s6], $0xF7A  }
0x23: {  	s9 =	sor.u32 $0xD0000000, s2;
	s6 =	simm.s32 $0x108;
	_ =	swait.ge @!p0 [sflag:s8], $0x0  }
0x24: {  	s3 =	sadd.s32 $0x88, s3;
	s6 =	simm.s32 @!p1 $0x1082;
	[sflag:s4] =	ssyncset.s32 $0xFFFFF086  }
0x25: {  	[simem:s6], [sflag:s4] =	dma.local [hbm:s3], $0xF7A  }
0x26: {  	[smem:$0x3F9B] =	sst s1;
	(tag) =	ssettag s2;
	_ =	strace s9  }
0x27: {  	s1 =	sld [smem:$0x3FAB]  }
0x28: {  	s2 =	sld [smem:$0x3FAC]  }
0x29: {  	s4 =	sld [smem:$0x3FAE]  }
0x2a: {  	p0 =	seq.s32 s5, $0x0;
	s5 =	sld [smem:$0x3FAF]  }
0x2b: {  	s6 =	sld [smem:$0x3FB0]  }
0x2c: {  	s7 =	sld [smem:$0x3FB1]  }
0x2d: {  	s3 =	simm.s32 $0x108;
	s8 =	sld [smem:$0x3FB2]  }
0x2e: {  	s3 =	simm.s32 @!p0 $0x1082;
	s9 =	sld [smem:$0x3FB3]  }
0x2f: {  	lr =	sadd.s32 s0, s3;
	s0 =	sld [smem:$0x3FAA]  }
0x30: {  	s3 =	sld [smem:$0x3FAD]  }
0x31: {  	[smem:$0x3FB6] =	sst s10  }
0x32: {  	s10 =	sld [smem:$0x3FB4];
	_ =	sdelay $0x3  }
0x33: {  	p0 =	seq.s32 s10, $0x1;
	s10 =	sld [smem:$0x3FB6];
	_ =	sdelay $0x3  }
0x34: {  	[smem:$0x3FB6] =	sst s10  }
0x35: {  	s10 =	sld [smem:$0x3FB5];
	_ =	sdelay $0x3  }
0x36: {  	p1 =	seq.s32 s10, $0x1;
	s10 =	sld [smem:$0x3FB6];
	_ =	sdelay $0x3  }
0x37: {  	[smem:$0x3FB6] =	sst s10  }
0x38: {  	s10 =	sld [smem:$0x3FB7]  }
0x39: {  	_ = 	snop;
	(pc) =	sbr.ind lr, $3  }
0x3a: {  	_ = 	snop  }
0x3b: {  	_ = 	snop  }
0x3c: {  	p2 =	seq.s32 s10, $0x1;
	s10 =	sld [smem:$0x3FB6]  }
0x3d: {  	_ =	shalt  }
0x3e: {  	_ =	shalt  }
0x3f: {  	_ =	shalt  }
0x40: {  	_ =	shalt  }
0x41: {  	_ =	shalt  }
0x42: {  	_ =	shalt  }
0x43: {  	_ =	shalt  }
0x44: {  	_ =	shalt  }
0x45: {  	_ =	shalt  }
0x46: {  	_ =	shalt  }
0x47: {  	_ =	shalt  }
0x48: {  	_ =	shalt  }
0x49: {  	_ =	shalt  }
0x4a: {  	_ =	shalt  }
0x4b: {  	_ =	shalt  }
0x4c: {  	_ =	shalt  }
0x4d: {  	_ =	shalt  }
0x4e: {  	_ =	shalt  }
0x4f: {  	_ =	shalt  }
0x50: {  	_ =	shalt  }
0x51: {  	_ =	shalt  }
0x52: {  	_ =	shalt  }
0x53: {  	_ =	shalt  }
0x54: {  	_ =	shalt  }
0x55: {  	_ =	shalt  }
0x56: {  	_ =	shalt  }
0x57: {  	_ =	shalt  }
0x58: {  	_ =	shalt  }
0x59: {  	_ =	shalt  }
0x5a: {  	_ =	shalt  }
0x5b: {  	_ =	shalt  }
0x5c: {  	_ =	shalt  }
0x5d: {  	_ =	shalt  }
0x5e: {  	_ =	shalt  }
0x5f: {  	_ =	shalt  }
0x60: {  	_ =	shalt  }
0x61: {  	_ =	shalt  }
0x62: {  	_ =	shalt  }
0x63: {  	_ =	shalt  }
0x64: {  	_ =	shalt  }
0x65: {  	_ =	shalt  }
0x66: {  	_ =	shalt  }
0x67: {  	_ =	shalt  }
0x68: {  	_ =	shalt  }
0x69: {  	_ =	shalt  }
0x6a: {  	_ =	shalt  }
0x6b: {  	_ =	shalt  }
0x6c: {  	_ =	shalt  }
0x6d: {  	_ =	shalt  }
0x6e: {  	_ =	shalt  }
0x6f: {  	_ =	shalt  }
0x70: {  	_ =	shalt  }
0x71: {  	_ =	shalt  }
0x72: {  	_ =	shalt  }
0x73: {  	_ =	shalt  }
0x74: {  	_ =	shalt  }
0x75: {  	_ =	shalt  }
0x76: {  	_ =	shalt  }
0x77: {  	_ =	shalt  }
0x78: {  	_ =	shalt  }
0x79: {  	_ =	shalt  }
0x7a: {  	_ =	shalt  }
0x7b: {  	_ =	shalt  }
0x7c: {  	_ =	shalt  }
0x7d: {  	_ =	shalt  }
0x7e: {  	_ =	shalt  }
0x7f: {  	_ =	shalt  }
0x80: {  	_ =	shalt  }
0x81: {  	_ =	shalt  }
0x82: {  	_ =	shalt  }
0x83: {  	_ =	shalt  }
0x84: {  	_ =	shalt  }
0x85: {  	_ =	shalt  }
0x86: {  	_ =	shalt  }
0x87: {  	_ =	shalt  }
.Lfunc_end0:
.L_simem_size_0:
called_computation.2_lowered:
.L_overlay_start_0:
0x88: {  	s2 =	sld [smem:$0x3FD9]  }
0x89: {  	s3 =	sld [smem:$0x3FFE];
	_ =	sdelay $0x1  }
0x8a: {  	s1 =	srdreg.scid  }
0x8b: {  	s0 =	sand.u32 $0x1, s1  }
0x8c: {  	s17 =	sshll.u32 s0, $0xA;
	s2 =	sadd.s32 s3, s2  }
0x8d: {  	s2 =	sadd.s32 s2, s17  }
0x8e: {  	[smem:$0x3FC2] =	sst s2  }
0x8f: {  	_ = 	snop  }
0x90: {  	s2 =	sld [smem:$0x3FD0];
	(tm) =	ssettm $0x1  }
0x91: {  	s18 =	sld [smem:$0x3FFB];
	_ =	sdelay $0x3  }
0x92: {  	_ =	strace s18  }
0x93: {  	s3 =	sld [smem:$0x3FFC];
	_ =	sdelay $0x3  }
0x94: {  	_ =	strace s3  }
0x95: {  	s3 =	sld [smem:$0x3FFD];
	_ =	sdelay $0x3  }
0x96: {  	_ =	strace s3  }
0x97: {  	_ =	strace $0x8FFFFFFF  }
0x98: {  	s19 =	sld [smem:$0x3FDB];
	_ =	sdelay $0x1  }
0x99: {  	s4 =	simm.s32 $_scs_section_size  }
0x9a: {  	s5 =	simm.s32 $_size__tile_overlayer_lowered;
	s6 =	simm.s32 $_tile_overlayer_lowered  }
0x9b: {  	s22 =	simm.s32 $0x1BFF;
	s21 =	sshll.u32 s6, $0x1;
	s3 =	sadd.s32 s4, s19  }
0x9c: {  	s7 =	simm.s32 $0x0;
	s20 =	sshll.u32 s5, $0x1;
	s5 =	sadd.s32 s21, s3  }
0x9d: {  	[timem:s7], [sflag:s22] =	dma.local [hbm:s5], s20  }
0x9e: {  	_ =	swait.ge [sflag:s22], s20  }
0x9f: {  	s4 =	ssub.s32 $0x0, s20;
	[sflag:s22] =	ssyncset.done $0x0  }
0xa0: {  	[sflag:s22] =	ssyncadd.s32 s4;
	_ =	sdelay $0x1  }
0xa1: {  	s23 =	simm.s32 $0x1B8B  }
0xa2: {  	_ =	swait.ge [sflag:s23], $0x1  }
0xa3: {  	[sflag:s23] =	ssyncset.done $0x0  }
0xa4: {  	s25 =	simm.s32 $0x1B8E;
	s24 =	sld [smem:$0x3FFE];
	[sflag:s23] =	ssyncadd.s32 $0xFFFFFFFF  }
0xa5: {  	s26 =	simm.s32 $execute0_lowered;
	[smem:$0x3FD2] =	sst s25  }
0xa6: {  	s5 =	sshll.u32 s26, $0x1;
	_ =	strace $0x8000004C;
	[dreg:$0x1] =	wrdreg $0xFFFFFFFF  }
0xa7: {  	s28 =	simm.s32 $_size_execute0_lowered;
	s3 =	sadd.s32 s3, s5;
	[dreg:$0x0] =	wrdreg $0x0  }
0xa8: {  	s5 =	sshll.u32 s28, $0x1;
	[dreg:$0x2] =	wrdreg s3  }
0xa9: {  	[dreg:$0x3] =	wrdreg s5  }
0xaa: {  	[dreg:$0x4] =	wrdreg $0xC0  }
0xab: {  	_ =	task [dreg:s7], $0x5FFFF  }
0xac: {  	[dreg:$0x1] =	wrdreg $0xFFFFFFFF  }
0xad: {  	[dreg:$0x0] =	wrdreg $0x60  }
0xae: {  	[dreg:$0x2] =	wrdreg s24  }
0xaf: {  	[dreg:$0x3] =	wrdreg s2  }
0xb0: {  	[dreg:$0x4] =	wrdreg $0xB0000  }
0xb1: {  	[dreg:$0x5] =	wrdreg $0xD8000  }
0xb2: {  	[dreg:$0x6] =	wrdreg $0x9  }
0xb3: {  	_ =	task.clear_ibuf [dreg:s7], $0x7FFFF;
	_ =	strace $0x9000004C  }
0xb4: {  	s29 =	simm.s32 $0x9;
	_ =	strace $0x8000004E  }
0xb5: {  	_ =	swait.ge [sflag:s29], $0x1  }
0xb6: {  	[sflag:s29] =	ssyncadd.s32 $0xFFFFFFFF  }
0xb7: {  	_ =	strace $0x9000004E  }
0xb8: {  	_ =	sfence  }
0xb9: {  	s30 =	sld [smem:$0x0];
	_ =	sdelay $0x2  }
0xba: {  	s31 =	sshll.u32 s1, $0xD;
	s1 =	sshrl.u32 s1, $0x2  }
0xbb: {  	s3 =	sand.u32 $0x4000, s31;
	s1 =	sadd.s32 s1, s30  }
0xbc: {  	s0 =	sor.u32 s3, s0;
	s1 =	sshll.u32 s1, $0x11  }
0xbd: {  	s0 =	sor.u32 s1, s0  }
0xbe: {  	s0 =	sadd.s32 $0x8F2B, s0  }
0xbf: {  	[sflag:s0] =	ssyncadd.remote.s32 $0x1  }
0xc0: {  	_ =	sfence.sel $0xFFFF  }
0xc1: {  	[dreg:$0x0] =	wrdreg $0xFFFFFFFF;
	(pc) =	sbr.abs _section_cstart, $3  }
0xc2: {  	[dreg:$0x1] =	wrdreg $0xFFFFFFFF  }
0xc3: {  	_ =	task.clear_ibuf [dreg:s7], $0x2FFFF;
	_ =	strace $0x9FFFFFFF  }
0xc4: {  	(tm) =	ssettm $0x7FFFFFFF  }
0xc5: {  	_ =	shalt  }
tec
execute0_lowered:
.L_overlay_start_1:
0x0: {  	(tag) =	ssettag $0x1  }
0x1: {  	s5 =	rddreg [dreg:$0x0]  }
0x2: {  	s7 =	rddreg [dreg:$0x1]  }
0x3: {  	s2 =	rddreg [dreg:$0x2]  }
0x4: {  	s3 =	rddreg [dreg:$0x3];
	s4 =	srdreg.scid  }
0x5: {  	s0 =	rddreg [dreg:$0x4];
	s1 =	stileid.u32;
	s14 =	simm.s32 $0x3  }
0x6: {  	s15 =	simm.s32 $0x8800;
	s16 =	simm.s32 $0x4;
	s17 =	simm.s32 $0x80  }
0x7: {  	s18 =	simm.s32 $0x5000;
	s19 =	simm.s32 $0x5800;
	s20 =	simm.s32 $0x2880  }
0x8: {  	s21 =	simm.s32 $0x1;
	s22 =	simm.s32 $0x2;
	s23 =	simm.s32 $0x0  }
0x9: {  	s6 =	sand.u32 $0x1, s4;
	s4 =	simm.s32 $0x0;
	s9 =	smul.u32 $0x2800, s1  }
0xa: {  	s8 =	sshll.u32 s6, $0x4;
	[smem:$0x7FF] =	sst s4;
	s10 =	smul.u32 $0x28000, s6  }
0xb: {  	s6 =	ssub.s32 $0x2, s6;
	s8 =	sor.u32 s1, s8;
	_ =	strace $0x8000004D  }
0xc: {  	s11 =	sshrl.u32 s9, $0x3;
	s8 =	smul.u32 $0x500, s8;
	s10 =	sadd.s32 s9, s10  }
0xd: {  	s13 =	sshrl.u32 s6, $0x1;
	s11 =	sadd.s32 s11, s5;
	s10 =	sshrl.u32 s10, $0x3  }
0xe: {  	s13 =	ssub.s32 s6, s13;
	s12 =	sadd.s32 s8, s5;
	s10 =	sadd.s32 s10, s5  }
0xf: {  	s5 =	sadd.s32 $0x2400, s11;
	s7 =	sadd.s32 s7, s8;
	s8 =	sadd.s32 s9, s2  }
0x10: {  	s9 =	sadd.s32 s9, s3;
	s11 =	smax.u32 s13, $0x1;
	s13 =	simm.s32 $0x2800  }
0x11: {  	v0 =	vimm.f32 $0.0e+00;
	s6 =	sadd.s32 $0xC400, s12;
	s10 =	sadd.s32 $0x16400, s10;
	s12 =	simm.s32 $0x6000  }
.LBB2_1:
0x12: {  	[tilespmem:s12], [sflag:$0x3] =	stream.linear.gather [hbm4b:s5+s4], $0x2800, $0x38;
	[tilespmem:$0x10000] =	vst v63  }
0x13: {  	_ = 	snop  }
0x14: {  	[tilespmem:s4], [sflag:$0x3] =	stream.linear.gather [hbm4b:s6+s4], $0x2800, $0x38;
	[tilespmem:$0x10000] =	vst v63  }
0x15: {  	_ = 	snop  }
0x16: {  	[tilespmem:s13], [sflag:$0x3] =	stream.linear.gather [hbm4b:s7+s4], $0x2800, $0x38;
	[tilespmem:$0x10000] =	vst v63  }
0x17: {  	_ =	swait.ge [sflag:s14], $0x2800  }
0x18: {  	[sflag:s14] =	ssyncset.done $0x0  }
0x19: {  	s24 =	simm.s32 $0x0;
	[sflag:s14] =	ssyncadd.s32 $0xFFFFD800  }
0x1a: {  	v4 =	vld [tilespmem:s24+$0x6070]  }
0x1b: {  	v5 =	vld [tilespmem:s24+$0x6000]  }
0x1c: {  	v6 =	vld [tilespmem:s24+$0x6010]  }
0x1d: {  	v3 =	vld [tilespmem:s24+$0x6020]  }
0x1e: {  	v1 =	vld [tilespmem:s24+$0x6030]  }
0x1f: {  	v2 =	vld [tilespmem:s24+$0x6040];
	[tilespmem:s24+$0x8870] =	vst v4  }
0x20: {  	[tilespmem:s24+$0x8800] =	vst v5;
	v4 =	vld [tilespmem:s24+$0x6050]  }
0x21: {  	s25 =	simm.s32 $0x80;
	s26 =	simm.s32 $0x400;
	[tilespmem:s24+$0x8810] =	vst v6;
	v5 =	vld [tilespmem:s24+$0x6060]  }
.LBB2_2:
0x22: {  	p0 =	sne.s32 s26, $0x9E00;
	v6 =	vld [tilespmem:s25+$0x6070];
	[tilespmem:s24+$0x8820] =	vst v3  }
0x23: {  	v7 =	vld [tilespmem:s25+$0x6000];
	[tilespmem:s24+$0x8830] =	vst v1  }
0x24: {  	v8 =	vld [tilespmem:s25+$0x6010];
	[tilespmem:s24+$0x8840] =	vst v2  }
.Ltmp0:
0x25: {  	v3 =	vld [tilespmem:s25+$0x6020];
	[tilespmem:s24+$0x8850] =	vst v4;
	(pc) =	sbr.rel @p0 .LBB2_2-.Ltmp0, $4  }
0x26: {  	v1 =	vld [tilespmem:s25+$0x6030];
	[tilespmem:s24+$0x8860] =	vst v5;
	s24 =	smov.u32 s25  }
0x27: {  	v2 =	vld [tilespmem:s24+$0x6040];
	[tilespmem:s24+$0x8870] =	vst v6  }
0x28: {  	[tilespmem:s24+$0x8800] =	vst v7;
	v4 =	vld [tilespmem:s24+$0x6050]  }
0x29: {  	s25 =	sshra.s32 s26, $0x2;
	s26 =	sadd.s32 $0x200, s26;
	[tilespmem:s24+$0x8810] =	vst v8;
	v5 =	vld [tilespmem:s24+$0x6060]  }
0x2a: {  	v6 =	vld [tilespmem:s25+$0x6070];
	[tilespmem:s24+$0x8820] =	vst v3  }
0x2b: {  	v3 =	vld [tilespmem:s25+$0x6000];
	[tilespmem:s24+$0x8830] =	vst v1  }
0x2c: {  	v1 =	vld [tilespmem:s25+$0x6010];
	[tilespmem:s24+$0x8840] =	vst v2  }
0x2d: {  	v2 =	vld [tilespmem:s25+$0x6020];
	[tilespmem:s24+$0x8850] =	vst v4  }
0x2e: {  	v4 =	vld [tilespmem:s25+$0x6030];
	[tilespmem:s24+$0x8860] =	vst v5  }
0x2f: {  	v5 =	vld [tilespmem:s25+$0x6040];
	[tilespmem:s25+$0x8870] =	vst v6  }
0x30: {  	[tilespmem:s25+$0x8800] =	vst v3;
	v3 =	vld [tilespmem:s25+$0x6050]  }
0x31: {  	[tilespmem:s25+$0x8810] =	vst v1;
	v1 =	vld [tilespmem:s25+$0x6060]  }
0x32: {  	[tilespmem:s25+$0x8820] =	vst v2  }
0x33: {  	[tilespmem:s25+$0x8830] =	vst v4  }
0x34: {  	[tilespmem:s25+$0x8840] =	vst v5  }
0x35: {  	[tilespmem:s25+$0x8850] =	vst v3  }
0x36: {  	[tilespmem:s25+$0x8860] =	vst v1  }
0x37: {  	[spmem:s8] =	stream.linear.scatter [tilespmem:s15], [sflag:$0x4], $0x2800, $0x38;
	[tilespmem:$0x10000] =	vst v63  }
0x38: {  	_ =	swait.ge [sflag:s16], $0x2800  }
0x39: {  	[sflag:s16] =	ssyncset.done $0x0  }
0x3a: {  	s24 =	simm.s32 $0x40;
	s25 =	simm.s32 $0x0;
	[sflag:s16] =	ssyncadd.s32 $0xFFFFD800  }
.LBB2_4:
0x3b: {  	p0 =	sne.s32 s24, $0x9FC0;
	[tilespmem:s25+$0x8800] =	vst v0;
	s25 =	smov.u32 s24;
	s24 =	sadd.s32 $0x40, s24  }
.Ltmp1:
0x3c: {  	(pc) =	sbr.rel @p0 .LBB2_4-.Ltmp1, $2  }
0x3d: {  	_ =	sdelay $0x2  }
0x3e: {  	s25 =	sshra.s32 s25, $0x2  }
0x3f: {  	[tilespmem:s25+$0x8800] =	vst v0  }
0x40: {  	[spmem:s9] =	stream.linear.scatter [tilespmem:s15], [sflag:$0x4], $0x2800, $0x38;
	[tilespmem:$0x10000] =	vst v63  }
0x41: {  	_ =	swait.ge [sflag:s16], $0x2800  }
0x42: {  	[sflag:s16] =	ssyncset.done $0x0  }
0x43: {  	[sflag:s16] =	ssyncadd.s32 $0xFFFFD800  }
0x44: {  	_ =	swait.ge [sflag:s14], $0x2800  }
0x45: {  	[sflag:s14] =	ssyncset.done $0x0  }
0x46: {  	[sflag:s14] =	ssyncadd.s32 $0xFFFFD800  }
0x47: {  	_ =	swait.ge [sflag:s14], $0x2800  }
0x48: {  	[sflag:s14] =	ssyncset.done $0x0  }
0x49: {  	[sflag:s14] =	ssyncadd.s32 $0xFFFFD800  }
0x4a: {  	[bflag:$0x0] =	sbarrier.arrive $0xFFFF  }
0x4b: {  	[tilespmem:s18], [sflag:$0x4] =	stream.indirect.gather [spmem:s2], $0x10, s4, s17, $0xb8;
	[tilespmem:$0x10000] =	vst v63  }
0x4c: {  	_ =	swait.ge [sflag:s16], $0x800  }
0x4d: {  	[sflag:s16] =	ssyncset.done $0x0  }
0x4e: {  	[sflag:s16] =	ssyncadd.s32 $0xFFFFF800  }
0x4f: {  	[spmem:s3] =	stream.indirect.scatter.add.f32 [tilespmem:s18], [sflag:$0x1], $0x10, s13, s17, $0xb8;
	[tilespmem:$0x10000] =	vst v63  }
0x50: {  	_ = 	snop  }
0x51: {  	[tilespmem:s19], [sflag:$0x4] =	stream.indirect.gather [spmem:s2], $0x10, s17, s17, $0xb8;
	[tilespmem:$0x10000] =	vst v63  }
0x52: {  	_ =	swait.ge [sflag:s16], $0x800  }
0x53: {  	[sflag:s16] =	ssyncset.done $0x0  }
0x54: {  	[sflag:s16] =	ssyncadd.s32 $0xFFFFF800  }
0x55: {  	[spmem:s3] =	stream.indirect.scatter.add.f32 [tilespmem:s19], [sflag:$0x2], $0x10, s20, s17, $0xb8;
	[tilespmem:$0x10000] =	vst v63  }
0x56: {  	_ =	swait.ge [sflag:s21], $0x800  }
0x57: {  	[sflag:s21] =	ssyncset.done $0x0  }
0x58: {  	s24 =	simm.s32 $0x100;
	[sflag:s21] =	ssyncadd.s32 $0xFFFFF800  }
0x59: {  	[tilespmem:s18], [sflag:$0x4] =	stream.indirect.gather [spmem:s2], $0x10, s24, s17, $0xb8;
	[tilespmem:$0x10000] =	vst v63  }
0x5a: {  	_ =	swait.ge [sflag:s16], $0x800  }
0x5b: {  	[sflag:s16] =	ssyncset.done $0x0  }
0x5c: {  	s30 =	simm.s32 $0x2900;
	[sflag:s16] =	ssyncadd.s32 $0xFFFFF800  }
0x5d: {  	[spmem:s3] =	stream.indirect.scatter.add.f32 [tilespmem:s18], [sflag:$0x1], $0x10, s30, s17, $0xb8;
	[tilespmem:$0x10000] =	vst v63  }
0x5e: {  	_ =	swait.ge [sflag:s22], $0x800  }
0x5f: {  	[sflag:s22] =	ssyncset.done $0x0  }
0x60: {  	s31 =	simm.s32 $0x180;
	[sflag:s22] =	ssyncadd.s32 $0xFFFFF800  }
0x61: {  	[tilespmem:s19], [sflag:$0x4] =	stream.indirect.gather [spmem:s2], $0x10, s31, s17, $0xb8;
	[tilespmem:$0x10000] =	vst v63  }
0x62: {  	_ =	swait.ge [sflag:s16], $0x800  }
0x63: {  	[sflag:s16] =	ssyncset.done $0x0  }
0x64: {  	s25 =	simm.s32 $0x2980;
	s24 =	simm.s32 $0xFFFF6800;
	[sflag:s16] =	ssyncadd.s32 $0xFFFFF800  }
.LBB2_6:
0x65: {  	[spmem:s3] =	stream.indirect.scatter.add.f32 [tilespmem:s19], [sflag:$0x2], $0x10, s25, s17, $0xb8;
	[tilespmem:$0x10000] =	vst v63  }
0x66: {  	s25 =	smov.u32 s24  }
0x67: {  	p0 =	sne.s32 s24, $0xFFFFFC00;
	s24 =	sadd.s32 $0x400, s24;
	_ =	swait.ge [sflag:s21], $0x800  }
0x68: {  	s25 =	sshra.s32 s25, $0x2;
	[sflag:s21] =	ssyncset.done $0x0  }
0x69: {  	s26 =	sadd.s32 $0x2800, s25;
	[sflag:s21] =	ssyncadd.s32 $0xFFFFF800  }
0x6a: {  	[tilespmem:s18], [sflag:$0x4] =	stream.indirect.gather [spmem:s2], $0x10, s26, s17, $0xb8;
	[tilespmem:$0x10000] =	vst v63  }
0x6b: {  	_ =	swait.ge [sflag:s16], $0x800  }
0x6c: {  	[sflag:s16] =	ssyncset.done $0x0  }
0x6d: {  	s26 =	sadd.s32 $0x5000, s25;
	[sflag:s16] =	ssyncadd.s32 $0xFFFFF800  }
0x6e: {  	[spmem:s3] =	stream.indirect.scatter.add.f32 [tilespmem:s18], [sflag:$0x1], $0x10, s26, s17, $0xb8;
	[tilespmem:$0x10000] =	vst v63  }
0x6f: {  	_ =	swait.ge [sflag:s22], $0x800  }
0x70: {  	[sflag:s22] =	ssyncset.done $0x0  }
.Ltmp2:
0x71: {  	s26 =	sadd.s32 $0x2880, s25;
	[sflag:s22] =	ssyncadd.s32 $0xFFFFF800;
	(pc) =	sbr.rel @p0 .LBB2_6-.Ltmp2, $4  }
0x72: {  	[tilespmem:s19], [sflag:$0x4] =	stream.indirect.gather [spmem:s2], $0x10, s26, s17, $0xb8;
	[tilespmem:$0x10000] =	vst v63  }
0x73: {  	_ =	swait.ge [sflag:s16], $0x800  }
0x74: {  	[sflag:s16] =	ssyncset.done $0x0  }
0x75: {  	s25 =	sadd.s32 $0x5080, s25;
	[sflag:s16] =	ssyncadd.s32 $0xFFFFF800  }
0x76: {  	[spmem:s3] =	stream.indirect.scatter.add.f32 [tilespmem:s19], [sflag:$0x2], $0x10, s25, s17, $0xb8;
	[tilespmem:$0x10000] =	vst v63  }
0x77: {  	_ =	swait.ge [sflag:s21], $0x800  }
0x78: {  	[sflag:s21] =	ssyncset.done $0x0  }
0x79: {  	[sflag:s21] =	ssyncadd.s32 $0xFFFFF800  }
0x7a: {  	_ =	swait.ge [sflag:s22], $0x800  }
0x7b: {  	[sflag:s22] =	ssyncset.done $0x0  }
0x7c: {  	[sflag:s22] =	ssyncadd.s32 $0xFFFFF800  }
0x7d: {  	[bflag:$0x0] =	sbarrier.arrive $0xFFFF  }
0x7e: {  	[tilespmem:s15], [sflag:$0x4] =	stream.linear.gather [spmem:s9], $0x2800, $0x38;
	[tilespmem:$0x10000] =	vst v63  }
0x7f: {  	_ =	swait.ge [sflag:s16], $0x2800  }
0x80: {  	[sflag:s16] =	ssyncset.done $0x0  }
0x81: {  	s24 =	simm.s32 $0x0;
	[sflag:s16] =	ssyncadd.s32 $0xFFFFD800  }
0x82: {  	v4 =	vld [tilespmem:s24+$0x8870]  }
0x83: {  	v5 =	vld [tilespmem:s24+$0x8800]  }
0x84: {  	v6 =	vld [tilespmem:s24+$0x8810]  }
0x85: {  	v3 =	vld [tilespmem:s24+$0x8820]  }
0x86: {  	v1 =	vld [tilespmem:s24+$0x8830]  }
0x87: {  	v2 =	vld [tilespmem:s24+$0x8840];
	[tilespmem:s24+$0x6070] =	vst v4  }
0x88: {  	[tilespmem:s24+$0x6000] =	vst v5;
	v4 =	vld [tilespmem:s24+$0x8850]  }
0x89: {  	s25 =	simm.s32 $0x80;
	s26 =	simm.s32 $0x400;
	[tilespmem:s24+$0x6010] =	vst v6;
	v5 =	vld [tilespmem:s24+$0x8860]  }
.LBB2_8:
0x8a: {  	p0 =	sne.s32 s26, $0x9E00;
	v6 =	vld [tilespmem:s25+$0x8870];
	[tilespmem:s24+$0x6020] =	vst v3  }
0x8b: {  	v7 =	vld [tilespmem:s25+$0x8800];
	[tilespmem:s24+$0x6030] =	vst v1  }
0x8c: {  	v8 =	vld [tilespmem:s25+$0x8810];
	[tilespmem:s24+$0x6040] =	vst v2  }
.Ltmp3:
0x8d: {  	v3 =	vld [tilespmem:s25+$0x8820];
	[tilespmem:s24+$0x6050] =	vst v4;
	(pc) =	sbr.rel @p0 .LBB2_8-.Ltmp3, $4  }
0x8e: {  	v1 =	vld [tilespmem:s25+$0x8830];
	[tilespmem:s24+$0x6060] =	vst v5;
	s24 =	smov.u32 s25  }
0x8f: {  	v2 =	vld [tilespmem:s24+$0x8840];
	[tilespmem:s24+$0x6070] =	vst v6  }
0x90: {  	[tilespmem:s24+$0x6000] =	vst v7;
	v4 =	vld [tilespmem:s24+$0x8850]  }
0x91: {  	s25 =	sshra.s32 s26, $0x2;
	s26 =	sadd.s32 $0x200, s26;
	[tilespmem:s24+$0x6010] =	vst v8;
	v5 =	vld [tilespmem:s24+$0x8860]  }
0x92: {  	v6 =	vld [tilespmem:s25+$0x8870];
	[tilespmem:s24+$0x6020] =	vst v3  }
0x93: {  	v3 =	vld [tilespmem:s25+$0x8800];
	[tilespmem:s24+$0x6030] =	vst v1  }
0x94: {  	v1 =	vld [tilespmem:s25+$0x8810];
	[tilespmem:s24+$0x6040] =	vst v2  }
0x95: {  	v2 =	vld [tilespmem:s25+$0x8820];
	[tilespmem:s24+$0x6050] =	vst v4  }
0x96: {  	v4 =	vld [tilespmem:s25+$0x8830];
	[tilespmem:s24+$0x6060] =	vst v5  }
0x97: {  	v5 =	vld [tilespmem:s25+$0x8840];
	[tilespmem:s25+$0x6070] =	vst v6  }
0x98: {  	[tilespmem:s25+$0x6000] =	vst v3;
	v3 =	vld [tilespmem:s25+$0x8850]  }
0x99: {  	[tilespmem:s25+$0x6010] =	vst v1;
	v1 =	vld [tilespmem:s25+$0x8860]  }
0x9a: {  	[tilespmem:s25+$0x6020] =	vst v2  }
0x9b: {  	[tilespmem:s25+$0x6030] =	vst v4  }
0x9c: {  	s23 =	sadd.s32 $0x1, s23;
	[tilespmem:s25+$0x6040] =	vst v5  }
0x9d: {  	p0 =	sne.s32 s23, s11;
	[tilespmem:s25+$0x6050] =	vst v3  }
.Ltmp4:
0x9e: {  	[tilespmem:s25+$0x6060] =	vst v1;
	(pc) =	sbr.rel @p0 .LBB2_1-.Ltmp4, $4  }
0x9f: {  	[hbm4b:s10+s4] =	stream.linear.scatter [tilespmem:s12], [sflag:$0x4], $0x2800, $0x38;
	[tilespmem:$0x10000] =	vst v63  }
0xa0: {  	_ =	swait.ge [sflag:s16], $0x2800  }
0xa1: {  	[sflag:s16] =	ssyncset.done $0x0  }
0xa2: {  	[sflag:s16] =	ssyncadd.s32 $0xFFFFD800  }
0xa3: {  	_ =	sfence.sel $0x180000  }
0xa4: {  	[bflag:$0x0] =	sbarrier.arrive $0xFFFF  }
0xa5: {  	p0 =	sne.s32 s1, $0x0;
	_ =	strace $0x9000004D  }
0xa6: {  	s0 =	sadd.s32 @!p0 $0x100000, s0;
	[bflag:$0x2] =	sbarrier.arrive $0xFFFF  }
0xa7: {  	[sflag:s0] =	ssyncadd.tile.s32 @!p0 $0x1;
	_ =	shalt  }
.Lfunc_end2:
_tile_overlayer_lowered:
.L_overlay_start_2:
0xa8: {  	(tag) =	ssettag $0x2  }
0xa9: {  	s0 =	rddreg [dreg:$0x0];
	s2 =	stileid.u32  }
0xaa: {  	s1 =	rddreg [dreg:$0x1];
	p0 =	sne.s32 s2, $0x0  }
0xab: {  	s3 =	rddreg [dreg:$0x2];
	[bflag:$0x3] =	sbarrier.arrive $0xFFFF;
	s2 =	simm.s32 @!p0 $0x1C04  }
0xac: {  	[timem:s3], [sflag:s2] =	dma.local @!p0 [hbm:s0], s1  }
0xad: {  	s0 =	simm.s32 @!p0 $0x4  }
0xae: {  	_ =	swait.ge @!p0 [sflag:s0], s1  }
0xaf: {  	s1 =	ssub.s32 @!p0 $0x0, s1;
	[sflag:s0] =	ssyncset.done @!p0 $0x0  }
0xb0: {  	[sflag:s0] =	ssyncadd.s32 @!p0 s1  }
0xb1: {  	[bflag:$0x3] =	sbarrier.arrive $0xFFFF  }
0xb2: {  	_ =	shalt  }

// kernel: kernel.8.cloned.1.call-start
scs
__scs_entry_jumppad:
0x0: {  	(pc) =	sbr.rel $0x88, $3  }
0x1: {  	(tag) =	ssettag $0x0;
	lr =	simm.s32 $0x1  }
0x2: {  	[smem:$0x3F9B] =	sst lr;
	_ =	strace $0xD0000000  }
0x3: {  	_ = 	snop  }
0x4: {  	_ = 	snop  }
0x5: {  	_ = 	snop  }
0x6: {  	_ = 	snop  }
0x7: {  	_ = 	snop  }
__scs_overlays_trampoline_lowered:
0x8: {  	[smem:$0x3FAA] =	sst s0  }
0x9: {  	[smem:$0x3FAB] =	sst s1  }
0xa: {  	[smem:$0x3FAC] =	sst s2  }
0xb: {  	[smem:$0x3FAD] =	sst s3  }
0xc: {  	[smem:$0x3FAE] =	sst s4  }
0xd: {  	[smem:$0x3FAF] =	sst s5  }
0xe: {  	[smem:$0x3FB0] =	sst s6  }
0xf: {  	[smem:$0x3FB1] =	sst s7  }
0x10: {  	[smem:$0x3FB2] =	sst s8  }
0x11: {  	[smem:$0x3FB3] =	sst s9;
	s0 =	simm.s32 @!p0 $0x0  }
0x12: {  	s1 =	sld [smem:$0x3F99];
	s0 =	simm.s32 @p0 $0x1  }
0x13: {  	[smem:$0x3FB4] =	sst s0;
	s0 =	simm.s32 @!p1 $0x0  }
0x14: {  	s2 =	sld [smem:$0x3F98];
	s0 =	simm.s32 @p1 $0x1  }
0x15: {  	[smem:$0x3FB5] =	sst s0;
	s0 =	simm.s32 @!p2 $0x0  }
0x16: {  	s3 =	sld [smem:$0x3FDB];
	s0 =	simm.s32 @p2 $0x1  }
0x17: {  	s4 =	simm.s32 $0x1BF5;
	[smem:$0x3FB7] =	sst s0  }
0x18: {  	s0 =	sld [smem:$0x3F9A];
	_ =	swait.ge [sflag:s4], $0x0  }
0x19: {  	s7 =	sld [smem:$0x3F9B]  }
0x1a: {  	s8 =	sadd.s32 $0xFFFFE003, lr  }
0x1b: {  	s9 =	sadd.s32 $0xFFFFFEF7, lr;
	s5 =	simm.s32 $0xFFFFFFFF;
	p2 =	slt.u32 s8, $0xFFFFF086  }
0x1c: {  	p1 =	slt.u32 s9, $0xF7A;
	s5 =	simm.s32 @!p2 $0x0  }
0x1d: {  	s5 =	simm.s32 @p1 $0x1;
	p0 =	seq.s32 s7, s2  }
0x1e: {  	s7 =	smul.u32 @!p0 $0xF7A, s2;
	p2 =	seq.s32 @!p0 s5, $0x0  }
0x1f: {  	s9 =	smul.u32 $0xF7A, s1;
	s8 =	simm.s32 @!p0 $0x1BF5;
	p2 =	por !p2, p0  }
0x20: {  	[sflag:s8] =	ssyncset.s32 @!p0 $0xFFFFF086;
	s6 =	sadd.s32 @!p0 s3, s7;
	s7 =	simm.s32 @!p0 $0x108  }
0x21: {  	s3 =	sadd.s32 s3, s9;
	s6 =	sadd.s32 @!p0 $0x88, s6;
	s7 =	simm.s32 @p2 $0x1082  }
0x22: {  	[simem:s7], [sflag:s8] =	dma.local @!p0 [hbm:s6], $0xF7A  }
0x23: {  	s9 =	sor.u32 $0xD0000000, s2;
	s6 =	simm.s32 $0x108;
	_ =	swait.ge @!p0 [sflag:s8], $0x0  }
0x24: {  	s3 =	sadd.s32 $0x88, s3;
	s6 =	simm.s32 @!p1 $0x1082;
	[sflag:s4] =	ssyncset.s32 $0xFFFFF086  }
0x25: {  	[simem:s6], [sflag:s4] =	dma.local [hbm:s3], $0xF7A  }
0x26: {  	[smem:$0x3F9B] =	sst s1;
	(tag) =	ssettag s2;
	_ =	strace s9  }
0x27: {  	s1 =	sld [smem:$0x3FAB]  }
0x28: {  	s2 =	sld [smem:$0x3FAC]  }
0x29: {  	s4 =	sld [smem:$0x3FAE]  }
0x2a: {  	p0 =	seq.s32 s5, $0x0;
	s5 =	sld [smem:$0x3FAF]  }
0x2b: {  	s6 =	sld [smem:$0x3FB0]  }
0x2c: {  	s7 =	sld [smem:$0x3FB1]  }
0x2d: {  	s3 =	simm.s32 $0x108;
	s8 =	sld [smem:$0x3FB2]  }
0x2e: {  	s3 =	simm.s32 @!p0 $0x1082;
	s9 =	sld [smem:$0x3FB3]  }
0x2f: {  	lr =	sadd.s32 s0, s3;
	s0 =	sld [smem:$0x3FAA]  }
0x30: {  	s3 =	sld [smem:$0x3FAD]  }
0x31: {  	[smem:$0x3FB6] =	sst s10  }
0x32: {  	s10 =	sld [smem:$0x3FB4];
	_ =	sdelay $0x3  }
0x33: {  	p0 =	seq.s32 s10, $0x1;
	s10 =	sld [smem:$0x3FB6];
	_ =	sdelay $0x3  }
0x34: {  	[smem:$0x3FB6] =	sst s10  }
0x35: {  	s10 =	sld [smem:$0x3FB5];
	_ =	sdelay $0x3  }
0x36: {  	p1 =	seq.s32 s10, $0x1;
	s10 =	sld [smem:$0x3FB6];
	_ =	sdelay $0x3  }
0x37: {  	[smem:$0x3FB6] =	sst s10  }
0x38: {  	s10 =	sld [smem:$0x3FB7]  }
0x39: {  	_ = 	snop;
	(pc) =	sbr.ind lr, $3  }
0x3a: {  	_ = 	snop  }
0x3b: {  	_ = 	snop  }
0x3c: {  	p2 =	seq.s32 s10, $0x1;
	s10 =	sld [smem:$0x3FB6]  }
0x3d: {  	_ =	shalt  }
0x3e: {  	_ =	shalt  }
0x3f: {  	_ =	shalt  }
0x40: {  	_ =	shalt  }
0x41: {  	_ =	shalt  }
0x42: {  	_ =	shalt  }
0x43: {  	_ =	shalt  }
0x44: {  	_ =	shalt  }
0x45: {  	_ =	shalt  }
0x46: {  	_ =	shalt  }
0x47: {  	_ =	shalt  }
0x48: {  	_ =	shalt  }
0x49: {  	_ =	shalt  }
0x4a: {  	_ =	shalt  }
0x4b: {  	_ =	shalt  }
0x4c: {  	_ =	shalt  }
0x4d: {  	_ =	shalt  }
0x4e: {  	_ =	shalt  }
0x4f: {  	_ =	shalt  }
0x50: {  	_ =	shalt  }
0x51: {  	_ =	shalt  }
0x52: {  	_ =	shalt  }
0x53: {  	_ =	shalt  }
0x54: {  	_ =	shalt  }
0x55: {  	_ =	shalt  }
0x56: {  	_ =	shalt  }
0x57: {  	_ =	shalt  }
0x58: {  	_ =	shalt  }
0x59: {  	_ =	shalt  }
0x5a: {  	_ =	shalt  }
0x5b: {  	_ =	shalt  }
0x5c: {  	_ =	shalt  }
0x5d: {  	_ =	shalt  }
0x5e: {  	_ =	shalt  }
0x5f: {  	_ =	shalt  }
0x60: {  	_ =	shalt  }
0x61: {  	_ =	shalt  }
0x62: {  	_ =	shalt  }
0x63: {  	_ =	shalt  }
0x64: {  	_ =	shalt  }
0x65: {  	_ =	shalt  }
0x66: {  	_ =	shalt  }
0x67: {  	_ =	shalt  }
0x68: {  	_ =	shalt  }
0x69: {  	_ =	shalt  }
0x6a: {  	_ =	shalt  }
0x6b: {  	_ =	shalt  }
0x6c: {  	_ =	shalt  }
0x6d: {  	_ =	shalt  }
0x6e: {  	_ =	shalt  }
0x6f: {  	_ =	shalt  }
0x70: {  	_ =	shalt  }
0x71: {  	_ =	shalt  }
0x72: {  	_ =	shalt  }
0x73: {  	_ =	shalt  }
0x74: {  	_ =	shalt  }
0x75: {  	_ =	shalt  }
0x76: {  	_ =	shalt  }
0x77: {  	_ =	shalt  }
0x78: {  	_ =	shalt  }
0x79: {  	_ =	shalt  }
0x7a: {  	_ =	shalt  }
0x7b: {  	_ =	shalt  }
0x7c: {  	_ =	shalt  }
0x7d: {  	_ =	shalt  }
0x7e: {  	_ =	shalt  }
0x7f: {  	_ =	shalt  }
0x80: {  	_ =	shalt  }
0x81: {  	_ =	shalt  }
0x82: {  	_ =	shalt  }
0x83: {  	_ =	shalt  }
0x84: {  	_ =	shalt  }
0x85: {  	_ =	shalt  }
0x86: {  	_ =	shalt  }
0x87: {  	_ =	shalt  }
.Lfunc_end0:
.L_simem_size_0:
called_computation_lowered:
.L_overlay_start_0:
0x88: {  	s2 =	sld [smem:$0x3FD9]  }
0x89: {  	s3 =	sld [smem:$0x3FFE];
	_ =	sdelay $0x1  }
0x8a: {  	s1 =	srdreg.scid  }
0x8b: {  	s0 =	sand.u32 $0x1, s1  }
0x8c: {  	s17 =	sshll.u32 s0, $0xA;
	s2 =	sadd.s32 s3, s2  }
0x8d: {  	s2 =	sadd.s32 s2, s17  }
0x8e: {  	[smem:$0x3FC2] =	sst s2  }
0x8f: {  	_ = 	snop  }
0x90: {  	s2 =	sld [smem:$0x3FD0];
	(tm) =	ssettm $0x1  }
0x91: {  	s18 =	sld [smem:$0x3FFB];
	_ =	sdelay $0x3  }
0x92: {  	_ =	strace s18  }
0x93: {  	s3 =	sld [smem:$0x3FFC];
	_ =	sdelay $0x3  }
0x94: {  	_ =	strace s3  }
0x95: {  	s3 =	sld [smem:$0x3FFD];
	_ =	sdelay $0x3  }
0x96: {  	_ =	strace s3  }
0x97: {  	_ =	strace $0x8FFFFFFF  }
0x98: {  	s19 =	sld [smem:$0x3FDB];
	_ =	sdelay $0x1  }
0x99: {  	s4 =	simm.s32 $_scs_section_size  }
0x9a: {  	s5 =	simm.s32 $_size__tile_overlayer_lowered;
	s6 =	simm.s32 $_tile_overlayer_lowered  }
0x9b: {  	s22 =	simm.s32 $0x1BFF;
	s21 =	sshll.u32 s6, $0x1;
	s3 =	sadd.s32 s4, s19  }
0x9c: {  	s7 =	simm.s32 $0x0;
	s20 =	sshll.u32 s5, $0x1;
	s5 =	sadd.s32 s21, s3  }
0x9d: {  	[timem:s7], [sflag:s22] =	dma.local [hbm:s5], s20  }
0x9e: {  	_ =	swait.ge [sflag:s22], s20  }
0x9f: {  	s4 =	ssub.s32 $0x0, s20;
	[sflag:s22] =	ssyncset.done $0x0  }
0xa0: {  	[sflag:s22] =	ssyncadd.s32 s4;
	_ =	sdelay $0x1  }
0xa1: {  	s23 =	simm.s32 $0x1B8B  }
0xa2: {  	_ =	swait.ge [sflag:s23], $0x1  }
0xa3: {  	[sflag:s23] =	ssyncset.done $0x0  }
0xa4: {  	s25 =	simm.s32 $0x1B8E;
	s24 =	sld [smem:$0x3FFE];
	[sflag:s23] =	ssyncadd.s32 $0xFFFFFFFF  }
0xa5: {  	s26 =	simm.s32 $execute0_lowered;
	[smem:$0x3FD2] =	sst s25  }
0xa6: {  	s5 =	sshll.u32 s26, $0x1;
	_ =	strace $0x80000046;
	[dreg:$0x1] =	wrdreg $0xFFFFFFFF  }
0xa7: {  	s28 =	simm.s32 $_size_execute0_lowered;
	s3 =	sadd.s32 s3, s5;
	[dreg:$0x0] =	wrdreg $0x0  }
0xa8: {  	s5 =	sshll.u32 s28, $0x1;
	[dreg:$0x2] =	wrdreg s3  }
0xa9: {  	[dreg:$0x3] =	wrdreg s5  }
0xaa: {  	[dreg:$0x4] =	wrdreg $0xC0  }
0xab: {  	_ =	task [dreg:s7], $0x5FFFF  }
0xac: {  	[dreg:$0x1] =	wrdreg $0xFFFFFFFF  }
0xad: {  	[dreg:$0x0] =	wrdreg $0x60  }
0xae: {  	[dreg:$0x2] =	wrdreg s2  }
0xaf: {  	[dreg:$0x3] =	wrdreg s24  }
0xb0: {  	[dreg:$0x4] =	wrdreg $0x80000  }
0xb1: {  	[dreg:$0x5] =	wrdreg $0x9  }
0xb2: {  	_ =	task.clear_ibuf [dreg:s7], $0x6FFFF;
	_ =	strace $0x90000046  }
0xb3: {  	s29 =	simm.s32 $0x9;
	_ =	strace $0x80000048  }
0xb4: {  	_ =	swait.ge [sflag:s29], $0x1  }
0xb5: {  	[sflag:s29] =	ssyncadd.s32 $0xFFFFFFFF  }
0xb6: {  	_ =	strace $0x90000048  }
0xb7: {  	_ =	sfence  }
0xb8: {  	s30 =	sld [smem:$0x0];
	_ =	sdelay $0x2  }
0xb9: {  	s31 =	sshll.u32 s1, $0xD;
	s1 =	sshrl.u32 s1, $0x2  }
0xba: {  	s3 =	sand.u32 $0x4000, s31;
	s1 =	sadd.s32 s1, s30  }
0xbb: {  	s0 =	sor.u32 s3, s0;
	s1 =	sshll.u32 s1, $0x11  }
0xbc: {  	s0 =	sor.u32 s1, s0  }
0xbd: {  	s0 =	sadd.s32 $0x8F2B, s0  }
0xbe: {  	[sflag:s0] =	ssyncadd.remote.s32 $0x1  }
0xbf: {  	_ =	sfence.sel $0xFFFF  }
0xc0: {  	[dreg:$0x0] =	wrdreg $0xFFFFFFFF;
	(pc) =	sbr.abs _section_cstart, $3  }
0xc1: {  	[dreg:$0x1] =	wrdreg $0xFFFFFFFF  }
0xc2: {  	_ =	task.clear_ibuf [dreg:s7], $0x2FFFF;
	_ =	strace $0x9FFFFFFF  }
0xc3: {  	(tm) =	ssettm $0x7FFFFFFF  }
tec
execute0_lowered:
.L_overlay_start_1:
0x0: {  	(tag) =	ssettag $0x1  }
0x1: {  	s4 =	rddreg [dreg:$0x0]  }
0x2: {  	s5 =	rddreg [dreg:$0x1]  }
0x3: {  	s1 =	rddreg [dreg:$0x2];
	s2 =	srdreg.scid  }
0x4: {  	s0 =	rddreg [dreg:$0x3];
	s3 =	simm.s32 $0x0;
	s11 =	simm.s32 $0x80  }
0x5: {  	s12 =	simm.s32 $0x2800;
	s13 =	simm.s32 $0x3000;
	s6 =	sand.u32 $0x1, s2  }
0x6: {  	s14 =	simm.s32 $0x0;
	s2 =	stileid.u32;
	s7 =	smul.u32 $0x28000, s6  }
0x7: {  	[smem:$0x7FF] =	sst s3;
	s8 =	smul.u32 $0x2800, s2;
	s9 =	sshll.u32 s6, $0x4  }
0x8: {  	_ =	strace $0x80000047;
	s30 =	smul.u32 $0xA000, s2;
	s29 =	sor.u32 s2, s9  }
0x9: {  	s6 =	ssub.s32 $0x2, s6;
	s7 =	sadd.s32 s8, s7;
	s8 =	smul.u32 $0x500, s29  }
0xa: {  	s31 =	sshrl.u32 s6, $0x1;
	s9 =	sshrl.u32 s30, $0x2;
	s7 =	sshrl.u32 s7, $0x3  }
0xb: {  	s10 =	ssub.s32 s6, s31;
	s7 =	sadd.s32 s7, s5;
	s4 =	sadd.s32 s4, s8  }
0xc: {  	s5 =	sadd.s32 s9, s1;
	s8 =	simm.s32 $0x1;
	s9 =	simm.s32 $0x5800  }
0xd: {  	v0 =	vimm.f32 $0.0e+00;
	v1 =	vimm.f32 $1.000000000e+00;
	s6 =	sadd.s32 $0x2400, s7;
	s7 =	smax.u32 s10, $0x1;
	s10 =	simm.s32 $0x2  }
.LBB2_1:
0xe: {  	s15 =	simm.s32 $0x0  }
.LBB2_2:
0xf: {  	p0 =	sne.s32 s15, $0x9FC0  }
.Ltmp0:
0x10: {  	_ = 	snop;
	(pc) =	sbr.rel @p0 .LBB2_2-.Ltmp0, $3  }
0x11: {  	_ =	sdelay $0x1  }
0x12: {  	s16 =	sshra.s32 s15, $0x2  }
0x13: {  	s15 =	sadd.s32 $0x40, s15;
	[tilespmem:s16+$0x5800] =	vst v0  }
0x14: {  	s15 =	simm.s32 $0x40;
	s16 =	simm.s32 $0x0  }
.LBB2_4:
0x15: {  	p0 =	sne.s32 s15, $0x1FC0;
	[tilespmem:s16+$0x2800] =	vst v1;
	s16 =	smov.u32 s15;
	s15 =	sadd.s32 $0x40, s15  }
.Ltmp1:
0x16: {  	(pc) =	sbr.rel @p0 .LBB2_4-.Ltmp1, $2  }
0x17: {  	_ =	sdelay $0x2  }
0x18: {  	s16 =	sshra.s32 s16, $0x2  }
0x19: {  	[tilespmem:s16+$0x2800] =	vst v1;
	s15 =	simm.s32 $0x0  }
0x1a: {  	[tilespmem:s15], [sflag:$0x1] =	stream.linear.gather [hbm4b:s4+s15], $0x2800, $0x38;
	[tilespmem:$0xA800] =	vst v63  }
0x1b: {  	_ =	swait.ge [sflag:s8], $0x2800  }
0x1c: {  	[sflag:s8] =	ssyncset.done $0x0  }
0x1d: {  	[sflag:s8] =	ssyncadd.s32 $0xFFFFD800  }
0x1e: {  	[spmem:s5] =	stream.linear.scatter [tilespmem:s9], [sflag:$0x2], $0x2800, $0x38;
	[tilespmem:$0xA800] =	vst v63  }
0x1f: {  	_ =	swait.ge [sflag:s10], $0x2800  }
0x20: {  	[sflag:s10] =	ssyncset.done $0x0  }
0x21: {  	[sflag:s10] =	ssyncadd.s32 $0xFFFFD800  }
0x22: {  	[bflag:$0x0] =	sbarrier.arrive $0xFFFF  }
.LBB2_6:
0x23: {  	p0 =	sne.s32 s15, $0x9E00  }
.Ltmp2:
0x24: {  	_ = 	snop;
	(pc) =	sbr.rel @p0 .LBB2_6-.Ltmp2, $3  }
0x25: {  	_ =	sdelay $0x1  }
0x26: {  	s16 =	sshra.s32 s15, $0x2;
	s15 =	sadd.s32 $0x200, s15  }
0x27: {  	[spmem:s1] =	stream.indirect.scatter.add.f32 [tilespmem:s12], [sflag:$0x1], $0x10, s16, s11, $0xb8;
	[tilespmem:$0xA800] =	vst v63  }
0x28: {  	_ =	swait.ge [sflag:s8], $0x800  }
0x29: {  	s15 =	simm.s32 $0x4F;
	[sflag:s8] =	ssyncset.done $0x0  }
.LBB2_8:
0x2a: {  	p0 =	sne.s32 s15, $0x1;
	s15 =	sadd.s32 $0xFFFFFFFF, s15;
	[sflag:s8] =	ssyncadd.s32 $0xFFFFF800  }
.Ltmp3:
0x2b: {  	(pc) =	sbr.rel @p0 .LBB2_8-.Ltmp3, $3  }
0x2c: {  	_ =	sdelay $0x1  }
0x2d: {  	_ =	swait.ge [sflag:s8], $0x800  }
0x2e: {  	[sflag:s8] =	ssyncset.done $0x0  }
0x2f: {  	[sflag:s8] =	ssyncadd.s32 $0xFFFFF800  }
0x30: {  	[bflag:$0x0] =	sbarrier.arrive $0xFFFF  }
0x31: {  	[tilespmem:s9], [sflag:$0x2] =	stream.linear.gather [spmem:s5], $0x2800, $0x38;
	[tilespmem:$0xA800] =	vst v63  }
0x32: {  	_ =	swait.ge [sflag:s10], $0x2800  }
0x33: {  	[sflag:s10] =	ssyncset.done $0x0  }
0x34: {  	s15 =	simm.s32 $0x0;
	[sflag:s10] =	ssyncadd.s32 $0xFFFFD800  }
0x35: {  	v5 =	vld [tilespmem:s15+$0x5870]  }
0x36: {  	v6 =	vld [tilespmem:s15+$0x5800]  }
0x37: {  	v7 =	vld [tilespmem:s15+$0x5810]  }
0x38: {  	v4 =	vld [tilespmem:s15+$0x5820]  }
0x39: {  	v2 =	vld [tilespmem:s15+$0x5830]  }
0x3a: {  	v3 =	vld [tilespmem:s15+$0x5840];
	[tilespmem:s15+$0x3070] =	vst v5  }
0x3b: {  	[tilespmem:s15+$0x3000] =	vst v6;
	v5 =	vld [tilespmem:s15+$0x5850]  }
0x3c: {  	s16 =	simm.s32 $0x80;
	s17 =	simm.s32 $0x400;
	[tilespmem:s15+$0x3010] =	vst v7;
	v6 =	vld [tilespmem:s15+$0x5860]  }
.LBB2_10:
0x3d: {  	p0 =	sne.s32 s17, $0x9E00;
	v7 =	vld [tilespmem:s16+$0x5870];
	[tilespmem:s15+$0x3020] =	vst v4  }
0x3e: {  	v8 =	vld [tilespmem:s16+$0x5800];
	[tilespmem:s15+$0x3030] =	vst v2  }
0x3f: {  	v9 =	vld [tilespmem:s16+$0x5810];
	[tilespmem:s15+$0x3040] =	vst v3  }
.Ltmp4:
0x40: {  	v4 =	vld [tilespmem:s16+$0x5820];
	[tilespmem:s15+$0x3050] =	vst v5;
	(pc) =	sbr.rel @p0 .LBB2_10-.Ltmp4, $4  }
0x41: {  	v2 =	vld [tilespmem:s16+$0x5830];
	[tilespmem:s15+$0x3060] =	vst v6;
	s15 =	smov.u32 s16  }
0x42: {  	v3 =	vld [tilespmem:s15+$0x5840];
	[tilespmem:s15+$0x3070] =	vst v7  }
0x43: {  	[tilespmem:s15+$0x3000] =	vst v8;
	v5 =	vld [tilespmem:s15+$0x5850]  }
0x44: {  	s16 =	sshra.s32 s17, $0x2;
	s17 =	sadd.s32 $0x200, s17;
	[tilespmem:s15+$0x3010] =	vst v9;
	v6 =	vld [tilespmem:s15+$0x5860]  }
0x45: {  	v7 =	vld [tilespmem:s16+$0x5870];
	[tilespmem:s15+$0x3020] =	vst v4  }
0x46: {  	v4 =	vld [tilespmem:s16+$0x5800];
	[tilespmem:s15+$0x3030] =	vst v2  }
0x47: {  	v2 =	vld [tilespmem:s16+$0x5810];
	[tilespmem:s15+$0x3040] =	vst v3  }
0x48: {  	v3 =	vld [tilespmem:s16+$0x5820];
	[tilespmem:s15+$0x3050] =	vst v5  }
0x49: {  	v5 =	vld [tilespmem:s16+$0x5830];
	[tilespmem:s15+$0x3060] =	vst v6  }
0x4a: {  	v6 =	vld [tilespmem:s16+$0x5840];
	[tilespmem:s16+$0x3070] =	vst v7  }
0x4b: {  	v63 =	vld [tilespmem:s16+$0x5850];
	[tilespmem:s16+$0x3000] =	vst v4  }
0x4c: {  	[tilespmem:s16+$0x3010] =	vst v2;
	v2 =	vld [tilespmem:s16+$0x5860]  }
0x4d: {  	[tilespmem:s16+$0x3020] =	vst v3  }
0x4e: {  	[tilespmem:s16+$0x3030] =	vst v5  }
0x4f: {  	s14 =	sadd.s32 $0x1, s14;
	[tilespmem:s16+$0x3040] =	vst v6  }
0x50: {  	p0 =	sne.s32 s14, s7;
	[tilespmem:s16+$0x3050] =	vst v63  }
.Ltmp5:
0x51: {  	[tilespmem:s16+$0x3060] =	vst v2;
	(pc) =	sbr.rel @p0 .LBB2_1-.Ltmp5, $4  }
0x52: {  	[hbm4b:s6+s3] =	stream.linear.scatter [tilespmem:s13], [sflag:$0x2], $0x2800, $0x38;
	[tilespmem:$0xA800] =	vst v63  }
0x53: {  	_ =	swait.ge [sflag:s10], $0x2800  }
0x54: {  	[sflag:s10] =	ssyncset.done $0x0  }
0x55: {  	[sflag:s10] =	ssyncadd.s32 $0xFFFFD800  }
0x56: {  	_ =	sfence.sel $0x180000  }
0x57: {  	[bflag:$0x0] =	sbarrier.arrive $0xFFFF  }
0x58: {  	p0 =	sne.s32 s2, $0x0;
	_ =	strace $0x90000047  }
0x59: {  	s0 =	sadd.s32 @!p0 $0x100000, s0;
	[bflag:$0x2] =	sbarrier.arrive $0xFFFF  }
0x5a: {  	[sflag:s0] =	ssyncadd.tile.s32 @!p0 $0x1;
	_ =	shalt  }
.Lfunc_end2:
_tile_overlayer_lowered:
.L_overlay_start_2:
0x5b: {  	(tag) =	ssettag $0x2  }
0x5c: {  	s0 =	rddreg [dreg:$0x0];
	s2 =	stileid.u32  }
0x5d: {  	s1 =	rddreg [dreg:$0x1];
	p0 =	sne.s32 s2, $0x0  }
0x5e: {  	s3 =	rddreg [dreg:$0x2];
	[bflag:$0x3] =	sbarrier.arrive $0xFFFF;
	s2 =	simm.s32 @!p0 $0x1C02  }
0x5f: {  	[timem:s3], [sflag:s2] =	dma.local @!p0 [hbm:s0], s1  }
0x60: {  	s0 =	simm.s32 @!p0 $0x2  }
0x61: {  	_ =	swait.ge @!p0 [sflag:s0], s1  }
0x62: {  	s1 =	ssub.s32 @!p0 $0x0, s1;
	[sflag:s0] =	ssyncset.done @!p0 $0x0  }
0x63: {  	[sflag:s0] =	ssyncadd.s32 @!p0 s1  }
0x64: {  	[bflag:$0x3] =	sbarrier.arrive $0xFFFF  }
0x65: {  	_ =	shalt  }

</sc_bundles>
